<compile_context>
chip_gen: v7x
topology: tpu7x:2x2x1
jax: 0.10.2.dev20260603
libtpu: 0.0.44.dev20260713+nightly
codegen_flags: <defaults>
</compile_context>

<pallas_src>
import functools

import jax
import jax.numpy as jnp
from jax import lax
from jax.experimental import pallas as pl
from jax.experimental.pallas import tpu as pltpu
from jax.experimental.pallas import tpu_sc as plsc

D = 128
FF = 512
B, N, K = 2, 4096, 36
SCALE = 36.0
BN = B * N
R = B * N * K
TB = 128
TE = TB * K
GRID = BN // TB
NPB = N // TB

_gelu = jax.nn.gelu


def _ln(x, g, b):
    m = jnp.mean(x, -1, keepdims=True)
    v = jnp.mean((x - m) ** 2, -1, keepdims=True)
    return (x - m) / jnp.sqrt(v + 1e-5) * g + b


def _full(shape):
    return pl.BlockSpec(shape, lambda i: (0,) * len(shape))


def _tca_body(hv, w1a, b1, w1c, a1, hv3):
    x = hv[...]
    a1[...] = jnp.dot(x, w1a[...], preferred_element_type=jnp.float32) + b1[...]
    hv3[...] = jnp.dot(x, w1c[...], preferred_element_type=jnp.float32)


def _tc_a(hv, w1a, b1, w1c):
    t = 1024
    return pl.pallas_call(
        _tca_body,
        grid=(BN // t,),
        in_specs=[
            pl.BlockSpec((t, D), lambda i: (i, 0)),
            _full((D, D)), _full((1, D)), _full((D, D)),
        ],
        out_specs=[pl.BlockSpec((t, D), lambda i: (i, 0))] * 2,
        out_shape=[jax.ShapeDtypeStruct((BN, D), jnp.float32)] * 2,
    )(hv, w1a, b1, w1c)


def _tcb_body(hv, a1, he, g1, m_att, mask_v,
              w1b, w2, b2, w3, b3, win, bin_, wout, bout,
              ln1g, ln1b, ln2g, ln2b, w11a, b11, w11c,
              h_mid, a2, hv3b):
    he2 = he[...].reshape(TE, D)
    e1 = jnp.dot(he2, w1b[...], preferred_element_type=jnp.float32)
    x = (e1 + g1[...]).reshape(K, TB, D) + a1[...][None, :, :]
    u = _gelu(x).reshape(TE, D)
    u = _gelu(jnp.dot(u, w2[...], preferred_element_type=jnp.float32) + b2[...])
    m3 = m_att[...][0][:, :, None]
    u3 = u.reshape(K, TB, D) * m3
    usum = jnp.sum(u3, axis=0)
    msum = jnp.sum(m3, axis=0)
    dh = (jnp.dot(usum, w3[...], preferred_element_type=jnp.float32)
          + b3[...] * msum) / SCALE
    h = _ln(hv[...] + dh, ln1g[...], ln1b[...])
    f = _gelu(jnp.dot(h, win[...], preferred_element_type=jnp.float32) + bin_[...])
    dh2 = jnp.dot(f, wout[...], preferred_element_type=jnp.float32) + bout[...]
    h = _ln(h + dh2, ln2g[...], ln2b[...]) * mask_v[...]
    h_mid[...] = h
    a2[...] = jnp.dot(h, w11a[...], preferred_element_type=jnp.float32) + b11[...]
    hv3b[...] = jnp.dot(h, w11c[...], preferred_element_type=jnp.float32)


def _tc_b(hv, a1, he, g1, m_att, mask_v, p):
    return pl.pallas_call(
        _tcb_body,
        grid=(GRID,),
        in_specs=[
            pl.BlockSpec((TB, D), lambda i: (i, 0)),
            pl.BlockSpec((TB, D), lambda i: (i, 0)),
            pl.BlockSpec((1, K, TB, D), lambda i: (i // NPB, 0, i % NPB, 0)),
            pl.BlockSpec((TE, D), lambda i: (i, 0)),
            pl.BlockSpec((1, K, TB), lambda i: (i, 0, 0)),
            pl.BlockSpec((TB, 1), lambda i: (i, 0)),
            _full((D, D)), _full((D, D)), _full((1, D)), _full((D, D)),
            _full((1, D)), _full((D, FF)), _full((1, FF)), _full((FF, D)),
            _full((1, D)), _full((1, D)), _full((1, D)), _full((1, D)),
            _full((1, D)), _full((D, D)), _full((1, D)), _full((D, D)),
        ],
        out_specs=[pl.BlockSpec((TB, D), lambda i: (i, 0))] * 3,
        out_shape=[jax.ShapeDtypeStruct((BN, D), jnp.float32)] * 3,
    )(hv, a1, he, g1, m_att, mask_v,
      p['w1b'], p['w2'], p['b2'], p['w3'], p['b3'],
      p['win'], p['bin'], p['wout'], p['bout'],
      p['ln1g'], p['ln1b'], p['ln2g'], p['ln2b'],
      p['w11a'], p['b11'], p['w11c'])


def _tcc_body(he, g2, a2, m_att, w11b, w12, b12, w13, b13, ln3g, ln3b,
              he_out, neigh):
    hee = he[...].reshape(TE, D)
    e2 = jnp.dot(hee, w11b[...], preferred_element_type=jnp.float32)
    x = (e2 + g2[...]).reshape(K, TB, D) + a2[...][None, :, :]
    u = _gelu(x).reshape(TE, D)
    u = _gelu(jnp.dot(u, w12[...], preferred_element_type=jnp.float32) + b12[...])
    msg2 = jnp.dot(u, w13[...], preferred_element_type=jnp.float32) + b13[...]
    ho = _ln(hee + msg2, ln3g[...], ln3b[...])
    he_out[...] = ho.reshape(1, K, TB, D)
    m3 = m_att[...][0][:, :, None]
    neigh[...] = (ho.reshape(K, TB, D) * m3).reshape(TE, D)


def _tc_c(he, g2, a2, m_att, p):
    return pl.pallas_call(
        _tcc_body,
        grid=(GRID,),
        in_specs=[
            pl.BlockSpec((1, K, TB, D), lambda i: (i // NPB, 0, i % NPB, 0)),
            pl.BlockSpec((TE, D), lambda i: (i, 0)),
            pl.BlockSpec((TB, D), lambda i: (i, 0)),
            pl.BlockSpec((1, K, TB), lambda i: (i, 0, 0)),
            _full((D, D)), _full((D, D)), _full((1, D)), _full((D, D)),
            _full((1, D)), _full((1, D)), _full((1, D)),
        ],
        out_specs=[
            pl.BlockSpec((1, K, TB, D), lambda i: (i // NPB, 0, i % NPB, 0)),
            pl.BlockSpec((TE, D), lambda i: (i, 0)),
        ],
        out_shape=[jax.ShapeDtypeStruct((B, K, N, D), jnp.float32),
                   jax.ShapeDtypeStruct((R, D), jnp.float32)],
    )(he, g2, a2, m_att,
      p['w11b'], p['w12'], p['b12'], p['w13'], p['b13'],
      p['ln3g'], p['ln3b'])


def _tcd_body(vals, cnts, h_mid, t1w, t1b, t2w, t2b,
              ln4g, ln4b, ln5g, ln5b, out):
    v = vals[...]
    c = cnts[...]
    c = jnp.where(c == 0.0, 1.0, c)
    ne = _ln(v / c, ln4g[...], ln4b[...])
    t = jax.nn.relu(jnp.dot(ne, t1w[...], preferred_element_type=jnp.float32)
                    + t1b[...])
    t = jnp.dot(t, t2w[...], preferred_element_type=jnp.float32) + t2b[...]
    ne = _ln(ne + t, ln5g[...], ln5b[...])
    out[...] = h_mid[...] + ne


def _tc_d(vals_p, cnts_p, h_mid, p):
    t = 512
    return pl.pallas_call(
        _tcd_body,
        grid=(BN // t,),
        in_specs=[
            pl.BlockSpec((t, D), lambda i: (i, 0)),
            pl.BlockSpec((t, D), lambda i: (i, 0)),
            pl.BlockSpec((t, D), lambda i: (i, 0)),
            _full((D, D)), _full((1, D)), _full((D, D)), _full((1, D)),
            _full((1, D)), _full((1, D)), _full((1, D)), _full((1, D)),
        ],
        out_specs=pl.BlockSpec((t, D), lambda i: (i, 0)),
        out_shape=jax.ShapeDtypeStruct((BN, D), jnp.float32),
    )(vals_p, cnts_p, h_mid,
      p['t1w'], p['t1b'], p['t2w'], p['t2b'],
      p['ln4g'], p['ln4b'], p['ln5g'], p['ln5b'])


NW = 32
EPT = R // NW
CH = 128
NCH = EPT // CH


def _sc_gather(table, idx2d):
    mesh = plsc.VectorSubcoreMesh(core_axis_name="c", subcore_axis_name="s",
                                  num_cores=2, num_subcores=16)

    @functools.partial(
        pl.kernel, mesh=mesh,
        out_type=jax.ShapeDtypeStruct((R, D), jnp.float32),
        scratch_types=[
            pltpu.VMEM((NCH, CH), jnp.int32),
            pltpu.VMEM((2, CH, D), jnp.float32),
            pltpu.SemaphoreType.DMA,
            pltpu.SemaphoreType.DMA,
        ],
    )
    def k(table_hbm, idx_hbm, out_hbm, idx_v, buf, gsem, wsem):
        wid = lax.axis_index("s") * 2 + lax.axis_index("c")
        base = wid * EPT
        pltpu.sync_copy(idx_hbm.at[pl.ds(wid * NCH, NCH)], idx_v)
        pltpu.async_copy(table_hbm.at[idx_v.at[0]], buf.at[0], gsem).wait()

        def body(j, _):
            slot = lax.rem(j, 2)
            nxt = lax.rem(j + 1, 2)
            jn = lax.min(j + 1, NCH - 1)
            h = pltpu.async_copy(table_hbm.at[idx_v.at[jn]], buf.at[nxt], gsem)
            pltpu.async_copy(
                buf.at[slot], out_hbm.at[pl.ds(base + j * CH, CH)], wsem).wait()
            h.wait()
            return 0

        lax.fori_loop(0, NCH, body, 0)

    return k(table, idx2d)


def _sc_scatter(neigh, idx2d, z128, ones128):
    mesh = plsc.VectorSubcoreMesh(core_axis_name="c", subcore_axis_name="s",
                                  num_cores=2, num_subcores=16)
    RPS = BN // 16
    EPT2 = R // 16
    NCH2 = EPT2 // CH

    @functools.partial(
        pl.kernel, mesh=mesh,
        out_type=[jax.ShapeDtypeStruct((BN, D), jnp.float32),
                  jax.ShapeDtypeStruct((BN, D), jnp.float32)],
        scratch_types=[
            pltpu.VMEM_SHARED((BN, D), jnp.float32),
            pltpu.VMEM((NCH2, CH), jnp.int32),
            pltpu.VMEM((2, CH, D), jnp.float32),
            pltpu.SemaphoreType.DMA,
        ],
    )
    def k(neigh_hbm, idx_hbm, z128_hbm, ones_hbm,
          vals_out, cnts_out,
          acc_sh, idx_v, rowbuf, lsem):
        cc = lax.axis_index("c")
        ss = lax.axis_index("s")
        pltpu.sync_copy(z128_hbm.at[pl.ds(ss * RPS, RPS)],
                        acc_sh.at[pl.ds(ss * RPS, RPS)])
        pltpu.sync_copy(idx_hbm.at[pl.ds(ss * NCH2, NCH2)], idx_v)

        @pl.when(cc == 1)
        def _():
            pltpu.sync_copy(ones_hbm, rowbuf.at[0])

        plsc.subcore_barrier()

        @pl.when(cc == 0)
        def _():
            pltpu.async_copy(neigh_hbm.at[pl.ds(ss * EPT2, CH)],
                             rowbuf.at[0], lsem).wait()

            def body(j, _):
                slot = lax.rem(j, 2)
                nxt = lax.rem(j + 1, 2)
                jn = lax.min(j + 1, NCH2 - 1)
                h = pltpu.async_copy(
                    neigh_hbm.at[pl.ds(ss * EPT2 + jn * CH, CH)],
                    rowbuf.at[nxt], lsem)
                pltpu.sync_copy(rowbuf.at[slot], acc_sh.at[idx_v.at[j]],
                                add=True)
                h.wait()
                return 0
            lax.fori_loop(0, NCH2, body, 0)

        @pl.when(cc == 1)
        def _():
            def body(j, _):
                pltpu.sync_copy(rowbuf.at[0], acc_sh.at[idx_v.at[j]],
                                add=True)
                return 0
            lax.fori_loop(0, NCH2, body, 0)

        plsc.subcore_barrier()
        for q in range(RPS // CH):
            r0 = ss * RPS + q * CH

            @pl.when(cc == 0)
            def _():
                pltpu.sync_copy(acc_sh.at[pl.ds(r0, CH)], rowbuf.at[0])
                pltpu.sync_copy(rowbuf.at[0], vals_out.at[pl.ds(r0, CH)])

            @pl.when(cc == 1)
            def _():
                pltpu.sync_copy(acc_sh.at[pl.ds(r0, CH)], rowbuf.at[0])
                pltpu.sync_copy(rowbuf.at[0], cnts_out.at[pl.ds(r0, CH)])

    return k(neigh, idx2d, z128, ones128)


def _gather_rows(table, idx2d):
    return jnp.take(table, idx2d.reshape(-1), axis=0)


def _scatter_mean_parts(neigh, idx2d):
    flat = idx2d.reshape(-1)
    vals = jnp.zeros((BN, D), jnp.float32).at[flat].add(neigh)
    cnts = jnp.zeros((BN,), jnp.float32).at[flat].add(1.0)
    return vals[None], cnts[None, :, None]


def kernel(h_V, h_E, mask_V, mask_attend, params, E_idx):
    p = dict(params)
    hv = h_V.reshape(BN, D)
    he_t = h_E.transpose(0, 2, 1, 3)
    m_att = (mask_attend.reshape(B, NPB, TB, K).transpose(0, 1, 3, 2)
             .reshape(GRID, K, TB))
    mask_v = mask_V.reshape(BN, 1)
    flat_idx = (E_idx.astype(jnp.int32)
                + (jnp.arange(B, dtype=jnp.int32) * N)[:, None, None])
    idx2d = (flat_idx.reshape(B, NPB, TB, K).transpose(0, 1, 3, 2)
             .reshape(R // 128, 128))

    p['w1a'], p['w1b'], p['w1c'] = p['w1'][:D], p['w1'][D:2 * D], p['w1'][2 * D:]
    p['w11a'], p['w11b'], p['w11c'] = (p['w11'][:D], p['w11'][D:2 * D],
                                       p['w11'][2 * D:])
    for k in ('b1', 'b2', 'b3', 'b11', 'b12', 'b13', 'bin', 'bout',
              't1b', 't2b', 'ln1g', 'ln1b', 'ln2g', 'ln2b', 'ln3g', 'ln3b',
              'ln4g', 'ln4b', 'ln5g', 'ln5b'):
        p[k] = p[k].reshape(1, -1)

    z128 = jnp.zeros((BN, D), jnp.float32)
    ones128 = jnp.ones((CH, D), jnp.float32)

    a1, hv3 = _tc_a(hv, p['w1a'], p['b1'], p['w1c'])
    g1 = _sc_gather(hv3, idx2d)
    h_mid, a2, hv3b = _tc_b(hv, a1, he_t, g1, m_att, mask_v, p)
    g2 = _sc_gather(hv3b, idx2d)
    he_out_t, neigh = _tc_c(he_t, g2, a2, m_att, p)
    vals, cnts = _sc_scatter(neigh, idx2d, z128, ones128)
    hv_out = _tc_d(vals, cnts, h_mid, p)
    return hv_out.reshape(B, N, D), he_out_t.transpose(0, 2, 1, 3)

# --- scband reference (transcript-rebuilt; emitter-appended) ---
"""Pipeline reference for scband-graph-25211458027671 (READ-ONLY COPY).

The authoritative reference and input builder live on the scoring server;
editing this copy changes nothing except your own understanding.
"""

import jax, jax.numpy as jnp
import numpy as np

D = 128
FF = 512
DIN = 3 * D
B, N, K = 2, 4096, 36
SCALE = 36.0


def _gather_nodes(nodes, idx):
    Bb, Nn, Kk = idx.shape
    flat = idx.reshape(Bb, Nn * Kk)
    g = jnp.take_along_axis(nodes, flat[:, :, None], axis=1)
    return g.reshape(Bb, Nn, Kk, nodes.shape[-1])


def _u2(nodes, neigh, idx):
    Bb, Nn, Kk, C = neigh.shape
    flat_idx = (idx + jnp.arange(Bb)[:, None, None] * Nn).reshape(-1)
    flat_feat = neigh.reshape(Bb * Nn * Kk, C)
    upd = jnp.zeros((Bb * Nn, C), neigh.dtype).at[flat_idx].add(flat_feat)
    counts = jnp.zeros((Bb * Nn,), neigh.dtype).at[flat_idx].add(1.0)
    counts = jnp.where(counts == 0, 1.0, counts)
    return (upd / counts[:, None]).reshape(Bb, Nn, C)


def _ln(x, g, b):
    m = jnp.mean(x, -1, keepdims=True)
    v = jnp.mean((x - m) ** 2, -1, keepdims=True)
    return (x - m) / jnp.sqrt(v + 1e-5) * g + b


def setup_inputs(seed: int = 0):
    key = jax.random.key(seed)
    ks = jax.random.split(key, 40)

    def w(k, shape, fan_in):
        return jax.random.normal(k, shape, jnp.float32) * (1.0 / np.sqrt(fan_in))

    params = {
        'w1': w(ks[0], (DIN, D), DIN), 'b1': jnp.zeros((D,), jnp.float32),
        'w2': w(ks[1], (D, D), D), 'b2': jnp.zeros((D,), jnp.float32),
        'w3': w(ks[2], (D, D), D), 'b3': jnp.zeros((D,), jnp.float32),
        'w11': w(ks[3], (DIN, D), DIN), 'b11': jnp.zeros((D,), jnp.float32),
        'w12': w(ks[4], (D, D), D), 'b12': jnp.zeros((D,), jnp.float32),
        'w13': w(ks[5], (D, D), D), 'b13': jnp.zeros((D,), jnp.float32),
        'win': w(ks[6], (D, FF), D), 'bin': jnp.zeros((FF,), jnp.float32),
        'wout': w(ks[7], (FF, D), FF), 'bout': jnp.zeros((D,), jnp.float32),
        't1w': w(ks[8], (D, D), D), 't1b': jnp.zeros((D,), jnp.float32),
        't2w': w(ks[9], (D, D), D), 't2b': jnp.zeros((D,), jnp.float32),
        'ln1g': jnp.ones((D,), jnp.float32), 'ln1b': jnp.zeros((D,), jnp.float32),
        'ln2g': jnp.ones((D,), jnp.float32), 'ln2b': jnp.zeros((D,), jnp.float32),
        'ln3g': jnp.ones((D,), jnp.float32), 'ln3b': jnp.zeros((D,), jnp.float32),
        'ln4g': jnp.ones((D,), jnp.float32), 'ln4b': jnp.zeros((D,), jnp.float32),
        'ln5g': jnp.ones((D,), jnp.float32), 'ln5b': jnp.zeros((D,), jnp.float32),
    }
    h_V = jax.random.normal(ks[20], (B, N, D), jnp.float32)
    h_E = jax.random.normal(ks[21], (B, N, K, D), jnp.float32)
    E_idx = jax.random.randint(ks[22], (B, N, K), 0, N)
    mask_V = jnp.ones((B, N), jnp.float32)
    mask_attend = jnp.ones((B, N, K), jnp.float32)
    return {'h_V': h_V, 'h_E': h_E, 'mask_V': mask_V,
            'mask_attend': mask_attend, 'params': params, 'E_idx': E_idx}


def _forward(h_V, h_E, mask_V, mask_attend, params, E_idx):
    p = params
    lin = lambda x, wk, bk: x @ p[wk] + p[bk]
    gelu = jax.nn.gelu
    # message block 1: gather neighbor node states, concat [h_i, e_ij, h_j]
    h_nodes = _gather_nodes(h_V, E_idx)
    h_exp = jnp.broadcast_to(h_V[:, :, None, :], h_nodes.shape)
    h_EV = jnp.concatenate([h_exp, h_E, h_nodes], -1)
    msg = lin(gelu(lin(gelu(lin(h_EV, 'w1', 'b1')), 'w2', 'b2')), 'w3', 'b3')
    msg = msg * mask_attend[..., None]
    dh = jnp.sum(msg, -2) / SCALE
    h_V = _ln(h_V + dh, p['ln1g'], p['ln1b'])
    # position-wise FFN (dropout is identity in eval mode)
    dh = lin(gelu(lin(h_V, 'win', 'bin')), 'wout', 'bout')
    h_V = _ln(h_V + dh, p['ln2g'], p['ln2b'])
    h_V = h_V * mask_V[..., None]
    # edge update block
    h_nodes = _gather_nodes(h_V, E_idx)
    h_exp = jnp.broadcast_to(h_V[:, :, None, :], h_nodes.shape)
    h_EV = jnp.concatenate([h_exp, h_E, h_nodes], -1)
    msg2 = lin(gelu(lin(gelu(lin(h_EV, 'w11', 'b11')), 'w12', 'b12')), 'w13', 'b13')
    h_E = _ln(h_E + msg2, p['ln3g'], p['ln3b'])
    # neighbor aggregation (u2 scatter-mean) + transition, residual into h_V
    neigh = h_E * mask_attend[..., None]
    agg = _u2(h_V, neigh, E_idx)
    ne = _ln(agg, p['ln4g'], p['ln4b'])
    ne = _ln(ne + lin(jax.nn.relu(lin(ne, 't1w', 't1b')), 't2w', 't2b'), p['ln5g'], p['ln5b'])
    h_V = h_V + ne
    return h_V, h_E


def reference(h_V, h_E, mask_V, mask_attend, params, E_idx):
    return _forward(h_V, h_E, mask_V, mask_attend, params, E_idx)

if __name__ == "__main__":
    import jax
    _d = setup_inputs()
    print(jax.jit(kernel)(*tuple(_d.values())))

</pallas_src>

<mosaic_0001>
#map = affine_map<(d0, d1) -> (0, 0)>
module attributes {stable_mosaic.version = 14 : i64} {
  func.func @k(%arg0: i32, %arg1: i32, %arg2: memref<294912x128xf32, #tpu.memory_space<hbm>>, %arg3: memref<2304x128xi32, #tpu.memory_space<hbm>>, %arg4: memref<8192x128xf32, #tpu.memory_space<hbm>>, %arg5: memref<128x128xf32, #tpu.memory_space<hbm>>, %arg6: memref<8192x128xf32, #tpu.memory_space<hbm>>, %arg7: memref<8192x128xf32, #tpu.memory_space<hbm>>, %arg8: memref<8192x128xf32, #tpu.memory_space<vmem_shared>>, %arg9: memref<144x128xi32, #tpu.memory_space<vmem>>, %arg10: memref<2x128x128xf32, #tpu.memory_space<vmem>>, %arg11: memref<!tpu.dma_semaphore, #tpu.memory_space<semaphore_mem>>) attributes {dimension_semantics = [#tpu.dimension_semantics<core_parallel>, #tpu.dimension_semantics<subcore_parallel>], iteration_bounds = array<i64: 2, 16>, scalar_prefetch = 0 : i64, scratch_operands = 4 : i64, tpu.core_type = #tpu.core_type<sc_vector_subcore>, window_params = [{transform_indices = #map}, {transform_indices = #map}, {transform_indices = #map}, {transform_indices = #map}, {transform_indices = #map}, {transform_indices = #map}]} {
    %mul3A = arith.constant 512 : i32
    %mul3A_0 = arith.muli %arg1, %mul3A : i32
    %mul3A_1 = arith.constant 512 : i32
    %mul3A_2 = arith.muli %arg1, %mul3A_1 : i32
    "tpu.region"() ({
      %run_scoped3A = tpu.sem_alloc : memref<!tpu.dma_semaphore, #tpu.memory_space<semaphore_mem>>
      %dma_start3A = arith.constant 0 : i32
      %dma_start3A_73 = tpu.memref_slice %arg8[%mul3A_2, %dma_start3A] : memref<8192x128xf32, #tpu.memory_space<vmem_shared>> -> memref<512x128xf32, #tpu.memory_space<vmem_shared>>
      %dma_start3A_74 = arith.constant 0 : i32
      %dma_start3A_75 = tpu.memref_slice %arg4[%mul3A_0, %dma_start3A_74] : memref<8192x128xf32, #tpu.memory_space<hbm>> -> memref<512x128xf32, #tpu.memory_space<hbm>>
      tpu.enqueue_dma source(%dma_start3A_75 : memref<512x128xf32, #tpu.memory_space<hbm>>) target(%dma_start3A_73 : memref<512x128xf32, #tpu.memory_space<vmem_shared>>) target_semaphore(%run_scoped3A : memref<!tpu.dma_semaphore, #tpu.memory_space<semaphore_mem>>)
      %dma_wait3A = arith.constant 0 : i32
      %dma_wait3A_76 = tpu.memref_slice %arg8[%mul3A_2, %dma_wait3A] : memref<8192x128xf32, #tpu.memory_space<vmem_shared>> -> memref<512x128xf32, #tpu.memory_space<vmem_shared>>
      %dma_wait3A_77 = arith.constant 0 : i32
      %dma_wait3A_78 = tpu.memref_slice %arg4[%mul3A_0, %dma_wait3A_77] : memref<8192x128xf32, #tpu.memory_space<hbm>> -> memref<512x128xf32, #tpu.memory_space<hbm>>
      tpu.wait_dma2 semaphore(%run_scoped3A : memref<!tpu.dma_semaphore, #tpu.memory_space<semaphore_mem>>) src(%dma_wait3A_78 : memref<512x128xf32, #tpu.memory_space<hbm>>) dst(%dma_wait3A_76 : memref<512x128xf32, #tpu.memory_space<vmem_shared>>)
      tpu.yield
    }) : () -> ()
    %mul3A_3 = arith.constant 144 : i32
    %mul3A_4 = arith.muli %arg1, %mul3A_3 : i32
    "tpu.region"() ({
      %run_scoped3A = tpu.sem_alloc : memref<!tpu.dma_semaphore, #tpu.memory_space<semaphore_mem>>
      %dma_start3A = arith.constant 0 : i32
      %dma_start3A_73 = tpu.memref_slice %arg3[%mul3A_4, %dma_start3A] : memref<2304x128xi32, #tpu.memory_space<hbm>> -> memref<144x128xi32, #tpu.memory_space<hbm>>
      %dma_start3A_74 = arith.constant 0 : i32
      %dma_start3A_75 = tpu.memref_slice %arg3[%mul3A_4, %dma_start3A_74] : memref<2304x128xi32, #tpu.memory_space<hbm>> -> memref<144x128xi32, #tpu.memory_space<hbm>>
      tpu.enqueue_dma source(%dma_start3A_75 : memref<144x128xi32, #tpu.memory_space<hbm>>) target(%arg9 : memref<144x128xi32, #tpu.memory_space<vmem>>) target_semaphore(%run_scoped3A : memref<!tpu.dma_semaphore, #tpu.memory_space<semaphore_mem>>)
      %dma_wait3A = arith.constant 0 : i32
      %dma_wait3A_76 = tpu.memref_slice %arg3[%mul3A_4, %dma_wait3A] : memref<2304x128xi32, #tpu.memory_space<hbm>> -> memref<144x128xi32, #tpu.memory_space<hbm>>
      %dma_wait3A_77 = arith.constant 0 : i32
      %dma_wait3A_78 = tpu.memref_slice %arg3[%mul3A_4, %dma_wait3A_77] : memref<2304x128xi32, #tpu.memory_space<hbm>> -> memref<144x128xi32, #tpu.memory_space<hbm>>
      tpu.wait_dma2 semaphore(%run_scoped3A : memref<!tpu.dma_semaphore, #tpu.memory_space<semaphore_mem>>) src(%dma_wait3A_78 : memref<144x128xi32, #tpu.memory_space<hbm>>) dst(%arg9 : memref<144x128xi32, #tpu.memory_space<vmem>>)
      tpu.yield
    }) : () -> ()
    %eq3A = arith.constant 1 : i32
    %eq3A_5 = arith.cmpi eq, %arg0, %eq3A : i32
    %convert_element_type3A = arith.extui %eq3A_5 : i1 to i32
    %cond3A = arith.constant 0 : i32
    %cond3A_6 = arith.cmpi ne, %convert_element_type3A, %cond3A : i32
    scf.if %cond3A_6 {
      %run_scoped3A = arith.constant 0 : i32
      "tpu.region"() ({
        %run_scoped3A_73 = tpu.sem_alloc : memref<!tpu.dma_semaphore, #tpu.memory_space<semaphore_mem>>
        %dma_start3A = arith.constant 0 : i32
        %dma_start3A_74 = arith.constant 0 : i32
        %dma_start3A_75 = tpu.memref_slice %arg10[%run_scoped3A, %dma_start3A, %dma_start3A_74] : memref<2x128x128xf32, #tpu.memory_space<vmem>> -> memref<1x128x128xf32, #tpu.memory_space<vmem>>
        %dma_start3A_76 = tpu.memref_squeeze %dma_start3A_75 : memref<1x128x128xf32, #tpu.memory_space<vmem>> -> memref<128x128xf32, #tpu.memory_space<vmem>>
        %dma_start3A_77 = arith.constant 0 : i32
        %dma_start3A_78 = arith.constant 0 : i32
        %dma_start3A_79 = tpu.memref_slice %arg10[%run_scoped3A, %dma_start3A_77, %dma_start3A_78] : memref<2x128x128xf32, #tpu.memory_space<vmem>> -> memref<1x128x128xf32, #tpu.memory_space<vmem>>
        %dma_start3A_80 = tpu.memref_squeeze %dma_start3A_79 : memref<1x128x128xf32, #tpu.memory_space<vmem>> -> memref<128x128xf32, #tpu.memory_space<vmem>>
        tpu.enqueue_dma source(%arg5 : memref<128x128xf32, #tpu.memory_space<hbm>>) target(%dma_start3A_80 : memref<128x128xf32, #tpu.memory_space<vmem>>) target_semaphore(%run_scoped3A_73 : memref<!tpu.dma_semaphore, #tpu.memory_space<semaphore_mem>>)
        %dma_wait3A = arith.constant 0 : i32
        %dma_wait3A_81 = arith.constant 0 : i32
        %dma_wait3A_82 = tpu.memref_slice %arg10[%run_scoped3A, %dma_wait3A, %dma_wait3A_81] : memref<2x128x128xf32, #tpu.memory_space<vmem>> -> memref<1x128x128xf32, #tpu.memory_space<vmem>>
        %dma_wait3A_83 = tpu.memref_squeeze %dma_wait3A_82 : memref<1x128x128xf32, #tpu.memory_space<vmem>> -> memref<128x128xf32, #tpu.memory_space<vmem>>
        %dma_wait3A_84 = arith.constant 0 : i32
        %dma_wait3A_85 = arith.constant 0 : i32
        %dma_wait3A_86 = tpu.memref_slice %arg10[%run_scoped3A, %dma_wait3A_84, %dma_wait3A_85] : memref<2x128x128xf32, #tpu.memory_space<vmem>> -> memref<1x128x128xf32, #tpu.memory_space<vmem>>
        %dma_wait3A_87 = tpu.memref_squeeze %dma_wait3A_86 : memref<1x128x128xf32, #tpu.memory_space<vmem>> -> memref<128x128xf32, #tpu.memory_space<vmem>>
        tpu.wait_dma2 semaphore(%run_scoped3A_73 : memref<!tpu.dma_semaphore, #tpu.memory_space<semaphore_mem>>) src(%arg5 : memref<128x128xf32, #tpu.memory_space<hbm>>) dst(%dma_wait3A_87 : memref<128x128xf32, #tpu.memory_space<vmem>>)
        tpu.yield
      }) : () -> ()
    } else {
    }
    %barrier3A = arith.constant 0 : index
    tpu.barrier barrier_id(%barrier3A)
    %eq3A_7 = arith.constant 0 : i32
    %eq3A_8 = arith.cmpi eq, %arg0, %eq3A_7 : i32
    %convert_element_type3A_9 = arith.extui %eq3A_8 : i1 to i32
    %cond3A_10 = arith.constant 0 : i32
    %cond3A_11 = arith.cmpi ne, %convert_element_type3A_9, %cond3A_10 : i32
    scf.if %cond3A_11 {
      %mul3A_73 = arith.constant 18432 : i32
      %mul3A_74 = arith.muli %arg1, %mul3A_73 : i32
      %dma_start3A = arith.constant 0 : i32
      %dma_start3A_75 = arith.constant 0 : i32
      %dma_start3A_76 = arith.constant 0 : i32
      %dma_start3A_77 = tpu.memref_slice %arg10[%dma_start3A, %dma_start3A_75, %dma_start3A_76] : memref<2x128x128xf32, #tpu.memory_space<vmem>> -> memref<1x128x128xf32, #tpu.memory_space<vmem>>
      %dma_start3A_78 = tpu.memref_squeeze %dma_start3A_77 : memref<1x128x128xf32, #tpu.memory_space<vmem>> -> memref<128x128xf32, #tpu.memory_space<vmem>>
      %dma_start3A_79 = arith.constant 0 : i32
      %dma_start3A_80 = tpu.memref_slice %arg2[%mul3A_74, %dma_start3A_79] : memref<294912x128xf32, #tpu.memory_space<hbm>> -> memref<128x128xf32, #tpu.memory_space<hbm>>
      %dma_start3A_81 = arith.constant 0 : i32
      %dma_start3A_82 = arith.constant 0 : i32
      %dma_start3A_83 = tpu.memref_slice %arg10[%dma_start3A, %dma_start3A_81, %dma_start3A_82] : memref<2x128x128xf32, #tpu.memory_space<vmem>> -> memref<1x128x128xf32, #tpu.memory_space<vmem>>
      %dma_start3A_84 = tpu.memref_squeeze %dma_start3A_83 : memref<1x128x128xf32, #tpu.memory_space<vmem>> -> memref<128x128xf32, #tpu.memory_space<vmem>>
      %dma_start3A_85 = arith.constant 0 : i32
      %dma_start3A_86 = tpu.memref_slice %arg2[%mul3A_74, %dma_start3A_85] : memref<294912x128xf32, #tpu.memory_space<hbm>> -> memref<128x128xf32, #tpu.memory_space<hbm>>
      tpu.enqueue_dma source(%dma_start3A_86 : memref<128x128xf32, #tpu.memory_space<hbm>>) target(%dma_start3A_84 : memref<128x128xf32, #tpu.memory_space<vmem>>) target_semaphore(%arg11 : memref<!tpu.dma_semaphore, #tpu.memory_space<semaphore_mem>>)
      %dma_wait3A = arith.constant 0 : i32
      %dma_wait3A_87 = arith.constant 0 : i32
      %dma_wait3A_88 = arith.constant 0 : i32
      %dma_wait3A_89 = tpu.memref_slice %arg10[%dma_wait3A, %dma_wait3A_87, %dma_wait3A_88] : memref<2x128x128xf32, #tpu.memory_space<vmem>> -> memref<1x128x128xf32, #tpu.memory_space<vmem>>
      %dma_wait3A_90 = tpu.memref_squeeze %dma_wait3A_89 : memref<1x128x128xf32, #tpu.memory_space<vmem>> -> memref<128x128xf32, #tpu.memory_space<vmem>>
      %dma_wait3A_91 = arith.constant 0 : i32
      %dma_wait3A_92 = tpu.memref_slice %arg2[%mul3A_74, %dma_wait3A_91] : memref<294912x128xf32, #tpu.memory_space<hbm>> -> memref<128x128xf32, #tpu.memory_space<hbm>>
      %dma_wait3A_93 = arith.constant 0 : i32
      %dma_wait3A_94 = arith.constant 0 : i32
      %dma_wait3A_95 = tpu.memref_slice %arg10[%dma_wait3A, %dma_wait3A_93, %dma_wait3A_94] : memref<2x128x128xf32, #tpu.memory_space<vmem>> -> memref<1x128x128xf32, #tpu.memory_space<vmem>>
      %dma_wait3A_96 = tpu.memref_squeeze %dma_wait3A_95 : memref<1x128x128xf32, #tpu.memory_space<vmem>> -> memref<128x128xf32, #tpu.memory_space<vmem>>
      %dma_wait3A_97 = arith.constant 0 : i32
      %dma_wait3A_98 = tpu.memref_slice %arg2[%mul3A_74, %dma_wait3A_97] : memref<294912x128xf32, #tpu.memory_space<hbm>> -> memref<128x128xf32, #tpu.memory_space<hbm>>
      tpu.wait_dma2 semaphore(%arg11 : memref<!tpu.dma_semaphore, #tpu.memory_space<semaphore_mem>>) src(%dma_wait3A_98 : memref<128x128xf32, #tpu.memory_space<hbm>>) dst(%dma_wait3A_96 : memref<128x128xf32, #tpu.memory_space<vmem>>)
      %scan3A = arith.constant 0 : i32
      %scan3A_99 = arith.constant 0 : i32
      %scan3A_100 = arith.constant 144 : i32
      %scan3A_101 = arith.addi %scan3A_99, %scan3A_100 : i32
      %scan3A_102 = arith.constant 1 : i32
      %scan3A_103 = scf.for %scan3A_105 = %scan3A_99 to %scan3A_101 step %scan3A_102 iter_args(%scan3A_106 = %scan3A) -> (i32)  : i32 {
        %rem3A = arith.constant 2 : i32
        %rem3A_107 = arith.remsi %scan3A_105, %rem3A : i32
        %add3A_108 = arith.constant 1 : i32
        %add3A_109 = arith.addi %scan3A_105, %add3A_108 : i32
        %rem3A_110 = arith.constant 2 : i32
        %rem3A_111 = arith.remsi %add3A_109, %rem3A_110 : i32
        %add3A_112 = arith.constant 1 : i32
        %add3A_113 = arith.addi %scan3A_105, %add3A_112 : i32
        %min3A = arith.constant 143 : i32
        %min3A_114 = arith.minsi %add3A_113, %min3A : i32
        %mul3A_115 = arith.constant 18432 : i32
        %mul3A_116 = arith.muli %arg1, %mul3A_115 : i32
        %mul3A_117 = arith.constant 128 : i32
        %mul3A_118 = arith.muli %min3A_114, %mul3A_117 : i32
        %add3A_119 = arith.addi %mul3A_116, %mul3A_118 : i32
        %dma_start3A_120 = arith.constant 0 : i32
        %dma_start3A_121 = arith.constant 0 : i32
        %dma_start3A_122 = tpu.memref_slice %arg10[%rem3A_111, %dma_start3A_120, %dma_start3A_121] : memref<2x128x128xf32, #tpu.memory_space<vmem>> -> memref<1x128x128xf32, #tpu.memory_space<vmem>>
        %dma_start3A_123 = tpu.memref_squeeze %dma_start3A_122 : memref<1x128x128xf32, #tpu.memory_space<vmem>> -> memref<128x128xf32, #tpu.memory_space<vmem>>
        %dma_start3A_124 = arith.constant 0 : i32
        %dma_start3A_125 = tpu.memref_slice %arg2[%add3A_119, %dma_start3A_124] : memref<294912x128xf32, #tpu.memory_space<hbm>> -> memref<128x128xf32, #tpu.memory_space<hbm>>
        %dma_start3A_126 = arith.constant 0 : i32
        %dma_start3A_127 = arith.constant 0 : i32
        %dma_start3A_128 = tpu.memref_slice %arg10[%rem3A_111, %dma_start3A_126, %dma_start3A_127] : memref<2x128x128xf32, #tpu.memory_space<vmem>> -> memref<1x128x128xf32, #tpu.memory_space<vmem>>
        %dma_start3A_129 = tpu.memref_squeeze %dma_start3A_128 : memref<1x128x128xf32, #tpu.memory_space<vmem>> -> memref<128x128xf32, #tpu.memory_space<vmem>>
        %dma_start3A_130 = arith.constant 0 : i32
        %dma_start3A_131 = tpu.memref_slice %arg2[%add3A_119, %dma_start3A_130] : memref<294912x128xf32, #tpu.memory_space<hbm>> -> memref<128x128xf32, #tpu.memory_space<hbm>>
        tpu.enqueue_dma source(%dma_start3A_131 : memref<128x128xf32, #tpu.memory_space<hbm>>) target(%dma_start3A_129 : memref<128x128xf32, #tpu.memory_space<vmem>>) target_semaphore(%arg11 : memref<!tpu.dma_semaphore, #tpu.memory_space<semaphore_mem>>)
        "tpu.region"() ({
          %run_scoped3A = tpu.sem_alloc : memref<!tpu.dma_semaphore, #tpu.memory_space<semaphore_mem>>
          %dma_start3A_145 = arith.constant 0 : i32
          %dma_start3A_146 = arith.constant 0 : i32
          %dma_start3A_147 = tpu.memref_slice %arg10[%rem3A_107, %dma_start3A_145, %dma_start3A_146] : memref<2x128x128xf32, #tpu.memory_space<vmem>> -> memref<1x128x128xf32, #tpu.memory_space<vmem>>
          %dma_start3A_148 = tpu.memref_squeeze %dma_start3A_147 : memref<1x128x128xf32, #tpu.memory_space<vmem>> -> memref<128x128xf32, #tpu.memory_space<vmem>>
          %dma_start3A_149 = arith.constant 0 : i32
          %dma_start3A_150 = tpu.memref_slice %arg9[%scan3A_105, %dma_start3A_149] : memref<144x128xi32, #tpu.memory_space<vmem>> -> memref<1x128xi32, #tpu.memory_space<vmem>>
          %dma_start3A_151 = tpu.memref_squeeze %dma_start3A_150 : memref<1x128xi32, #tpu.memory_space<vmem>> -> memref<128xi32, #tpu.memory_space<vmem>>
          %dma_start3A_152 = arith.constant 0 : i32
          %dma_start3A_153 = arith.constant 0 : i32
          %dma_start3A_154 = tpu.memref_slice %arg8[%dma_start3A_152, %dma_start3A_153] : memref<8192x128xf32, #tpu.memory_space<vmem_shared>> -> memref<8192x128xf32, #tpu.memory_space<vmem_shared>>
          tpu.enqueue_indirect_dma source(%dma_start3A_148 : memref<128x128xf32, #tpu.memory_space<vmem>>) target(%dma_start3A_154 : memref<8192x128xf32, #tpu.memory_space<vmem_shared>>) offsets(%dma_start3A_151 : memref<128xi32, #tpu.memory_space<vmem>>) semaphore(%run_scoped3A : memref<!tpu.dma_semaphore, #tpu.memory_space<semaphore_mem>>) {add = true}
          %dma_wait3A_155 = arith.constant 0 : i32
          %dma_wait3A_156 = arith.constant 0 : i32
          %dma_wait3A_157 = tpu.memref_slice %arg10[%rem3A_107, %dma_wait3A_155, %dma_wait3A_156] : memref<2x128x128xf32, #tpu.memory_space<vmem>> -> memref<1x128x128xf32, #tpu.memory_space<vmem>>
          %dma_wait3A_158 = tpu.memref_squeeze %dma_wait3A_157 : memref<1x128x128xf32, #tpu.memory_space<vmem>> -> memref<128x128xf32, #tpu.memory_space<vmem>>
          %dma_wait3A_159 = arith.constant 0 : i32
          %dma_wait3A_160 = tpu.memref_slice %arg9[%scan3A_105, %dma_wait3A_159] : memref<144x128xi32, #tpu.memory_space<vmem>> -> memref<1x128xi32, #tpu.memory_space<vmem>>
          %dma_wait3A_161 = tpu.memref_squeeze %dma_wait3A_160 : memref<1x128xi32, #tpu.memory_space<vmem>> -> memref<128xi32, #tpu.memory_space<vmem>>
          %dma_wait3A_162 = arith.constant 0 : i32
          %dma_wait3A_163 = arith.constant 0 : i32
          %dma_wait3A_164 = tpu.memref_slice %arg8[%dma_wait3A_162, %dma_wait3A_163] : memref<8192x128xf32, #tpu.memory_space<vmem_shared>> -> memref<8192x128xf32, #tpu.memory_space<vmem_shared>>
          tpu.wait_indirect_dma semaphore(%run_scoped3A : memref<!tpu.dma_semaphore, #tpu.memory_space<semaphore_mem>>) src(%dma_wait3A_158 : memref<128x128xf32, #tpu.memory_space<vmem>>) dst(%dma_wait3A_164 : memref<8192x128xf32, #tpu.memory_space<vmem_shared>>)
          tpu.yield
        }) : () -> ()
        %dma_wait3A_132 = arith.constant 0 : i32
        %dma_wait3A_133 = arith.constant 0 : i32
        %dma_wait3A_134 = tpu.memref_slice %arg10[%rem3A_111, %dma_wait3A_132, %dma_wait3A_133] : memref<2x128x128xf32, #tpu.memory_space<vmem>> -> memref<1x128x128xf32, #tpu.memory_space<vmem>>
        %dma_wait3A_135 = tpu.memref_squeeze %dma_wait3A_134 : memref<1x128x128xf32, #tpu.memory_space<vmem>> -> memref<128x128xf32, #tpu.memory_space<vmem>>
        %dma_wait3A_136 = arith.constant 0 : i32
        %dma_wait3A_137 = tpu.memref_slice %arg2[%add3A_119, %dma_wait3A_136] : memref<294912x128xf32, #tpu.memory_space<hbm>> -> memref<128x128xf32, #tpu.memory_space<hbm>>
        %dma_wait3A_138 = arith.constant 0 : i32
        %dma_wait3A_139 = arith.constant 0 : i32
        %dma_wait3A_140 = tpu.memref_slice %arg10[%rem3A_111, %dma_wait3A_138, %dma_wait3A_139] : memref<2x128x128xf32, #tpu.memory_space<vmem>> -> memref<1x128x128xf32, #tpu.memory_space<vmem>>
        %dma_wait3A_141 = tpu.memref_squeeze %dma_wait3A_140 : memref<1x128x128xf32, #tpu.memory_space<vmem>> -> memref<128x128xf32, #tpu.memory_space<vmem>>
        %dma_wait3A_142 = arith.constant 0 : i32
        %dma_wait3A_143 = tpu.memref_slice %arg2[%add3A_119, %dma_wait3A_142] : memref<294912x128xf32, #tpu.memory_space<hbm>> -> memref<128x128xf32, #tpu.memory_space<hbm>>
        tpu.wait_dma2 semaphore(%arg11 : memref<!tpu.dma_semaphore, #tpu.memory_space<semaphore_mem>>) src(%dma_wait3A_143 : memref<128x128xf32, #tpu.memory_space<hbm>>) dst(%dma_wait3A_141 : memref<128x128xf32, #tpu.memory_space<vmem>>)
        %scan3A_144 = arith.constant 0 : i32
        scf.yield %scan3A_144 : i32
      }
      %scan3A_104 = arith.constant 144 : i32
    } else {
    }
    %eq3A_12 = arith.constant 1 : i32
    %eq3A_13 = arith.cmpi eq, %arg0, %eq3A_12 : i32
    %convert_element_type3A_14 = arith.extui %eq3A_13 : i1 to i32
    %cond3A_15 = arith.constant 0 : i32
    %cond3A_16 = arith.cmpi ne, %convert_element_type3A_14, %cond3A_15 : i32
    scf.if %cond3A_16 {
      %scan3A = arith.constant 0 : i32
      %scan3A_73 = arith.constant 0 : i32
      %scan3A_74 = arith.constant 144 : i32
      %scan3A_75 = arith.addi %scan3A_73, %scan3A_74 : i32
      %scan3A_76 = arith.constant 1 : i32
      %scan3A_77 = scf.for %scan3A_79 = %scan3A_73 to %scan3A_75 step %scan3A_76 iter_args(%scan3A_80 = %scan3A) -> (i32)  : i32 {
        %run_scoped3A = arith.constant 0 : i32
        "tpu.region"() ({
          %run_scoped3A_82 = tpu.sem_alloc : memref<!tpu.dma_semaphore, #tpu.memory_space<semaphore_mem>>
          %dma_start3A = arith.constant 0 : i32
          %dma_start3A_83 = arith.constant 0 : i32
          %dma_start3A_84 = tpu.memref_slice %arg10[%run_scoped3A, %dma_start3A, %dma_start3A_83] : memref<2x128x128xf32, #tpu.memory_space<vmem>> -> memref<1x128x128xf32, #tpu.memory_space<vmem>>
          %dma_start3A_85 = tpu.memref_squeeze %dma_start3A_84 : memref<1x128x128xf32, #tpu.memory_space<vmem>> -> memref<128x128xf32, #tpu.memory_space<vmem>>
          %dma_start3A_86 = arith.constant 0 : i32
          %dma_start3A_87 = tpu.memref_slice %arg9[%scan3A_79, %dma_start3A_86] : memref<144x128xi32, #tpu.memory_space<vmem>> -> memref<1x128xi32, #tpu.memory_space<vmem>>
          %dma_start3A_88 = tpu.memref_squeeze %dma_start3A_87 : memref<1x128xi32, #tpu.memory_space<vmem>> -> memref<128xi32, #tpu.memory_space<vmem>>
          %dma_start3A_89 = arith.constant 0 : i32
          %dma_start3A_90 = arith.constant 0 : i32
          %dma_start3A_91 = tpu.memref_slice %arg8[%dma_start3A_89, %dma_start3A_90] : memref<8192x128xf32, #tpu.memory_space<vmem_shared>> -> memref<8192x128xf32, #tpu.memory_space<vmem_shared>>
          tpu.enqueue_indirect_dma source(%dma_start3A_85 : memref<128x128xf32, #tpu.memory_space<vmem>>) target(%dma_start3A_91 : memref<8192x128xf32, #tpu.memory_space<vmem_shared>>) offsets(%dma_start3A_88 : memref<128xi32, #tpu.memory_space<vmem>>) semaphore(%run_scoped3A_82 : memref<!tpu.dma_semaphore, #tpu.memory_space<semaphore_mem>>) {add = true}
          %dma_wait3A = arith.constant 0 : i32
          %dma_wait3A_92 = arith.constant 0 : i32
          %dma_wait3A_93 = tpu.memref_slice %arg10[%run_scoped3A, %dma_wait3A, %dma_wait3A_92] : memref<2x128x128xf32, #tpu.memory_space<vmem>> -> memref<1x128x128xf32, #tpu.memory_space<vmem>>
          %dma_wait3A_94 = tpu.memref_squeeze %dma_wait3A_93 : memref<1x128x128xf32, #tpu.memory_space<vmem>> -> memref<128x128xf32, #tpu.memory_space<vmem>>
          %dma_wait3A_95 = arith.constant 0 : i32
          %dma_wait3A_96 = tpu.memref_slice %arg9[%scan3A_79, %dma_wait3A_95] : memref<144x128xi32, #tpu.memory_space<vmem>> -> memref<1x128xi32, #tpu.memory_space<vmem>>
          %dma_wait3A_97 = tpu.memref_squeeze %dma_wait3A_96 : memref<1x128xi32, #tpu.memory_space<vmem>> -> memref<128xi32, #tpu.memory_space<vmem>>
          %dma_wait3A_98 = arith.constant 0 : i32
          %dma_wait3A_99 = arith.constant 0 : i32
          %dma_wait3A_100 = tpu.memref_slice %arg8[%dma_wait3A_98, %dma_wait3A_99] : memref<8192x128xf32, #tpu.memory_space<vmem_shared>> -> memref<8192x128xf32, #tpu.memory_space<vmem_shared>>
          tpu.wait_indirect_dma semaphore(%run_scoped3A_82 : memref<!tpu.dma_semaphore, #tpu.memory_space<semaphore_mem>>) src(%dma_wait3A_94 : memref<128x128xf32, #tpu.memory_space<vmem>>) dst(%dma_wait3A_100 : memref<8192x128xf32, #tpu.memory_space<vmem_shared>>)
          tpu.yield
        }) : () -> ()
        %scan3A_81 = arith.constant 0 : i32
        scf.yield %scan3A_81 : i32
      }
      %scan3A_78 = arith.constant 144 : i32
    } else {
    }
    %barrier3A_17 = arith.constant 0 : index
    tpu.barrier barrier_id(%barrier3A_17)
    %mul3A_18 = arith.constant 512 : i32
    %mul3A_19 = arith.muli %arg1, %mul3A_18 : i32
    %add3A = arith.constant 0 : i32
    %add3A_20 = arith.addi %mul3A_19, %add3A : i32
    %eq3A_21 = arith.constant 0 : i32
    %eq3A_22 = arith.cmpi eq, %arg0, %eq3A_21 : i32
    %convert_element_type3A_23 = arith.extui %eq3A_22 : i1 to i32
    %cond3A_24 = arith.constant 0 : i32
    %cond3A_25 = arith.cmpi ne, %convert_element_type3A_23, %cond3A_24 : i32
    scf.if %cond3A_25 {
      %run_scoped3A = arith.constant 0 : i32
      "tpu.region"() ({
        %run_scoped3A_74 = tpu.sem_alloc : memref<!tpu.dma_semaphore, #tpu.memory_space<semaphore_mem>>
        %dma_start3A = arith.constant 0 : i32
        %dma_start3A_75 = arith.constant 0 : i32
        %dma_start3A_76 = tpu.memref_slice %arg10[%run_scoped3A, %dma_start3A, %dma_start3A_75] : memref<2x128x128xf32, #tpu.memory_space<vmem>> -> memref<1x128x128xf32, #tpu.memory_space<vmem>>
        %dma_start3A_77 = tpu.memref_squeeze %dma_start3A_76 : memref<1x128x128xf32, #tpu.memory_space<vmem>> -> memref<128x128xf32, #tpu.memory_space<vmem>>
        %dma_start3A_78 = arith.constant 0 : i32
        %dma_start3A_79 = tpu.memref_slice %arg8[%add3A_20, %dma_start3A_78] : memref<8192x128xf32, #tpu.memory_space<vmem_shared>> -> memref<128x128xf32, #tpu.memory_space<vmem_shared>>
        %dma_start3A_80 = arith.constant 0 : i32
        %dma_start3A_81 = arith.constant 0 : i32
        %dma_start3A_82 = tpu.memref_slice %arg10[%run_scoped3A, %dma_start3A_80, %dma_start3A_81] : memref<2x128x128xf32, #tpu.memory_space<vmem>> -> memref<1x128x128xf32, #tpu.memory_space<vmem>>
        %dma_start3A_83 = tpu.memref_squeeze %dma_start3A_82 : memref<1x128x128xf32, #tpu.memory_space<vmem>> -> memref<128x128xf32, #tpu.memory_space<vmem>>
        %dma_start3A_84 = arith.constant 0 : i32
        %dma_start3A_85 = tpu.memref_slice %arg8[%add3A_20, %dma_start3A_84] : memref<8192x128xf32, #tpu.memory_space<vmem_shared>> -> memref<128x128xf32, #tpu.memory_space<vmem_shared>>
        tpu.enqueue_dma source(%dma_start3A_85 : memref<128x128xf32, #tpu.memory_space<vmem_shared>>) target(%dma_start3A_83 : memref<128x128xf32, #tpu.memory_space<vmem>>) target_semaphore(%run_scoped3A_74 : memref<!tpu.dma_semaphore, #tpu.memory_space<semaphore_mem>>)
        %dma_wait3A = arith.constant 0 : i32
        %dma_wait3A_86 = arith.constant 0 : i32
        %dma_wait3A_87 = tpu.memref_slice %arg10[%run_scoped3A, %dma_wait3A, %dma_wait3A_86] : memref<2x128x128xf32, #tpu.memory_space<vmem>> -> memref<1x128x128xf32, #tpu.memory_space<vmem>>
        %dma_wait3A_88 = tpu.memref_squeeze %dma_wait3A_87 : memref<1x128x128xf32, #tpu.memory_space<vmem>> -> memref<128x128xf32, #tpu.memory_space<vmem>>
        %dma_wait3A_89 = arith.constant 0 : i32
        %dma_wait3A_90 = tpu.memref_slice %arg8[%add3A_20, %dma_wait3A_89] : memref<8192x128xf32, #tpu.memory_space<vmem_shared>> -> memref<128x128xf32, #tpu.memory_space<vmem_shared>>
        %dma_wait3A_91 = arith.constant 0 : i32
        %dma_wait3A_92 = arith.constant 0 : i32
        %dma_wait3A_93 = tpu.memref_slice %arg10[%run_scoped3A, %dma_wait3A_91, %dma_wait3A_92] : memref<2x128x128xf32, #tpu.memory_space<vmem>> -> memref<1x128x128xf32, #tpu.memory_space<vmem>>
        %dma_wait3A_94 = tpu.memref_squeeze %dma_wait3A_93 : memref<1x128x128xf32, #tpu.memory_space<vmem>> -> memref<128x128xf32, #tpu.memory_space<vmem>>
        %dma_wait3A_95 = arith.constant 0 : i32
        %dma_wait3A_96 = tpu.memref_slice %arg8[%add3A_20, %dma_wait3A_95] : memref<8192x128xf32, #tpu.memory_space<vmem_shared>> -> memref<128x128xf32, #tpu.memory_space<vmem_shared>>
        tpu.wait_dma2 semaphore(%run_scoped3A_74 : memref<!tpu.dma_semaphore, #tpu.memory_space<semaphore_mem>>) src(%dma_wait3A_96 : memref<128x128xf32, #tpu.memory_space<vmem_shared>>) dst(%dma_wait3A_94 : memref<128x128xf32, #tpu.memory_space<vmem>>)
        tpu.yield
      }) : () -> ()
      %run_scoped3A_73 = arith.constant 0 : i32
      "tpu.region"() ({
        %run_scoped3A_74 = tpu.sem_alloc : memref<!tpu.dma_semaphore, #tpu.memory_space<semaphore_mem>>
        %dma_start3A = arith.constant 0 : i32
        %dma_start3A_75 = arith.constant 0 : i32
        %dma_start3A_76 = tpu.memref_slice %arg10[%run_scoped3A_73, %dma_start3A, %dma_start3A_75] : memref<2x128x128xf32, #tpu.memory_space<vmem>> -> memref<1x128x128xf32, #tpu.memory_space<vmem>>
        %dma_start3A_77 = tpu.memref_squeeze %dma_start3A_76 : memref<1x128x128xf32, #tpu.memory_space<vmem>> -> memref<128x128xf32, #tpu.memory_space<vmem>>
        %dma_start3A_78 = arith.constant 0 : i32
        %dma_start3A_79 = tpu.memref_slice %arg6[%add3A_20, %dma_start3A_78] : memref<8192x128xf32, #tpu.memory_space<hbm>> -> memref<128x128xf32, #tpu.memory_space<hbm>>
        %dma_start3A_80 = arith.constant 0 : i32
        %dma_start3A_81 = tpu.memref_slice %arg6[%add3A_20, %dma_start3A_80] : memref<8192x128xf32, #tpu.memory_space<hbm>> -> memref<128x128xf32, #tpu.memory_space<hbm>>
        %dma_start3A_82 = arith.constant 0 : i32
        %dma_start3A_83 = arith.constant 0 : i32
        %dma_start3A_84 = tpu.memref_slice %arg10[%run_scoped3A_73, %dma_start3A_82, %dma_start3A_83] : memref<2x128x128xf32, #tpu.memory_space<vmem>> -> memref<1x128x128xf32, #tpu.memory_space<vmem>>
        %dma_start3A_85 = tpu.memref_squeeze %dma_start3A_84 : memref<1x128x128xf32, #tpu.memory_space<vmem>> -> memref<128x128xf32, #tpu.memory_space<vmem>>
        tpu.enqueue_dma source(%dma_start3A_85 : memref<128x128xf32, #tpu.memory_space<vmem>>) target(%dma_start3A_81 : memref<128x128xf32, #tpu.memory_space<hbm>>) target_semaphore(%run_scoped3A_74 : memref<!tpu.dma_semaphore, #tpu.memory_space<semaphore_mem>>)
        %dma_wait3A = arith.constant 0 : i32
        %dma_wait3A_86 = arith.constant 0 : i32
        %dma_wait3A_87 = tpu.memref_slice %arg10[%run_scoped3A_73, %dma_wait3A, %dma_wait3A_86] : memref<2x128x128xf32, #tpu.memory_space<vmem>> -> memref<1x128x128xf32, #tpu.memory_space<vmem>>
        %dma_wait3A_88 = tpu.memref_squeeze %dma_wait3A_87 : memref<1x128x128xf32, #tpu.memory_space<vmem>> -> memref<128x128xf32, #tpu.memory_space<vmem>>
        %dma_wait3A_89 = arith.constant 0 : i32
        %dma_wait3A_90 = tpu.memref_slice %arg6[%add3A_20, %dma_wait3A_89] : memref<8192x128xf32, #tpu.memory_space<hbm>> -> memref<128x128xf32, #tpu.memory_space<hbm>>
        %dma_wait3A_91 = arith.constant 0 : i32
        %dma_wait3A_92 = tpu.memref_slice %arg6[%add3A_20, %dma_wait3A_91] : memref<8192x128xf32, #tpu.memory_space<hbm>> -> memref<128x128xf32, #tpu.memory_space<hbm>>
        %dma_wait3A_93 = arith.constant 0 : i32
        %dma_wait3A_94 = arith.constant 0 : i32
        %dma_wait3A_95 = tpu.memref_slice %arg10[%run_scoped3A_73, %dma_wait3A_93, %dma_wait3A_94] : memref<2x128x128xf32, #tpu.memory_space<vmem>> -> memref<1x128x128xf32, #tpu.memory_space<vmem>>
        %dma_wait3A_96 = tpu.memref_squeeze %dma_wait3A_95 : memref<1x128x128xf32, #tpu.memory_space<vmem>> -> memref<128x128xf32, #tpu.memory_space<vmem>>
        tpu.wait_dma2 semaphore(%run_scoped3A_74 : memref<!tpu.dma_semaphore, #tpu.memory_space<semaphore_mem>>) src(%dma_wait3A_96 : memref<128x128xf32, #tpu.memory_space<vmem>>) dst(%dma_wait3A_92 : memref<128x128xf32, #tpu.memory_space<hbm>>)
        tpu.yield
      }) : () -> ()
    } else {
    }
    %eq3A_26 = arith.constant 1 : i32
    %eq3A_27 = arith.cmpi eq, %arg0, %eq3A_26 : i32
    %convert_element_type3A_28 = arith.extui %eq3A_27 : i1 to i32
    %cond3A_29 = arith.constant 0 : i32
    %cond3A_30 = arith.cmpi ne, %convert_element_type3A_28, %cond3A_29 : i32
    scf.if %cond3A_30 {
      %run_scoped3A = arith.constant 0 : i32
      "tpu.region"() ({
        %run_scoped3A_74 = tpu.sem_alloc : memref<!tpu.dma_semaphore, #tpu.memory_space<semaphore_mem>>
        %dma_start3A = arith.constant 0 : i32
        %dma_start3A_75 = arith.constant 0 : i32
        %dma_start3A_76 = tpu.memref_slice %arg10[%run_scoped3A, %dma_start3A, %dma_start3A_75] : memref<2x128x128xf32, #tpu.memory_space<vmem>> -> memref<1x128x128xf32, #tpu.memory_space<vmem>>
        %dma_start3A_77 = tpu.memref_squeeze %dma_start3A_76 : memref<1x128x128xf32, #tpu.memory_space<vmem>> -> memref<128x128xf32, #tpu.memory_space<vmem>>
        %dma_start3A_78 = arith.constant 0 : i32
        %dma_start3A_79 = tpu.memref_slice %arg8[%add3A_20, %dma_start3A_78] : memref<8192x128xf32, #tpu.memory_space<vmem_shared>> -> memref<128x128xf32, #tpu.memory_space<vmem_shared>>
        %dma_start3A_80 = arith.constant 0 : i32
        %dma_start3A_81 = arith.constant 0 : i32
        %dma_start3A_82 = tpu.memref_slice %arg10[%run_scoped3A, %dma_start3A_80, %dma_start3A_81] : memref<2x128x128xf32, #tpu.memory_space<vmem>> -> memref<1x128x128xf32, #tpu.memory_space<vmem>>
        %dma_start3A_83 = tpu.memref_squeeze %dma_start3A_82 : memref<1x128x128xf32, #tpu.memory_space<vmem>> -> memref<128x128xf32, #tpu.memory_space<vmem>>
        %dma_start3A_84 = arith.constant 0 : i32
        %dma_start3A_85 = tpu.memref_slice %arg8[%add3A_20, %dma_start3A_84] : memref<8192x128xf32, #tpu.memory_space<vmem_shared>> -> memref<128x128xf32, #tpu.memory_space<vmem_shared>>
        tpu.enqueue_dma source(%dma_start3A_85 : memref<128x128xf32, #tpu.memory_space<vmem_shared>>) target(%dma_start3A_83 : memref<128x128xf32, #tpu.memory_space<vmem>>) target_semaphore(%run_scoped3A_74 : memref<!tpu.dma_semaphore, #tpu.memory_space<semaphore_mem>>)
        %dma_wait3A = arith.constant 0 : i32
        %dma_wait3A_86 = arith.constant 0 : i32
        %dma_wait3A_87 = tpu.memref_slice %arg10[%run_scoped3A, %dma_wait3A, %dma_wait3A_86] : memref<2x128x128xf32, #tpu.memory_space<vmem>> -> memref<1x128x128xf32, #tpu.memory_space<vmem>>
        %dma_wait3A_88 = tpu.memref_squeeze %dma_wait3A_87 : memref<1x128x128xf32, #tpu.memory_space<vmem>> -> memref<128x128xf32, #tpu.memory_space<vmem>>
        %dma_wait3A_89 = arith.constant 0 : i32
        %dma_wait3A_90 = tpu.memref_slice %arg8[%add3A_20, %dma_wait3A_89] : memref<8192x128xf32, #tpu.memory_space<vmem_shared>> -> memref<128x128xf32, #tpu.memory_space<vmem_shared>>
        %dma_wait3A_91 = arith.constant 0 : i32
        %dma_wait3A_92 = arith.constant 0 : i32
        %dma_wait3A_93 = tpu.memref_slice %arg10[%run_scoped3A, %dma_wait3A_91, %dma_wait3A_92] : memref<2x128x128xf32, #tpu.memory_space<vmem>> -> memref<1x128x128xf32, #tpu.memory_space<vmem>>
        %dma_wait3A_94 = tpu.memref_squeeze %dma_wait3A_93 : memref<1x128x128xf32, #tpu.memory_space<vmem>> -> memref<128x128xf32, #tpu.memory_space<vmem>>
        %dma_wait3A_95 = arith.constant 0 : i32
        %dma_wait3A_96 = tpu.memref_slice %arg8[%add3A_20, %dma_wait3A_95] : memref<8192x128xf32, #tpu.memory_space<vmem_shared>> -> memref<128x128xf32, #tpu.memory_space<vmem_shared>>
        tpu.wait_dma2 semaphore(%run_scoped3A_74 : memref<!tpu.dma_semaphore, #tpu.memory_space<semaphore_mem>>) src(%dma_wait3A_96 : memref<128x128xf32, #tpu.memory_space<vmem_shared>>) dst(%dma_wait3A_94 : memref<128x128xf32, #tpu.memory_space<vmem>>)
        tpu.yield
      }) : () -> ()
      %run_scoped3A_73 = arith.constant 0 : i32
      "tpu.region"() ({
        %run_scoped3A_74 = tpu.sem_alloc : memref<!tpu.dma_semaphore, #tpu.memory_space<semaphore_mem>>
        %dma_start3A = arith.constant 0 : i32
        %dma_start3A_75 = arith.constant 0 : i32
        %dma_start3A_76 = tpu.memref_slice %arg10[%run_scoped3A_73, %dma_start3A, %dma_start3A_75] : memref<2x128x128xf32, #tpu.memory_space<vmem>> -> memref<1x128x128xf32, #tpu.memory_space<vmem>>
        %dma_start3A_77 = tpu.memref_squeeze %dma_start3A_76 : memref<1x128x128xf32, #tpu.memory_space<vmem>> -> memref<128x128xf32, #tpu.memory_space<vmem>>
        %dma_start3A_78 = arith.constant 0 : i32
        %dma_start3A_79 = tpu.memref_slice %arg7[%add3A_20, %dma_start3A_78] : memref<8192x128xf32, #tpu.memory_space<hbm>> -> memref<128x128xf32, #tpu.memory_space<hbm>>
        %dma_start3A_80 = arith.constant 0 : i32
        %dma_start3A_81 = tpu.memref_slice %arg7[%add3A_20, %dma_start3A_80] : memref<8192x128xf32, #tpu.memory_space<hbm>> -> memref<128x128xf32, #tpu.memory_space<hbm>>
        %dma_start3A_82 = arith.constant 0 : i32
        %dma_start3A_83 = arith.constant 0 : i32
        %dma_start3A_84 = tpu.memref_slice %arg10[%run_scoped3A_73, %dma_start3A_82, %dma_start3A_83] : memref<2x128x128xf32, #tpu.memory_space<vmem>> -> memref<1x128x128xf32, #tpu.memory_space<vmem>>
        %dma_start3A_85 = tpu.memref_squeeze %dma_start3A_84 : memref<1x128x128xf32, #tpu.memory_space<vmem>> -> memref<128x128xf32, #tpu.memory_space<vmem>>
        tpu.enqueue_dma source(%dma_start3A_85 : memref<128x128xf32, #tpu.memory_space<vmem>>) target(%dma_start3A_81 : memref<128x128xf32, #tpu.memory_space<hbm>>) target_semaphore(%run_scoped3A_74 : memref<!tpu.dma_semaphore, #tpu.memory_space<semaphore_mem>>)
        %dma_wait3A = arith.constant 0 : i32
        %dma_wait3A_86 = arith.constant 0 : i32
        %dma_wait3A_87 = tpu.memref_slice %arg10[%run_scoped3A_73, %dma_wait3A, %dma_wait3A_86] : memref<2x128x128xf32, #tpu.memory_space<vmem>> -> memref<1x128x128xf32, #tpu.memory_space<vmem>>
        %dma_wait3A_88 = tpu.memref_squeeze %dma_wait3A_87 : memref<1x128x128xf32, #tpu.memory_space<vmem>> -> memref<128x128xf32, #tpu.memory_space<vmem>>
        %dma_wait3A_89 = arith.constant 0 : i32
        %dma_wait3A_90 = tpu.memref_slice %arg7[%add3A_20, %dma_wait3A_89] : memref<8192x128xf32, #tpu.memory_space<hbm>> -> memref<128x128xf32, #tpu.memory_space<hbm>>
        %dma_wait3A_91 = arith.constant 0 : i32
        %dma_wait3A_92 = tpu.memref_slice %arg7[%add3A_20, %dma_wait3A_91] : memref<8192x128xf32, #tpu.memory_space<hbm>> -> memref<128x128xf32, #tpu.memory_space<hbm>>
        %dma_wait3A_93 = arith.constant 0 : i32
        %dma_wait3A_94 = arith.constant 0 : i32
        %dma_wait3A_95 = tpu.memref_slice %arg10[%run_scoped3A_73, %dma_wait3A_93, %dma_wait3A_94] : memref<2x128x128xf32, #tpu.memory_space<vmem>> -> memref<1x128x128xf32, #tpu.memory_space<vmem>>
        %dma_wait3A_96 = tpu.memref_squeeze %dma_wait3A_95 : memref<1x128x128xf32, #tpu.memory_space<vmem>> -> memref<128x128xf32, #tpu.memory_space<vmem>>
        tpu.wait_dma2 semaphore(%run_scoped3A_74 : memref<!tpu.dma_semaphore, #tpu.memory_space<semaphore_mem>>) src(%dma_wait3A_96 : memref<128x128xf32, #tpu.memory_space<vmem>>) dst(%dma_wait3A_92 : memref<128x128xf32, #tpu.memory_space<hbm>>)
        tpu.yield
      }) : () -> ()
    } else {
    }
    %mul3A_31 = arith.constant 512 : i32
    %mul3A_32 = arith.muli %arg1, %mul3A_31 : i32
    %add3A_33 = arith.constant 128 : i32
    %add3A_34 = arith.addi %mul3A_32, %add3A_33 : i32
    %eq3A_35 = arith.constant 0 : i32
    %eq3A_36 = arith.cmpi eq, %arg0, %eq3A_35 : i32
    %convert_element_type3A_37 = arith.extui %eq3A_36 : i1 to i32
    %cond3A_38 = arith.constant 0 : i32
    %cond3A_39 = arith.cmpi ne, %convert_element_type3A_37, %cond3A_38 : i32
    scf.if %cond3A_39 {
      %run_scoped3A = arith.constant 0 : i32
      "tpu.region"() ({
        %run_scoped3A_74 = tpu.sem_alloc : memref<!tpu.dma_semaphore, #tpu.memory_space<semaphore_mem>>
        %dma_start3A = arith.constant 0 : i32
        %dma_start3A_75 = arith.constant 0 : i32
        %dma_start3A_76 = tpu.memref_slice %arg10[%run_scoped3A, %dma_start3A, %dma_start3A_75] : memref<2x128x128xf32, #tpu.memory_space<vmem>> -> memref<1x128x128xf32, #tpu.memory_space<vmem>>
        %dma_start3A_77 = tpu.memref_squeeze %dma_start3A_76 : memref<1x128x128xf32, #tpu.memory_space<vmem>> -> memref<128x128xf32, #tpu.memory_space<vmem>>
        %dma_start3A_78 = arith.constant 0 : i32
        %dma_start3A_79 = tpu.memref_slice %arg8[%add3A_34, %dma_start3A_78] : memref<8192x128xf32, #tpu.memory_space<vmem_shared>> -> memref<128x128xf32, #tpu.memory_space<vmem_shared>>
        %dma_start3A_80 = arith.constant 0 : i32
        %dma_start3A_81 = arith.constant 0 : i32
        %dma_start3A_82 = tpu.memref_slice %arg10[%run_scoped3A, %dma_start3A_80, %dma_start3A_81] : memref<2x128x128xf32, #tpu.memory_space<vmem>> -> memref<1x128x128xf32, #tpu.memory_space<vmem>>
        %dma_start3A_83 = tpu.memref_squeeze %dma_start3A_82 : memref<1x128x128xf32, #tpu.memory_space<vmem>> -> memref<128x128xf32, #tpu.memory_space<vmem>>
        %dma_start3A_84 = arith.constant 0 : i32
        %dma_start3A_85 = tpu.memref_slice %arg8[%add3A_34, %dma_start3A_84] : memref<8192x128xf32, #tpu.memory_space<vmem_shared>> -> memref<128x128xf32, #tpu.memory_space<vmem_shared>>
        tpu.enqueue_dma source(%dma_start3A_85 : memref<128x128xf32, #tpu.memory_space<vmem_shared>>) target(%dma_start3A_83 : memref<128x128xf32, #tpu.memory_space<vmem>>) target_semaphore(%run_scoped3A_74 : memref<!tpu.dma_semaphore, #tpu.memory_space<semaphore_mem>>)
        %dma_wait3A = arith.constant 0 : i32
        %dma_wait3A_86 = arith.constant 0 : i32
        %dma_wait3A_87 = tpu.memref_slice %arg10[%run_scoped3A, %dma_wait3A, %dma_wait3A_86] : memref<2x128x128xf32, #tpu.memory_space<vmem>> -> memref<1x128x128xf32, #tpu.memory_space<vmem>>
        %dma_wait3A_88 = tpu.memref_squeeze %dma_wait3A_87 : memref<1x128x128xf32, #tpu.memory_space<vmem>> -> memref<128x128xf32, #tpu.memory_space<vmem>>
        %dma_wait3A_89 = arith.constant 0 : i32
        %dma_wait3A_90 = tpu.memref_slice %arg8[%add3A_34, %dma_wait3A_89] : memref<8192x128xf32, #tpu.memory_space<vmem_shared>> -> memref<128x128xf32, #tpu.memory_space<vmem_shared>>
        %dma_wait3A_91 = arith.constant 0 : i32
        %dma_wait3A_92 = arith.constant 0 : i32
        %dma_wait3A_93 = tpu.memref_slice %arg10[%run_scoped3A, %dma_wait3A_91, %dma_wait3A_92] : memref<2x128x128xf32, #tpu.memory_space<vmem>> -> memref<1x128x128xf32, #tpu.memory_space<vmem>>
        %dma_wait3A_94 = tpu.memref_squeeze %dma_wait3A_93 : memref<1x128x128xf32, #tpu.memory_space<vmem>> -> memref<128x128xf32, #tpu.memory_space<vmem>>
        %dma_wait3A_95 = arith.constant 0 : i32
        %dma_wait3A_96 = tpu.memref_slice %arg8[%add3A_34, %dma_wait3A_95] : memref<8192x128xf32, #tpu.memory_space<vmem_shared>> -> memref<128x128xf32, #tpu.memory_space<vmem_shared>>
        tpu.wait_dma2 semaphore(%run_scoped3A_74 : memref<!tpu.dma_semaphore, #tpu.memory_space<semaphore_mem>>) src(%dma_wait3A_96 : memref<128x128xf32, #tpu.memory_space<vmem_shared>>) dst(%dma_wait3A_94 : memref<128x128xf32, #tpu.memory_space<vmem>>)
        tpu.yield
      }) : () -> ()
      %run_scoped3A_73 = arith.constant 0 : i32
      "tpu.region"() ({
        %run_scoped3A_74 = tpu.sem_alloc : memref<!tpu.dma_semaphore, #tpu.memory_space<semaphore_mem>>
        %dma_start3A = arith.constant 0 : i32
        %dma_start3A_75 = arith.constant 0 : i32
        %dma_start3A_76 = tpu.memref_slice %arg10[%run_scoped3A_73, %dma_start3A, %dma_start3A_75] : memref<2x128x128xf32, #tpu.memory_space<vmem>> -> memref<1x128x128xf32, #tpu.memory_space<vmem>>
        %dma_start3A_77 = tpu.memref_squeeze %dma_start3A_76 : memref<1x128x128xf32, #tpu.memory_space<vmem>> -> memref<128x128xf32, #tpu.memory_space<vmem>>
        %dma_start3A_78 = arith.constant 0 : i32
        %dma_start3A_79 = tpu.memref_slice %arg6[%add3A_34, %dma_start3A_78] : memref<8192x128xf32, #tpu.memory_space<hbm>> -> memref<128x128xf32, #tpu.memory_space<hbm>>
        %dma_start3A_80 = arith.constant 0 : i32
        %dma_start3A_81 = tpu.memref_slice %arg6[%add3A_34, %dma_start3A_80] : memref<8192x128xf32, #tpu.memory_space<hbm>> -> memref<128x128xf32, #tpu.memory_space<hbm>>
        %dma_start3A_82 = arith.constant 0 : i32
        %dma_start3A_83 = arith.constant 0 : i32
        %dma_start3A_84 = tpu.memref_slice %arg10[%run_scoped3A_73, %dma_start3A_82, %dma_start3A_83] : memref<2x128x128xf32, #tpu.memory_space<vmem>> -> memref<1x128x128xf32, #tpu.memory_space<vmem>>
        %dma_start3A_85 = tpu.memref_squeeze %dma_start3A_84 : memref<1x128x128xf32, #tpu.memory_space<vmem>> -> memref<128x128xf32, #tpu.memory_space<vmem>>
        tpu.enqueue_dma source(%dma_start3A_85 : memref<128x128xf32, #tpu.memory_space<vmem>>) target(%dma_start3A_81 : memref<128x128xf32, #tpu.memory_space<hbm>>) target_semaphore(%run_scoped3A_74 : memref<!tpu.dma_semaphore, #tpu.memory_space<semaphore_mem>>)
        %dma_wait3A = arith.constant 0 : i32
        %dma_wait3A_86 = arith.constant 0 : i32
        %dma_wait3A_87 = tpu.memref_slice %arg10[%run_scoped3A_73, %dma_wait3A, %dma_wait3A_86] : memref<2x128x128xf32, #tpu.memory_space<vmem>> -> memref<1x128x128xf32, #tpu.memory_space<vmem>>
        %dma_wait3A_88 = tpu.memref_squeeze %dma_wait3A_87 : memref<1x128x128xf32, #tpu.memory_space<vmem>> -> memref<128x128xf32, #tpu.memory_space<vmem>>
        %dma_wait3A_89 = arith.constant 0 : i32
        %dma_wait3A_90 = tpu.memref_slice %arg6[%add3A_34, %dma_wait3A_89] : memref<8192x128xf32, #tpu.memory_space<hbm>> -> memref<128x128xf32, #tpu.memory_space<hbm>>
        %dma_wait3A_91 = arith.constant 0 : i32
        %dma_wait3A_92 = tpu.memref_slice %arg6[%add3A_34, %dma_wait3A_91] : memref<8192x128xf32, #tpu.memory_space<hbm>> -> memref<128x128xf32, #tpu.memory_space<hbm>>
        %dma_wait3A_93 = arith.constant 0 : i32
        %dma_wait3A_94 = arith.constant 0 : i32
        %dma_wait3A_95 = tpu.memref_slice %arg10[%run_scoped3A_73, %dma_wait3A_93, %dma_wait3A_94] : memref<2x128x128xf32, #tpu.memory_space<vmem>> -> memref<1x128x128xf32, #tpu.memory_space<vmem>>
        %dma_wait3A_96 = tpu.memref_squeeze %dma_wait3A_95 : memref<1x128x128xf32, #tpu.memory_space<vmem>> -> memref<128x128xf32, #tpu.memory_space<vmem>>
        tpu.wait_dma2 semaphore(%run_scoped3A_74 : memref<!tpu.dma_semaphore, #tpu.memory_space<semaphore_mem>>) src(%dma_wait3A_96 : memref<128x128xf32, #tpu.memory_space<vmem>>) dst(%dma_wait3A_92 : memref<128x128xf32, #tpu.memory_space<hbm>>)
        tpu.yield
      }) : () -> ()
    } else {
    }
    %eq3A_40 = arith.constant 1 : i32
    %eq3A_41 = arith.cmpi eq, %arg0, %eq3A_40 : i32
    %convert_element_type3A_42 = arith.extui %eq3A_41 : i1 to i32
    %cond3A_43 = arith.constant 0 : i32
    %cond3A_44 = arith.cmpi ne, %convert_element_type3A_42, %cond3A_43 : i32
    scf.if %cond3A_44 {
      %run_scoped3A = arith.constant 0 : i32
      "tpu.region"() ({
        %run_scoped3A_74 = tpu.sem_alloc : memref<!tpu.dma_semaphore, #tpu.memory_space<semaphore_mem>>
        %dma_start3A = arith.constant 0 : i32
        %dma_start3A_75 = arith.constant 0 : i32
        %dma_start3A_76 = tpu.memref_slice %arg10[%run_scoped3A, %dma_start3A, %dma_start3A_75] : memref<2x128x128xf32, #tpu.memory_space<vmem>> -> memref<1x128x128xf32, #tpu.memory_space<vmem>>
        %dma_start3A_77 = tpu.memref_squeeze %dma_start3A_76 : memref<1x128x128xf32, #tpu.memory_space<vmem>> -> memref<128x128xf32, #tpu.memory_space<vmem>>
        %dma_start3A_78 = arith.constant 0 : i32
        %dma_start3A_79 = tpu.memref_slice %arg8[%add3A_34, %dma_start3A_78] : memref<8192x128xf32, #tpu.memory_space<vmem_shared>> -> memref<128x128xf32, #tpu.memory_space<vmem_shared>>
        %dma_start3A_80 = arith.constant 0 : i32
        %dma_start3A_81 = arith.constant 0 : i32
        %dma_start3A_82 = tpu.memref_slice %arg10[%run_scoped3A, %dma_start3A_80, %dma_start3A_81] : memref<2x128x128xf32, #tpu.memory_space<vmem>> -> memref<1x128x128xf32, #tpu.memory_space<vmem>>
        %dma_start3A_83 = tpu.memref_squeeze %dma_start3A_82 : memref<1x128x128xf32, #tpu.memory_space<vmem>> -> memref<128x128xf32, #tpu.memory_space<vmem>>
        %dma_start3A_84 = arith.constant 0 : i32
        %dma_start3A_85 = tpu.memref_slice %arg8[%add3A_34, %dma_start3A_84] : memref<8192x128xf32, #tpu.memory_space<vmem_shared>> -> memref<128x128xf32, #tpu.memory_space<vmem_shared>>
        tpu.enqueue_dma source(%dma_start3A_85 : memref<128x128xf32, #tpu.memory_space<vmem_shared>>) target(%dma_start3A_83 : memref<128x128xf32, #tpu.memory_space<vmem>>) target_semaphore(%run_scoped3A_74 : memref<!tpu.dma_semaphore, #tpu.memory_space<semaphore_mem>>)
        %dma_wait3A = arith.constant 0 : i32
        %dma_wait3A_86 = arith.constant 0 : i32
        %dma_wait3A_87 = tpu.memref_slice %arg10[%run_scoped3A, %dma_wait3A, %dma_wait3A_86] : memref<2x128x128xf32, #tpu.memory_space<vmem>> -> memref<1x128x128xf32, #tpu.memory_space<vmem>>
        %dma_wait3A_88 = tpu.memref_squeeze %dma_wait3A_87 : memref<1x128x128xf32, #tpu.memory_space<vmem>> -> memref<128x128xf32, #tpu.memory_space<vmem>>
        %dma_wait3A_89 = arith.constant 0 : i32
        %dma_wait3A_90 = tpu.memref_slice %arg8[%add3A_34, %dma_wait3A_89] : memref<8192x128xf32, #tpu.memory_space<vmem_shared>> -> memref<128x128xf32, #tpu.memory_space<vmem_shared>>
        %dma_wait3A_91 = arith.constant 0 : i32
        %dma_wait3A_92 = arith.constant 0 : i32
        %dma_wait3A_93 = tpu.memref_slice %arg10[%run_scoped3A, %dma_wait3A_91, %dma_wait3A_92] : memref<2x128x128xf32, #tpu.memory_space<vmem>> -> memref<1x128x128xf32, #tpu.memory_space<vmem>>
        %dma_wait3A_94 = tpu.memref_squeeze %dma_wait3A_93 : memref<1x128x128xf32, #tpu.memory_space<vmem>> -> memref<128x128xf32, #tpu.memory_space<vmem>>
        %dma_wait3A_95 = arith.constant 0 : i32
        %dma_wait3A_96 = tpu.memref_slice %arg8[%add3A_34, %dma_wait3A_95] : memref<8192x128xf32, #tpu.memory_space<vmem_shared>> -> memref<128x128xf32, #tpu.memory_space<vmem_shared>>
        tpu.wait_dma2 semaphore(%run_scoped3A_74 : memref<!tpu.dma_semaphore, #tpu.memory_space<semaphore_mem>>) src(%dma_wait3A_96 : memref<128x128xf32, #tpu.memory_space<vmem_shared>>) dst(%dma_wait3A_94 : memref<128x128xf32, #tpu.memory_space<vmem>>)
        tpu.yield
      }) : () -> ()
      %run_scoped3A_73 = arith.constant 0 : i32
      "tpu.region"() ({
        %run_scoped3A_74 = tpu.sem_alloc : memref<!tpu.dma_semaphore, #tpu.memory_space<semaphore_mem>>
        %dma_start3A = arith.constant 0 : i32
        %dma_start3A_75 = arith.constant 0 : i32
        %dma_start3A_76 = tpu.memref_slice %arg10[%run_scoped3A_73, %dma_start3A, %dma_start3A_75] : memref<2x128x128xf32, #tpu.memory_space<vmem>> -> memref<1x128x128xf32, #tpu.memory_space<vmem>>
        %dma_start3A_77 = tpu.memref_squeeze %dma_start3A_76 : memref<1x128x128xf32, #tpu.memory_space<vmem>> -> memref<128x128xf32, #tpu.memory_space<vmem>>
        %dma_start3A_78 = arith.constant 0 : i32
        %dma_start3A_79 = tpu.memref_slice %arg7[%add3A_34, %dma_start3A_78] : memref<8192x128xf32, #tpu.memory_space<hbm>> -> memref<128x128xf32, #tpu.memory_space<hbm>>
        %dma_start3A_80 = arith.constant 0 : i32
        %dma_start3A_81 = tpu.memref_slice %arg7[%add3A_34, %dma_start3A_80] : memref<8192x128xf32, #tpu.memory_space<hbm>> -> memref<128x128xf32, #tpu.memory_space<hbm>>
        %dma_start3A_82 = arith.constant 0 : i32
        %dma_start3A_83 = arith.constant 0 : i32
        %dma_start3A_84 = tpu.memref_slice %arg10[%run_scoped3A_73, %dma_start3A_82, %dma_start3A_83] : memref<2x128x128xf32, #tpu.memory_space<vmem>> -> memref<1x128x128xf32, #tpu.memory_space<vmem>>
        %dma_start3A_85 = tpu.memref_squeeze %dma_start3A_84 : memref<1x128x128xf32, #tpu.memory_space<vmem>> -> memref<128x128xf32, #tpu.memory_space<vmem>>
        tpu.enqueue_dma source(%dma_start3A_85 : memref<128x128xf32, #tpu.memory_space<vmem>>) target(%dma_start3A_81 : memref<128x128xf32, #tpu.memory_space<hbm>>) target_semaphore(%run_scoped3A_74 : memref<!tpu.dma_semaphore, #tpu.memory_space<semaphore_mem>>)
        %dma_wait3A = arith.constant 0 : i32
        %dma_wait3A_86 = arith.constant 0 : i32
        %dma_wait3A_87 = tpu.memref_slice %arg10[%run_scoped3A_73, %dma_wait3A, %dma_wait3A_86] : memref<2x128x128xf32, #tpu.memory_space<vmem>> -> memref<1x128x128xf32, #tpu.memory_space<vmem>>
        %dma_wait3A_88 = tpu.memref_squeeze %dma_wait3A_87 : memref<1x128x128xf32, #tpu.memory_space<vmem>> -> memref<128x128xf32, #tpu.memory_space<vmem>>
        %dma_wait3A_89 = arith.constant 0 : i32
        %dma_wait3A_90 = tpu.memref_slice %arg7[%add3A_34, %dma_wait3A_89] : memref<8192x128xf32, #tpu.memory_space<hbm>> -> memref<128x128xf32, #tpu.memory_space<hbm>>
        %dma_wait3A_91 = arith.constant 0 : i32
        %dma_wait3A_92 = tpu.memref_slice %arg7[%add3A_34, %dma_wait3A_91] : memref<8192x128xf32, #tpu.memory_space<hbm>> -> memref<128x128xf32, #tpu.memory_space<hbm>>
        %dma_wait3A_93 = arith.constant 0 : i32
        %dma_wait3A_94 = arith.constant 0 : i32
        %dma_wait3A_95 = tpu.memref_slice %arg10[%run_scoped3A_73, %dma_wait3A_93, %dma_wait3A_94] : memref<2x128x128xf32, #tpu.memory_space<vmem>> -> memref<1x128x128xf32, #tpu.memory_space<vmem>>
        %dma_wait3A_96 = tpu.memref_squeeze %dma_wait3A_95 : memref<1x128x128xf32, #tpu.memory_space<vmem>> -> memref<128x128xf32, #tpu.memory_space<vmem>>
        tpu.wait_dma2 semaphore(%run_scoped3A_74 : memref<!tpu.dma_semaphore, #tpu.memory_space<semaphore_mem>>) src(%dma_wait3A_96 : memref<128x128xf32, #tpu.memory_space<vmem>>) dst(%dma_wait3A_92 : memref<128x128xf32, #tpu.memory_space<hbm>>)
        tpu.yield
      }) : () -> ()
    } else {
    }
    %mul3A_45 = arith.constant 512 : i32
    %mul3A_46 = arith.muli %arg1, %mul3A_45 : i32
    %add3A_47 = arith.constant 256 : i32
    %add3A_48 = arith.addi %mul3A_46, %add3A_47 : i32
    %eq3A_49 = arith.constant 0 : i32
    %eq3A_50 = arith.cmpi eq, %arg0, %eq3A_49 : i32
    %convert_element_type3A_51 = arith.extui %eq3A_50 : i1 to i32
    %cond3A_52 = arith.constant 0 : i32
    %cond3A_53 = arith.cmpi ne, %convert_element_type3A_51, %cond3A_52 : i32
    scf.if %cond3A_53 {
      %run_scoped3A = arith.constant 0 : i32
      "tpu.region"() ({
        %run_scoped3A_74 = tpu.sem_alloc : memref<!tpu.dma_semaphore, #tpu.memory_space<semaphore_mem>>
        %dma_start3A = arith.constant 0 : i32
        %dma_start3A_75 = arith.constant 0 : i32
        %dma_start3A_76 = tpu.memref_slice %arg10[%run_scoped3A, %dma_start3A, %dma_start3A_75] : memref<2x128x128xf32, #tpu.memory_space<vmem>> -> memref<1x128x128xf32, #tpu.memory_space<vmem>>
        %dma_start3A_77 = tpu.memref_squeeze %dma_start3A_76 : memref<1x128x128xf32, #tpu.memory_space<vmem>> -> memref<128x128xf32, #tpu.memory_space<vmem>>
        %dma_start3A_78 = arith.constant 0 : i32
        %dma_start3A_79 = tpu.memref_slice %arg8[%add3A_48, %dma_start3A_78] : memref<8192x128xf32, #tpu.memory_space<vmem_shared>> -> memref<128x128xf32, #tpu.memory_space<vmem_shared>>
        %dma_start3A_80 = arith.constant 0 : i32
        %dma_start3A_81 = arith.constant 0 : i32
        %dma_start3A_82 = tpu.memref_slice %arg10[%run_scoped3A, %dma_start3A_80, %dma_start3A_81] : memref<2x128x128xf32, #tpu.memory_space<vmem>> -> memref<1x128x128xf32, #tpu.memory_space<vmem>>
        %dma_start3A_83 = tpu.memref_squeeze %dma_start3A_82 : memref<1x128x128xf32, #tpu.memory_space<vmem>> -> memref<128x128xf32, #tpu.memory_space<vmem>>
        %dma_start3A_84 = arith.constant 0 : i32
        %dma_start3A_85 = tpu.memref_slice %arg8[%add3A_48, %dma_start3A_84] : memref<8192x128xf32, #tpu.memory_space<vmem_shared>> -> memref<128x128xf32, #tpu.memory_space<vmem_shared>>
        tpu.enqueue_dma source(%dma_start3A_85 : memref<128x128xf32, #tpu.memory_space<vmem_shared>>) target(%dma_start3A_83 : memref<128x128xf32, #tpu.memory_space<vmem>>) target_semaphore(%run_scoped3A_74 : memref<!tpu.dma_semaphore, #tpu.memory_space<semaphore_mem>>)
        %dma_wait3A = arith.constant 0 : i32
        %dma_wait3A_86 = arith.constant 0 : i32
        %dma_wait3A_87 = tpu.memref_slice %arg10[%run_scoped3A, %dma_wait3A, %dma_wait3A_86] : memref<2x128x128xf32, #tpu.memory_space<vmem>> -> memref<1x128x128xf32, #tpu.memory_space<vmem>>
        %dma_wait3A_88 = tpu.memref_squeeze %dma_wait3A_87 : memref<1x128x128xf32, #tpu.memory_space<vmem>> -> memref<128x128xf32, #tpu.memory_space<vmem>>
        %dma_wait3A_89 = arith.constant 0 : i32
        %dma_wait3A_90 = tpu.memref_slice %arg8[%add3A_48, %dma_wait3A_89] : memref<8192x128xf32, #tpu.memory_space<vmem_shared>> -> memref<128x128xf32, #tpu.memory_space<vmem_shared>>
        %dma_wait3A_91 = arith.constant 0 : i32
        %dma_wait3A_92 = arith.constant 0 : i32
        %dma_wait3A_93 = tpu.memref_slice %arg10[%run_scoped3A, %dma_wait3A_91, %dma_wait3A_92] : memref<2x128x128xf32, #tpu.memory_space<vmem>> -> memref<1x128x128xf32, #tpu.memory_space<vmem>>
        %dma_wait3A_94 = tpu.memref_squeeze %dma_wait3A_93 : memref<1x128x128xf32, #tpu.memory_space<vmem>> -> memref<128x128xf32, #tpu.memory_space<vmem>>
        %dma_wait3A_95 = arith.constant 0 : i32
        %dma_wait3A_96 = tpu.memref_slice %arg8[%add3A_48, %dma_wait3A_95] : memref<8192x128xf32, #tpu.memory_space<vmem_shared>> -> memref<128x128xf32, #tpu.memory_space<vmem_shared>>
        tpu.wait_dma2 semaphore(%run_scoped3A_74 : memref<!tpu.dma_semaphore, #tpu.memory_space<semaphore_mem>>) src(%dma_wait3A_96 : memref<128x128xf32, #tpu.memory_space<vmem_shared>>) dst(%dma_wait3A_94 : memref<128x128xf32, #tpu.memory_space<vmem>>)
        tpu.yield
      }) : () -> ()
      %run_scoped3A_73 = arith.constant 0 : i32
      "tpu.region"() ({
        %run_scoped3A_74 = tpu.sem_alloc : memref<!tpu.dma_semaphore, #tpu.memory_space<semaphore_mem>>
        %dma_start3A = arith.constant 0 : i32
        %dma_start3A_75 = arith.constant 0 : i32
        %dma_start3A_76 = tpu.memref_slice %arg10[%run_scoped3A_73, %dma_start3A, %dma_start3A_75] : memref<2x128x128xf32, #tpu.memory_space<vmem>> -> memref<1x128x128xf32, #tpu.memory_space<vmem>>
        %dma_start3A_77 = tpu.memref_squeeze %dma_start3A_76 : memref<1x128x128xf32, #tpu.memory_space<vmem>> -> memref<128x128xf32, #tpu.memory_space<vmem>>
        %dma_start3A_78 = arith.constant 0 : i32
        %dma_start3A_79 = tpu.memref_slice %arg6[%add3A_48, %dma_start3A_78] : memref<8192x128xf32, #tpu.memory_space<hbm>> -> memref<128x128xf32, #tpu.memory_space<hbm>>
        %dma_start3A_80 = arith.constant 0 : i32
        %dma_start3A_81 = tpu.memref_slice %arg6[%add3A_48, %dma_start3A_80] : memref<8192x128xf32, #tpu.memory_space<hbm>> -> memref<128x128xf32, #tpu.memory_space<hbm>>
        %dma_start3A_82 = arith.constant 0 : i32
        %dma_start3A_83 = arith.constant 0 : i32
        %dma_start3A_84 = tpu.memref_slice %arg10[%run_scoped3A_73, %dma_start3A_82, %dma_start3A_83] : memref<2x128x128xf32, #tpu.memory_space<vmem>> -> memref<1x128x128xf32, #tpu.memory_space<vmem>>
        %dma_start3A_85 = tpu.memref_squeeze %dma_start3A_84 : memref<1x128x128xf32, #tpu.memory_space<vmem>> -> memref<128x128xf32, #tpu.memory_space<vmem>>
        tpu.enqueue_dma source(%dma_start3A_85 : memref<128x128xf32, #tpu.memory_space<vmem>>) target(%dma_start3A_81 : memref<128x128xf32, #tpu.memory_space<hbm>>) target_semaphore(%run_scoped3A_74 : memref<!tpu.dma_semaphore, #tpu.memory_space<semaphore_mem>>)
        %dma_wait3A = arith.constant 0 : i32
        %dma_wait3A_86 = arith.constant 0 : i32
        %dma_wait3A_87 = tpu.memref_slice %arg10[%run_scoped3A_73, %dma_wait3A, %dma_wait3A_86] : memref<2x128x128xf32, #tpu.memory_space<vmem>> -> memref<1x128x128xf32, #tpu.memory_space<vmem>>
        %dma_wait3A_88 = tpu.memref_squeeze %dma_wait3A_87 : memref<1x128x128xf32, #tpu.memory_space<vmem>> -> memref<128x128xf32, #tpu.memory_space<vmem>>
        %dma_wait3A_89 = arith.constant 0 : i32
        %dma_wait3A_90 = tpu.memref_slice %arg6[%add3A_48, %dma_wait3A_89] : memref<8192x128xf32, #tpu.memory_space<hbm>> -> memref<128x128xf32, #tpu.memory_space<hbm>>
        %dma_wait3A_91 = arith.constant 0 : i32
        %dma_wait3A_92 = tpu.memref_slice %arg6[%add3A_48, %dma_wait3A_91] : memref<8192x128xf32, #tpu.memory_space<hbm>> -> memref<128x128xf32, #tpu.memory_space<hbm>>
        %dma_wait3A_93 = arith.constant 0 : i32
        %dma_wait3A_94 = arith.constant 0 : i32
        %dma_wait3A_95 = tpu.memref_slice %arg10[%run_scoped3A_73, %dma_wait3A_93, %dma_wait3A_94] : memref<2x128x128xf32, #tpu.memory_space<vmem>> -> memref<1x128x128xf32, #tpu.memory_space<vmem>>
        %dma_wait3A_96 = tpu.memref_squeeze %dma_wait3A_95 : memref<1x128x128xf32, #tpu.memory_space<vmem>> -> memref<128x128xf32, #tpu.memory_space<vmem>>
        tpu.wait_dma2 semaphore(%run_scoped3A_74 : memref<!tpu.dma_semaphore, #tpu.memory_space<semaphore_mem>>) src(%dma_wait3A_96 : memref<128x128xf32, #tpu.memory_space<vmem>>) dst(%dma_wait3A_92 : memref<128x128xf32, #tpu.memory_space<hbm>>)
        tpu.yield
      }) : () -> ()
    } else {
    }
    %eq3A_54 = arith.constant 1 : i32
    %eq3A_55 = arith.cmpi eq, %arg0, %eq3A_54 : i32
    %convert_element_type3A_56 = arith.extui %eq3A_55 : i1 to i32
    %cond3A_57 = arith.constant 0 : i32
    %cond3A_58 = arith.cmpi ne, %convert_element_type3A_56, %cond3A_57 : i32
    scf.if %cond3A_58 {
      %run_scoped3A = arith.constant 0 : i32
      "tpu.region"() ({
        %run_scoped3A_74 = tpu.sem_alloc : memref<!tpu.dma_semaphore, #tpu.memory_space<semaphore_mem>>
        %dma_start3A = arith.constant 0 : i32
        %dma_start3A_75 = arith.constant 0 : i32
        %dma_start3A_76 = tpu.memref_slice %arg10[%run_scoped3A, %dma_start3A, %dma_start3A_75] : memref<2x128x128xf32, #tpu.memory_space<vmem>> -> memref<1x128x128xf32, #tpu.memory_space<vmem>>
        %dma_start3A_77 = tpu.memref_squeeze %dma_start3A_76 : memref<1x128x128xf32, #tpu.memory_space<vmem>> -> memref<128x128xf32, #tpu.memory_space<vmem>>
        %dma_start3A_78 = arith.constant 0 : i32
        %dma_start3A_79 = tpu.memref_slice %arg8[%add3A_48, %dma_start3A_78] : memref<8192x128xf32, #tpu.memory_space<vmem_shared>> -> memref<128x128xf32, #tpu.memory_space<vmem_shared>>
        %dma_start3A_80 = arith.constant 0 : i32
        %dma_start3A_81 = arith.constant 0 : i32
        %dma_start3A_82 = tpu.memref_slice %arg10[%run_scoped3A, %dma_start3A_80, %dma_start3A_81] : memref<2x128x128xf32, #tpu.memory_space<vmem>> -> memref<1x128x128xf32, #tpu.memory_space<vmem>>
        %dma_start3A_83 = tpu.memref_squeeze %dma_start3A_82 : memref<1x128x128xf32, #tpu.memory_space<vmem>> -> memref<128x128xf32, #tpu.memory_space<vmem>>
        %dma_start3A_84 = arith.constant 0 : i32
        %dma_start3A_85 = tpu.memref_slice %arg8[%add3A_48, %dma_start3A_84] : memref<8192x128xf32, #tpu.memory_space<vmem_shared>> -> memref<128x128xf32, #tpu.memory_space<vmem_shared>>
        tpu.enqueue_dma source(%dma_start3A_85 : memref<128x128xf32, #tpu.memory_space<vmem_shared>>) target(%dma_start3A_83 : memref<128x128xf32, #tpu.memory_space<vmem>>) target_semaphore(%run_scoped3A_74 : memref<!tpu.dma_semaphore, #tpu.memory_space<semaphore_mem>>)
        %dma_wait3A = arith.constant 0 : i32
        %dma_wait3A_86 = arith.constant 0 : i32
        %dma_wait3A_87 = tpu.memref_slice %arg10[%run_scoped3A, %dma_wait3A, %dma_wait3A_86] : memref<2x128x128xf32, #tpu.memory_space<vmem>> -> memref<1x128x128xf32, #tpu.memory_space<vmem>>
        %dma_wait3A_88 = tpu.memref_squeeze %dma_wait3A_87 : memref<1x128x128xf32, #tpu.memory_space<vmem>> -> memref<128x128xf32, #tpu.memory_space<vmem>>
        %dma_wait3A_89 = arith.constant 0 : i32
        %dma_wait3A_90 = tpu.memref_slice %arg8[%add3A_48, %dma_wait3A_89] : memref<8192x128xf32, #tpu.memory_space<vmem_shared>> -> memref<128x128xf32, #tpu.memory_space<vmem_shared>>
        %dma_wait3A_91 = arith.constant 0 : i32
        %dma_wait3A_92 = arith.constant 0 : i32
        %dma_wait3A_93 = tpu.memref_slice %arg10[%run_scoped3A, %dma_wait3A_91, %dma_wait3A_92] : memref<2x128x128xf32, #tpu.memory_space<vmem>> -> memref<1x128x128xf32, #tpu.memory_space<vmem>>
        %dma_wait3A_94 = tpu.memref_squeeze %dma_wait3A_93 : memref<1x128x128xf32, #tpu.memory_space<vmem>> -> memref<128x128xf32, #tpu.memory_space<vmem>>
        %dma_wait3A_95 = arith.constant 0 : i32
        %dma_wait3A_96 = tpu.memref_slice %arg8[%add3A_48, %dma_wait3A_95] : memref<8192x128xf32, #tpu.memory_space<vmem_shared>> -> memref<128x128xf32, #tpu.memory_space<vmem_shared>>
        tpu.wait_dma2 semaphore(%run_scoped3A_74 : memref<!tpu.dma_semaphore, #tpu.memory_space<semaphore_mem>>) src(%dma_wait3A_96 : memref<128x128xf32, #tpu.memory_space<vmem_shared>>) dst(%dma_wait3A_94 : memref<128x128xf32, #tpu.memory_space<vmem>>)
        tpu.yield
      }) : () -> ()
      %run_scoped3A_73 = arith.constant 0 : i32
      "tpu.region"() ({
        %run_scoped3A_74 = tpu.sem_alloc : memref<!tpu.dma_semaphore, #tpu.memory_space<semaphore_mem>>
        %dma_start3A = arith.constant 0 : i32
        %dma_start3A_75 = arith.constant 0 : i32
        %dma_start3A_76 = tpu.memref_slice %arg10[%run_scoped3A_73, %dma_start3A, %dma_start3A_75] : memref<2x128x128xf32, #tpu.memory_space<vmem>> -> memref<1x128x128xf32, #tpu.memory_space<vmem>>
        %dma_start3A_77 = tpu.memref_squeeze %dma_start3A_76 : memref<1x128x128xf32, #tpu.memory_space<vmem>> -> memref<128x128xf32, #tpu.memory_space<vmem>>
        %dma_start3A_78 = arith.constant 0 : i32
        %dma_start3A_79 = tpu.memref_slice %arg7[%add3A_48, %dma_start3A_78] : memref<8192x128xf32, #tpu.memory_space<hbm>> -> memref<128x128xf32, #tpu.memory_space<hbm>>
        %dma_start3A_80 = arith.constant 0 : i32
        %dma_start3A_81 = tpu.memref_slice %arg7[%add3A_48, %dma_start3A_80] : memref<8192x128xf32, #tpu.memory_space<hbm>> -> memref<128x128xf32, #tpu.memory_space<hbm>>
        %dma_start3A_82 = arith.constant 0 : i32
        %dma_start3A_83 = arith.constant 0 : i32
        %dma_start3A_84 = tpu.memref_slice %arg10[%run_scoped3A_73, %dma_start3A_82, %dma_start3A_83] : memref<2x128x128xf32, #tpu.memory_space<vmem>> -> memref<1x128x128xf32, #tpu.memory_space<vmem>>
        %dma_start3A_85 = tpu.memref_squeeze %dma_start3A_84 : memref<1x128x128xf32, #tpu.memory_space<vmem>> -> memref<128x128xf32, #tpu.memory_space<vmem>>
        tpu.enqueue_dma source(%dma_start3A_85 : memref<128x128xf32, #tpu.memory_space<vmem>>) target(%dma_start3A_81 : memref<128x128xf32, #tpu.memory_space<hbm>>) target_semaphore(%run_scoped3A_74 : memref<!tpu.dma_semaphore, #tpu.memory_space<semaphore_mem>>)
        %dma_wait3A = arith.constant 0 : i32
        %dma_wait3A_86 = arith.constant 0 : i32
        %dma_wait3A_87 = tpu.memref_slice %arg10[%run_scoped3A_73, %dma_wait3A, %dma_wait3A_86] : memref<2x128x128xf32, #tpu.memory_space<vmem>> -> memref<1x128x128xf32, #tpu.memory_space<vmem>>
        %dma_wait3A_88 = tpu.memref_squeeze %dma_wait3A_87 : memref<1x128x128xf32, #tpu.memory_space<vmem>> -> memref<128x128xf32, #tpu.memory_space<vmem>>
        %dma_wait3A_89 = arith.constant 0 : i32
        %dma_wait3A_90 = tpu.memref_slice %arg7[%add3A_48, %dma_wait3A_89] : memref<8192x128xf32, #tpu.memory_space<hbm>> -> memref<128x128xf32, #tpu.memory_space<hbm>>
        %dma_wait3A_91 = arith.constant 0 : i32
        %dma_wait3A_92 = tpu.memref_slice %arg7[%add3A_48, %dma_wait3A_91] : memref<8192x128xf32, #tpu.memory_space<hbm>> -> memref<128x128xf32, #tpu.memory_space<hbm>>
        %dma_wait3A_93 = arith.constant 0 : i32
        %dma_wait3A_94 = arith.constant 0 : i32
        %dma_wait3A_95 = tpu.memref_slice %arg10[%run_scoped3A_73, %dma_wait3A_93, %dma_wait3A_94] : memref<2x128x128xf32, #tpu.memory_space<vmem>> -> memref<1x128x128xf32, #tpu.memory_space<vmem>>
        %dma_wait3A_96 = tpu.memref_squeeze %dma_wait3A_95 : memref<1x128x128xf32, #tpu.memory_space<vmem>> -> memref<128x128xf32, #tpu.memory_space<vmem>>
        tpu.wait_dma2 semaphore(%run_scoped3A_74 : memref<!tpu.dma_semaphore, #tpu.memory_space<semaphore_mem>>) src(%dma_wait3A_96 : memref<128x128xf32, #tpu.memory_space<vmem>>) dst(%dma_wait3A_92 : memref<128x128xf32, #tpu.memory_space<hbm>>)
        tpu.yield
      }) : () -> ()
    } else {
    }
    %mul3A_59 = arith.constant 512 : i32
    %mul3A_60 = arith.muli %arg1, %mul3A_59 : i32
    %add3A_61 = arith.constant 384 : i32
    %add3A_62 = arith.addi %mul3A_60, %add3A_61 : i32
    %eq3A_63 = arith.constant 0 : i32
    %eq3A_64 = arith.cmpi eq, %arg0, %eq3A_63 : i32
    %convert_element_type3A_65 = arith.extui %eq3A_64 : i1 to i32
    %cond3A_66 = arith.constant 0 : i32
    %cond3A_67 = arith.cmpi ne, %convert_element_type3A_65, %cond3A_66 : i32
    scf.if %cond3A_67 {
      %run_scoped3A = arith.constant 0 : i32
      "tpu.region"() ({
        %run_scoped3A_74 = tpu.sem_alloc : memref<!tpu.dma_semaphore, #tpu.memory_space<semaphore_mem>>
        %dma_start3A = arith.constant 0 : i32
        %dma_start3A_75 = arith.constant 0 : i32
        %dma_start3A_76 = tpu.memref_slice %arg10[%run_scoped3A, %dma_start3A, %dma_start3A_75] : memref<2x128x128xf32, #tpu.memory_space<vmem>> -> memref<1x128x128xf32, #tpu.memory_space<vmem>>
        %dma_start3A_77 = tpu.memref_squeeze %dma_start3A_76 : memref<1x128x128xf32, #tpu.memory_space<vmem>> -> memref<128x128xf32, #tpu.memory_space<vmem>>
        %dma_start3A_78 = arith.constant 0 : i32
        %dma_start3A_79 = tpu.memref_slice %arg8[%add3A_62, %dma_start3A_78] : memref<8192x128xf32, #tpu.memory_space<vmem_shared>> -> memref<128x128xf32, #tpu.memory_space<vmem_shared>>
        %dma_start3A_80 = arith.constant 0 : i32
        %dma_start3A_81 = arith.constant 0 : i32
        %dma_start3A_82 = tpu.memref_slice %arg10[%run_scoped3A, %dma_start3A_80, %dma_start3A_81] : memref<2x128x128xf32, #tpu.memory_space<vmem>> -> memref<1x128x128xf32, #tpu.memory_space<vmem>>
        %dma_start3A_83 = tpu.memref_squeeze %dma_start3A_82 : memref<1x128x128xf32, #tpu.memory_space<vmem>> -> memref<128x128xf32, #tpu.memory_space<vmem>>
        %dma_start3A_84 = arith.constant 0 : i32
        %dma_start3A_85 = tpu.memref_slice %arg8[%add3A_62, %dma_start3A_84] : memref<8192x128xf32, #tpu.memory_space<vmem_shared>> -> memref<128x128xf32, #tpu.memory_space<vmem_shared>>
        tpu.enqueue_dma source(%dma_start3A_85 : memref<128x128xf32, #tpu.memory_space<vmem_shared>>) target(%dma_start3A_83 : memref<128x128xf32, #tpu.memory_space<vmem>>) target_semaphore(%run_scoped3A_74 : memref<!tpu.dma_semaphore, #tpu.memory_space<semaphore_mem>>)
        %dma_wait3A = arith.constant 0 : i32
        %dma_wait3A_86 = arith.constant 0 : i32
        %dma_wait3A_87 = tpu.memref_slice %arg10[%run_scoped3A, %dma_wait3A, %dma_wait3A_86] : memref<2x128x128xf32, #tpu.memory_space<vmem>> -> memref<1x128x128xf32, #tpu.memory_space<vmem>>
        %dma_wait3A_88 = tpu.memref_squeeze %dma_wait3A_87 : memref<1x128x128xf32, #tpu.memory_space<vmem>> -> memref<128x128xf32, #tpu.memory_space<vmem>>
        %dma_wait3A_89 = arith.constant 0 : i32
        %dma_wait3A_90 = tpu.memref_slice %arg8[%add3A_62, %dma_wait3A_89] : memref<8192x128xf32, #tpu.memory_space<vmem_shared>> -> memref<128x128xf32, #tpu.memory_space<vmem_shared>>
        %dma_wait3A_91 = arith.constant 0 : i32
        %dma_wait3A_92 = arith.constant 0 : i32
        %dma_wait3A_93 = tpu.memref_slice %arg10[%run_scoped3A, %dma_wait3A_91, %dma_wait3A_92] : memref<2x128x128xf32, #tpu.memory_space<vmem>> -> memref<1x128x128xf32, #tpu.memory_space<vmem>>
        %dma_wait3A_94 = tpu.memref_squeeze %dma_wait3A_93 : memref<1x128x128xf32, #tpu.memory_space<vmem>> -> memref<128x128xf32, #tpu.memory_space<vmem>>
        %dma_wait3A_95 = arith.constant 0 : i32
        %dma_wait3A_96 = tpu.memref_slice %arg8[%add3A_62, %dma_wait3A_95] : memref<8192x128xf32, #tpu.memory_space<vmem_shared>> -> memref<128x128xf32, #tpu.memory_space<vmem_shared>>
        tpu.wait_dma2 semaphore(%run_scoped3A_74 : memref<!tpu.dma_semaphore, #tpu.memory_space<semaphore_mem>>) src(%dma_wait3A_96 : memref<128x128xf32, #tpu.memory_space<vmem_shared>>) dst(%dma_wait3A_94 : memref<128x128xf32, #tpu.memory_space<vmem>>)
        tpu.yield
      }) : () -> ()
      %run_scoped3A_73 = arith.constant 0 : i32
      "tpu.region"() ({
        %run_scoped3A_74 = tpu.sem_alloc : memref<!tpu.dma_semaphore, #tpu.memory_space<semaphore_mem>>
        %dma_start3A = arith.constant 0 : i32
        %dma_start3A_75 = arith.constant 0 : i32
        %dma_start3A_76 = tpu.memref_slice %arg10[%run_scoped3A_73, %dma_start3A, %dma_start3A_75] : memref<2x128x128xf32, #tpu.memory_space<vmem>> -> memref<1x128x128xf32, #tpu.memory_space<vmem>>
        %dma_start3A_77 = tpu.memref_squeeze %dma_start3A_76 : memref<1x128x128xf32, #tpu.memory_space<vmem>> -> memref<128x128xf32, #tpu.memory_space<vmem>>
        %dma_start3A_78 = arith.constant 0 : i32
        %dma_start3A_79 = tpu.memref_slice %arg6[%add3A_62, %dma_start3A_78] : memref<8192x128xf32, #tpu.memory_space<hbm>> -> memref<128x128xf32, #tpu.memory_space<hbm>>
        %dma_start3A_80 = arith.constant 0 : i32
        %dma_start3A_81 = tpu.memref_slice %arg6[%add3A_62, %dma_start3A_80] : memref<8192x128xf32, #tpu.memory_space<hbm>> -> memref<128x128xf32, #tpu.memory_space<hbm>>
        %dma_start3A_82 = arith.constant 0 : i32
        %dma_start3A_83 = arith.constant 0 : i32
        %dma_start3A_84 = tpu.memref_slice %arg10[%run_scoped3A_73, %dma_start3A_82, %dma_start3A_83] : memref<2x128x128xf32, #tpu.memory_space<vmem>> -> memref<1x128x128xf32, #tpu.memory_space<vmem>>
        %dma_start3A_85 = tpu.memref_squeeze %dma_start3A_84 : memref<1x128x128xf32, #tpu.memory_space<vmem>> -> memref<128x128xf32, #tpu.memory_space<vmem>>
        tpu.enqueue_dma source(%dma_start3A_85 : memref<128x128xf32, #tpu.memory_space<vmem>>) target(%dma_start3A_81 : memref<128x128xf32, #tpu.memory_space<hbm>>) target_semaphore(%run_scoped3A_74 : memref<!tpu.dma_semaphore, #tpu.memory_space<semaphore_mem>>)
        %dma_wait3A = arith.constant 0 : i32
        %dma_wait3A_86 = arith.constant 0 : i32
        %dma_wait3A_87 = tpu.memref_slice %arg10[%run_scoped3A_73, %dma_wait3A, %dma_wait3A_86] : memref<2x128x128xf32, #tpu.memory_space<vmem>> -> memref<1x128x128xf32, #tpu.memory_space<vmem>>
        %dma_wait3A_88 = tpu.memref_squeeze %dma_wait3A_87 : memref<1x128x128xf32, #tpu.memory_space<vmem>> -> memref<128x128xf32, #tpu.memory_space<vmem>>
        %dma_wait3A_89 = arith.constant 0 : i32
        %dma_wait3A_90 = tpu.memref_slice %arg6[%add3A_62, %dma_wait3A_89] : memref<8192x128xf32, #tpu.memory_space<hbm>> -> memref<128x128xf32, #tpu.memory_space<hbm>>
        %dma_wait3A_91 = arith.constant 0 : i32
        %dma_wait3A_92 = tpu.memref_slice %arg6[%add3A_62, %dma_wait3A_91] : memref<8192x128xf32, #tpu.memory_space<hbm>> -> memref<128x128xf32, #tpu.memory_space<hbm>>
        %dma_wait3A_93 = arith.constant 0 : i32
        %dma_wait3A_94 = arith.constant 0 : i32
        %dma_wait3A_95 = tpu.memref_slice %arg10[%run_scoped3A_73, %dma_wait3A_93, %dma_wait3A_94] : memref<2x128x128xf32, #tpu.memory_space<vmem>> -> memref<1x128x128xf32, #tpu.memory_space<vmem>>
        %dma_wait3A_96 = tpu.memref_squeeze %dma_wait3A_95 : memref<1x128x128xf32, #tpu.memory_space<vmem>> -> memref<128x128xf32, #tpu.memory_space<vmem>>
        tpu.wait_dma2 semaphore(%run_scoped3A_74 : memref<!tpu.dma_semaphore, #tpu.memory_space<semaphore_mem>>) src(%dma_wait3A_96 : memref<128x128xf32, #tpu.memory_space<vmem>>) dst(%dma_wait3A_92 : memref<128x128xf32, #tpu.memory_space<hbm>>)
        tpu.yield
      }) : () -> ()
    } else {
    }
    %eq3A_68 = arith.constant 1 : i32
    %eq3A_69 = arith.cmpi eq, %arg0, %eq3A_68 : i32
    %convert_element_type3A_70 = arith.extui %eq3A_69 : i1 to i32
    %cond3A_71 = arith.constant 0 : i32
    %cond3A_72 = arith.cmpi ne, %convert_element_type3A_70, %cond3A_71 : i32
    scf.if %cond3A_72 {
      %run_scoped3A = arith.constant 0 : i32
      "tpu.region"() ({
        %run_scoped3A_74 = tpu.sem_alloc : memref<!tpu.dma_semaphore, #tpu.memory_space<semaphore_mem>>
        %dma_start3A = arith.constant 0 : i32
        %dma_start3A_75 = arith.constant 0 : i32
        %dma_start3A_76 = tpu.memref_slice %arg10[%run_scoped3A, %dma_start3A, %dma_start3A_75] : memref<2x128x128xf32, #tpu.memory_space<vmem>> -> memref<1x128x128xf32, #tpu.memory_space<vmem>>
        %dma_start3A_77 = tpu.memref_squeeze %dma_start3A_76 : memref<1x128x128xf32, #tpu.memory_space<vmem>> -> memref<128x128xf32, #tpu.memory_space<vmem>>
        %dma_start3A_78 = arith.constant 0 : i32
        %dma_start3A_79 = tpu.memref_slice %arg8[%add3A_62, %dma_start3A_78] : memref<8192x128xf32, #tpu.memory_space<vmem_shared>> -> memref<128x128xf32, #tpu.memory_space<vmem_shared>>
        %dma_start3A_80 = arith.constant 0 : i32
        %dma_start3A_81 = arith.constant 0 : i32
        %dma_start3A_82 = tpu.memref_slice %arg10[%run_scoped3A, %dma_start3A_80, %dma_start3A_81] : memref<2x128x128xf32, #tpu.memory_space<vmem>> -> memref<1x128x128xf32, #tpu.memory_space<vmem>>
        %dma_start3A_83 = tpu.memref_squeeze %dma_start3A_82 : memref<1x128x128xf32, #tpu.memory_space<vmem>> -> memref<128x128xf32, #tpu.memory_space<vmem>>
        %dma_start3A_84 = arith.constant 0 : i32
        %dma_start3A_85 = tpu.memref_slice %arg8[%add3A_62, %dma_start3A_84] : memref<8192x128xf32, #tpu.memory_space<vmem_shared>> -> memref<128x128xf32, #tpu.memory_space<vmem_shared>>
        tpu.enqueue_dma source(%dma_start3A_85 : memref<128x128xf32, #tpu.memory_space<vmem_shared>>) target(%dma_start3A_83 : memref<128x128xf32, #tpu.memory_space<vmem>>) target_semaphore(%run_scoped3A_74 : memref<!tpu.dma_semaphore, #tpu.memory_space<semaphore_mem>>)
        %dma_wait3A = arith.constant 0 : i32
        %dma_wait3A_86 = arith.constant 0 : i32
        %dma_wait3A_87 = tpu.memref_slice %arg10[%run_scoped3A, %dma_wait3A, %dma_wait3A_86] : memref<2x128x128xf32, #tpu.memory_space<vmem>> -> memref<1x128x128xf32, #tpu.memory_space<vmem>>
        %dma_wait3A_88 = tpu.memref_squeeze %dma_wait3A_87 : memref<1x128x128xf32, #tpu.memory_space<vmem>> -> memref<128x128xf32, #tpu.memory_space<vmem>>
        %dma_wait3A_89 = arith.constant 0 : i32
        %dma_wait3A_90 = tpu.memref_slice %arg8[%add3A_62, %dma_wait3A_89] : memref<8192x128xf32, #tpu.memory_space<vmem_shared>> -> memref<128x128xf32, #tpu.memory_space<vmem_shared>>
        %dma_wait3A_91 = arith.constant 0 : i32
        %dma_wait3A_92 = arith.constant 0 : i32
        %dma_wait3A_93 = tpu.memref_slice %arg10[%run_scoped3A, %dma_wait3A_91, %dma_wait3A_92] : memref<2x128x128xf32, #tpu.memory_space<vmem>> -> memref<1x128x128xf32, #tpu.memory_space<vmem>>
        %dma_wait3A_94 = tpu.memref_squeeze %dma_wait3A_93 : memref<1x128x128xf32, #tpu.memory_space<vmem>> -> memref<128x128xf32, #tpu.memory_space<vmem>>
        %dma_wait3A_95 = arith.constant 0 : i32
        %dma_wait3A_96 = tpu.memref_slice %arg8[%add3A_62, %dma_wait3A_95] : memref<8192x128xf32, #tpu.memory_space<vmem_shared>> -> memref<128x128xf32, #tpu.memory_space<vmem_shared>>
        tpu.wait_dma2 semaphore(%run_scoped3A_74 : memref<!tpu.dma_semaphore, #tpu.memory_space<semaphore_mem>>) src(%dma_wait3A_96 : memref<128x128xf32, #tpu.memory_space<vmem_shared>>) dst(%dma_wait3A_94 : memref<128x128xf32, #tpu.memory_space<vmem>>)
        tpu.yield
      }) : () -> ()
      %run_scoped3A_73 = arith.constant 0 : i32
      "tpu.region"() ({
        %run_scoped3A_74 = tpu.sem_alloc : memref<!tpu.dma_semaphore, #tpu.memory_space<semaphore_mem>>
        %dma_start3A = arith.constant 0 : i32
        %dma_start3A_75 = arith.constant 0 : i32
        %dma_start3A_76 = tpu.memref_slice %arg10[%run_scoped3A_73, %dma_start3A, %dma_start3A_75] : memref<2x128x128xf32, #tpu.memory_space<vmem>> -> memref<1x128x128xf32, #tpu.memory_space<vmem>>
        %dma_start3A_77 = tpu.memref_squeeze %dma_start3A_76 : memref<1x128x128xf32, #tpu.memory_space<vmem>> -> memref<128x128xf32, #tpu.memory_space<vmem>>
        %dma_start3A_78 = arith.constant 0 : i32
        %dma_start3A_79 = tpu.memref_slice %arg7[%add3A_62, %dma_start3A_78] : memref<8192x128xf32, #tpu.memory_space<hbm>> -> memref<128x128xf32, #tpu.memory_space<hbm>>
        %dma_start3A_80 = arith.constant 0 : i32
        %dma_start3A_81 = tpu.memref_slice %arg7[%add3A_62, %dma_start3A_80] : memref<8192x128xf32, #tpu.memory_space<hbm>> -> memref<128x128xf32, #tpu.memory_space<hbm>>
        %dma_start3A_82 = arith.constant 0 : i32
        %dma_start3A_83 = arith.constant 0 : i32
        %dma_start3A_84 = tpu.memref_slice %arg10[%run_scoped3A_73, %dma_start3A_82, %dma_start3A_83] : memref<2x128x128xf32, #tpu.memory_space<vmem>> -> memref<1x128x128xf32, #tpu.memory_space<vmem>>
        %dma_start3A_85 = tpu.memref_squeeze %dma_start3A_84 : memref<1x128x128xf32, #tpu.memory_space<vmem>> -> memref<128x128xf32, #tpu.memory_space<vmem>>
        tpu.enqueue_dma source(%dma_start3A_85 : memref<128x128xf32, #tpu.memory_space<vmem>>) target(%dma_start3A_81 : memref<128x128xf32, #tpu.memory_space<hbm>>) target_semaphore(%run_scoped3A_74 : memref<!tpu.dma_semaphore, #tpu.memory_space<semaphore_mem>>)
        %dma_wait3A = arith.constant 0 : i32
        %dma_wait3A_86 = arith.constant 0 : i32
        %dma_wait3A_87 = tpu.memref_slice %arg10[%run_scoped3A_73, %dma_wait3A, %dma_wait3A_86] : memref<2x128x128xf32, #tpu.memory_space<vmem>> -> memref<1x128x128xf32, #tpu.memory_space<vmem>>
        %dma_wait3A_88 = tpu.memref_squeeze %dma_wait3A_87 : memref<1x128x128xf32, #tpu.memory_space<vmem>> -> memref<128x128xf32, #tpu.memory_space<vmem>>
        %dma_wait3A_89 = arith.constant 0 : i32
        %dma_wait3A_90 = tpu.memref_slice %arg7[%add3A_62, %dma_wait3A_89] : memref<8192x128xf32, #tpu.memory_space<hbm>> -> memref<128x128xf32, #tpu.memory_space<hbm>>
        %dma_wait3A_91 = arith.constant 0 : i32
        %dma_wait3A_92 = tpu.memref_slice %arg7[%add3A_62, %dma_wait3A_91] : memref<8192x128xf32, #tpu.memory_space<hbm>> -> memref<128x128xf32, #tpu.memory_space<hbm>>
        %dma_wait3A_93 = arith.constant 0 : i32
        %dma_wait3A_94 = arith.constant 0 : i32
        %dma_wait3A_95 = tpu.memref_slice %arg10[%run_scoped3A_73, %dma_wait3A_93, %dma_wait3A_94] : memref<2x128x128xf32, #tpu.memory_space<vmem>> -> memref<1x128x128xf32, #tpu.memory_space<vmem>>
        %dma_wait3A_96 = tpu.memref_squeeze %dma_wait3A_95 : memref<1x128x128xf32, #tpu.memory_space<vmem>> -> memref<128x128xf32, #tpu.memory_space<vmem>>
        tpu.wait_dma2 semaphore(%run_scoped3A_74 : memref<!tpu.dma_semaphore, #tpu.memory_space<semaphore_mem>>) src(%dma_wait3A_96 : memref<128x128xf32, #tpu.memory_space<vmem>>) dst(%dma_wait3A_92 : memref<128x128xf32, #tpu.memory_space<hbm>>)
        tpu.yield
      }) : () -> ()
    } else {
    }
    return
  }
}

#map = affine_map<(d0, d1) -> (0, 0)>
module attributes {stable_mosaic.version = 14 : i64} {
  func.func @k(%arg0: i32, %arg1: i32, %arg2: memref<8192x128xf32, #tpu.memory_space<hbm>>, %arg3: memref<2304x128xi32, #tpu.memory_space<hbm>>, %arg4: memref<294912x128xf32, #tpu.memory_space<hbm>>, %arg5: memref<72x128xi32, #tpu.memory_space<vmem>>, %arg6: memref<2x128x128xf32, #tpu.memory_space<vmem>>, %arg7: memref<!tpu.dma_semaphore, #tpu.memory_space<semaphore_mem>>, %arg8: memref<!tpu.dma_semaphore, #tpu.memory_space<semaphore_mem>>) attributes {dimension_semantics = [#tpu.dimension_semantics<core_parallel>, #tpu.dimension_semantics<subcore_parallel>], iteration_bounds = array<i64: 2, 16>, scalar_prefetch = 0 : i64, scratch_operands = 4 : i64, tpu.core_type = #tpu.core_type<sc_vector_subcore>, window_params = [{transform_indices = #map}, {transform_indices = #map}, {transform_indices = #map}]} {
    %mul3A = arith.constant 2 : i32
    %mul3A_0 = arith.muli %arg1, %mul3A : i32
    %add3A = arith.addi %mul3A_0, %arg0 : i32
    %mul3A_1 = arith.constant 9216 : i32
    %mul3A_2 = arith.muli %add3A, %mul3A_1 : i32
    %mul3A_3 = arith.constant 72 : i32
    %mul3A_4 = arith.muli %add3A, %mul3A_3 : i32
    "tpu.region"() ({
      %run_scoped3A = tpu.sem_alloc : memref<!tpu.dma_semaphore, #tpu.memory_space<semaphore_mem>>
      %dma_start3A_33 = arith.constant 0 : i32
      %dma_start3A_34 = tpu.memref_slice %arg3[%mul3A_4, %dma_start3A_33] : memref<2304x128xi32, #tpu.memory_space<hbm>> -> memref<72x128xi32, #tpu.memory_space<hbm>>
      %dma_start3A_35 = arith.constant 0 : i32
      %dma_start3A_36 = tpu.memref_slice %arg3[%mul3A_4, %dma_start3A_35] : memref<2304x128xi32, #tpu.memory_space<hbm>> -> memref<72x128xi32, #tpu.memory_space<hbm>>
      tpu.enqueue_dma source(%dma_start3A_36 : memref<72x128xi32, #tpu.memory_space<hbm>>) target(%arg5 : memref<72x128xi32, #tpu.memory_space<vmem>>) target_semaphore(%run_scoped3A : memref<!tpu.dma_semaphore, #tpu.memory_space<semaphore_mem>>)
      %dma_wait3A_37 = arith.constant 0 : i32
      %dma_wait3A_38 = tpu.memref_slice %arg3[%mul3A_4, %dma_wait3A_37] : memref<2304x128xi32, #tpu.memory_space<hbm>> -> memref<72x128xi32, #tpu.memory_space<hbm>>
      %dma_wait3A_39 = arith.constant 0 : i32
      %dma_wait3A_40 = tpu.memref_slice %arg3[%mul3A_4, %dma_wait3A_39] : memref<2304x128xi32, #tpu.memory_space<hbm>> -> memref<72x128xi32, #tpu.memory_space<hbm>>
      tpu.wait_dma2 semaphore(%run_scoped3A : memref<!tpu.dma_semaphore, #tpu.memory_space<semaphore_mem>>) src(%dma_wait3A_40 : memref<72x128xi32, #tpu.memory_space<hbm>>) dst(%arg5 : memref<72x128xi32, #tpu.memory_space<vmem>>)
      tpu.yield
    }) : () -> ()
    %dma_start3A = arith.constant 0 : i32
    %dma_start3A_5 = arith.constant 0 : i32
    %dma_start3A_6 = arith.constant 0 : i32
    %dma_start3A_7 = arith.constant 0 : i32
    %dma_start3A_8 = tpu.memref_slice %arg6[%dma_start3A_5, %dma_start3A_6, %dma_start3A_7] : memref<2x128x128xf32, #tpu.memory_space<vmem>> -> memref<1x128x128xf32, #tpu.memory_space<vmem>>
    %dma_start3A_9 = tpu.memref_squeeze %dma_start3A_8 : memref<1x128x128xf32, #tpu.memory_space<vmem>> -> memref<128x128xf32, #tpu.memory_space<vmem>>
    %dma_start3A_10 = arith.constant 0 : i32
    %dma_start3A_11 = tpu.memref_slice %arg5[%dma_start3A, %dma_start3A_10] : memref<72x128xi32, #tpu.memory_space<vmem>> -> memref<1x128xi32, #tpu.memory_space<vmem>>
    %dma_start3A_12 = tpu.memref_squeeze %dma_start3A_11 : memref<1x128xi32, #tpu.memory_space<vmem>> -> memref<128xi32, #tpu.memory_space<vmem>>
    %dma_start3A_13 = arith.constant 0 : i32
    %dma_start3A_14 = arith.constant 0 : i32
    %dma_start3A_15 = tpu.memref_slice %arg2[%dma_start3A_13, %dma_start3A_14] : memref<8192x128xf32, #tpu.memory_space<hbm>> -> memref<8192x128xf32, #tpu.memory_space<hbm>>
    tpu.enqueue_indirect_dma source(%dma_start3A_15 : memref<8192x128xf32, #tpu.memory_space<hbm>>) target(%dma_start3A_9 : memref<128x128xf32, #tpu.memory_space<vmem>>) offsets(%dma_start3A_12 : memref<128xi32, #tpu.memory_space<vmem>>) semaphore(%arg7 : memref<!tpu.dma_semaphore, #tpu.memory_space<semaphore_mem>>)
    %dma_wait3A = arith.constant 0 : i32
    %dma_wait3A_16 = arith.constant 0 : i32
    %dma_wait3A_17 = arith.constant 0 : i32
    %dma_wait3A_18 = arith.constant 0 : i32
    %dma_wait3A_19 = tpu.memref_slice %arg6[%dma_wait3A_16, %dma_wait3A_17, %dma_wait3A_18] : memref<2x128x128xf32, #tpu.memory_space<vmem>> -> memref<1x128x128xf32, #tpu.memory_space<vmem>>
    %dma_wait3A_20 = tpu.memref_squeeze %dma_wait3A_19 : memref<1x128x128xf32, #tpu.memory_space<vmem>> -> memref<128x128xf32, #tpu.memory_space<vmem>>
    %dma_wait3A_21 = arith.constant 0 : i32
    %dma_wait3A_22 = tpu.memref_slice %arg5[%dma_wait3A, %dma_wait3A_21] : memref<72x128xi32, #tpu.memory_space<vmem>> -> memref<1x128xi32, #tpu.memory_space<vmem>>
    %dma_wait3A_23 = tpu.memref_squeeze %dma_wait3A_22 : memref<1x128xi32, #tpu.memory_space<vmem>> -> memref<128xi32, #tpu.memory_space<vmem>>
    %dma_wait3A_24 = arith.constant 0 : i32
    %dma_wait3A_25 = arith.constant 0 : i32
    %dma_wait3A_26 = tpu.memref_slice %arg2[%dma_wait3A_24, %dma_wait3A_25] : memref<8192x128xf32, #tpu.memory_space<hbm>> -> memref<8192x128xf32, #tpu.memory_space<hbm>>
    tpu.wait_indirect_dma semaphore(%arg7 : memref<!tpu.dma_semaphore, #tpu.memory_space<semaphore_mem>>) src(%dma_wait3A_26 : memref<8192x128xf32, #tpu.memory_space<hbm>>) dst(%dma_wait3A_20 : memref<128x128xf32, #tpu.memory_space<vmem>>)
    %scan3A = arith.constant 0 : i32
    %scan3A_27 = arith.constant 0 : i32
    %scan3A_28 = arith.constant 72 : i32
    %scan3A_29 = arith.addi %scan3A_27, %scan3A_28 : i32
    %scan3A_30 = arith.constant 1 : i32
    %scan3A_31 = scf.for %scan3A_33 = %scan3A_27 to %scan3A_29 step %scan3A_30 iter_args(%scan3A_34 = %scan3A) -> (i32)  : i32 {
      %rem3A = arith.constant 2 : i32
      %rem3A_35 = arith.remsi %scan3A_33, %rem3A : i32
      %add3A_36 = arith.constant 1 : i32
      %add3A_37 = arith.addi %scan3A_33, %add3A_36 : i32
      %rem3A_38 = arith.constant 2 : i32
      %rem3A_39 = arith.remsi %add3A_37, %rem3A_38 : i32
      %add3A_40 = arith.constant 1 : i32
      %add3A_41 = arith.addi %scan3A_33, %add3A_40 : i32
      %min3A = arith.constant 71 : i32
      %min3A_42 = arith.minsi %add3A_41, %min3A : i32
      %dma_start3A_43 = arith.constant 0 : i32
      %dma_start3A_44 = arith.constant 0 : i32
      %dma_start3A_45 = tpu.memref_slice %arg6[%rem3A_39, %dma_start3A_43, %dma_start3A_44] : memref<2x128x128xf32, #tpu.memory_space<vmem>> -> memref<1x128x128xf32, #tpu.memory_space<vmem>>
      %dma_start3A_46 = tpu.memref_squeeze %dma_start3A_45 : memref<1x128x128xf32, #tpu.memory_space<vmem>> -> memref<128x128xf32, #tpu.memory_space<vmem>>
      %dma_start3A_47 = arith.constant 0 : i32
      %dma_start3A_48 = tpu.memref_slice %arg5[%min3A_42, %dma_start3A_47] : memref<72x128xi32, #tpu.memory_space<vmem>> -> memref<1x128xi32, #tpu.memory_space<vmem>>
      %dma_start3A_49 = tpu.memref_squeeze %dma_start3A_48 : memref<1x128xi32, #tpu.memory_space<vmem>> -> memref<128xi32, #tpu.memory_space<vmem>>
      %dma_start3A_50 = arith.constant 0 : i32
      %dma_start3A_51 = arith.constant 0 : i32
      %dma_start3A_52 = tpu.memref_slice %arg2[%dma_start3A_50, %dma_start3A_51] : memref<8192x128xf32, #tpu.memory_space<hbm>> -> memref<8192x128xf32, #tpu.memory_space<hbm>>
      tpu.enqueue_indirect_dma source(%dma_start3A_52 : memref<8192x128xf32, #tpu.memory_space<hbm>>) target(%dma_start3A_46 : memref<128x128xf32, #tpu.memory_space<vmem>>) offsets(%dma_start3A_49 : memref<128xi32, #tpu.memory_space<vmem>>) semaphore(%arg7 : memref<!tpu.dma_semaphore, #tpu.memory_space<semaphore_mem>>)
      %mul3A_53 = arith.constant 128 : i32
      %mul3A_54 = arith.muli %scan3A_33, %mul3A_53 : i32
      %add3A_55 = arith.addi %mul3A_2, %mul3A_54 : i32
      %dma_start3A_56 = arith.constant 0 : i32
      %dma_start3A_57 = arith.constant 0 : i32
      %dma_start3A_58 = tpu.memref_slice %arg6[%rem3A_35, %dma_start3A_56, %dma_start3A_57] : memref<2x128x128xf32, #tpu.memory_space<vmem>> -> memref<1x128x128xf32, #tpu.memory_space<vmem>>
      %dma_start3A_59 = tpu.memref_squeeze %dma_start3A_58 : memref<1x128x128xf32, #tpu.memory_space<vmem>> -> memref<128x128xf32, #tpu.memory_space<vmem>>
      %dma_start3A_60 = arith.constant 0 : i32
      %dma_start3A_61 = tpu.memref_slice %arg4[%add3A_55, %dma_start3A_60] : memref<294912x128xf32, #tpu.memory_space<hbm>> -> memref<128x128xf32, #tpu.memory_space<hbm>>
      %dma_start3A_62 = arith.constant 0 : i32
      %dma_start3A_63 = tpu.memref_slice %arg4[%add3A_55, %dma_start3A_62] : memref<294912x128xf32, #tpu.memory_space<hbm>> -> memref<128x128xf32, #tpu.memory_space<hbm>>
      %dma_start3A_64 = arith.constant 0 : i32
      %dma_start3A_65 = arith.constant 0 : i32
      %dma_start3A_66 = tpu.memref_slice %arg6[%rem3A_35, %dma_start3A_64, %dma_start3A_65] : memref<2x128x128xf32, #tpu.memory_space<vmem>> -> memref<1x128x128xf32, #tpu.memory_space<vmem>>
      %dma_start3A_67 = tpu.memref_squeeze %dma_start3A_66 : memref<1x128x128xf32, #tpu.memory_space<vmem>> -> memref<128x128xf32, #tpu.memory_space<vmem>>
      tpu.enqueue_dma source(%dma_start3A_67 : memref<128x128xf32, #tpu.memory_space<vmem>>) target(%dma_start3A_63 : memref<128x128xf32, #tpu.memory_space<hbm>>) target_semaphore(%arg8 : memref<!tpu.dma_semaphore, #tpu.memory_space<semaphore_mem>>)
      %dma_wait3A_68 = arith.constant 0 : i32
      %dma_wait3A_69 = arith.constant 0 : i32
      %dma_wait3A_70 = tpu.memref_slice %arg6[%rem3A_35, %dma_wait3A_68, %dma_wait3A_69] : memref<2x128x128xf32, #tpu.memory_space<vmem>> -> memref<1x128x128xf32, #tpu.memory_space<vmem>>
      %dma_wait3A_71 = tpu.memref_squeeze %dma_wait3A_70 : memref<1x128x128xf32, #tpu.memory_space<vmem>> -> memref<128x128xf32, #tpu.memory_space<vmem>>
      %dma_wait3A_72 = arith.constant 0 : i32
      %dma_wait3A_73 = tpu.memref_slice %arg4[%add3A_55, %dma_wait3A_72] : memref<294912x128xf32, #tpu.memory_space<hbm>> -> memref<128x128xf32, #tpu.memory_space<hbm>>
      %dma_wait3A_74 = arith.constant 0 : i32
      %dma_wait3A_75 = tpu.memref_slice %arg4[%add3A_55, %dma_wait3A_74] : memref<294912x128xf32, #tpu.memory_space<hbm>> -> memref<128x128xf32, #tpu.memory_space<hbm>>
      %dma_wait3A_76 = arith.constant 0 : i32
      %dma_wait3A_77 = arith.constant 0 : i32
      %dma_wait3A_78 = tpu.memref_slice %arg6[%rem3A_35, %dma_wait3A_76, %dma_wait3A_77] : memref<2x128x128xf32, #tpu.memory_space<vmem>> -> memref<1x128x128xf32, #tpu.memory_space<vmem>>
      %dma_wait3A_79 = tpu.memref_squeeze %dma_wait3A_78 : memref<1x128x128xf32, #tpu.memory_space<vmem>> -> memref<128x128xf32, #tpu.memory_space<vmem>>
      tpu.wait_dma2 semaphore(%arg8 : memref<!tpu.dma_semaphore, #tpu.memory_space<semaphore_mem>>) src(%dma_wait3A_79 : memref<128x128xf32, #tpu.memory_space<vmem>>) dst(%dma_wait3A_75 : memref<128x128xf32, #tpu.memory_space<hbm>>)
      %dma_wait3A_80 = arith.constant 0 : i32
      %dma_wait3A_81 = arith.constant 0 : i32
      %dma_wait3A_82 = tpu.memref_slice %arg6[%rem3A_39, %dma_wait3A_80, %dma_wait3A_81] : memref<2x128x128xf32, #tpu.memory_space<vmem>> -> memref<1x128x128xf32, #tpu.memory_space<vmem>>
      %dma_wait3A_83 = tpu.memref_squeeze %dma_wait3A_82 : memref<1x128x128xf32, #tpu.memory_space<vmem>> -> memref<128x128xf32, #tpu.memory_space<vmem>>
      %dma_wait3A_84 = arith.constant 0 : i32
      %dma_wait3A_85 = tpu.memref_slice %arg5[%min3A_42, %dma_wait3A_84] : memref<72x128xi32, #tpu.memory_space<vmem>> -> memref<1x128xi32, #tpu.memory_space<vmem>>
      %dma_wait3A_86 = tpu.memref_squeeze %dma_wait3A_85 : memref<1x128xi32, #tpu.memory_space<vmem>> -> memref<128xi32, #tpu.memory_space<vmem>>
      %dma_wait3A_87 = arith.constant 0 : i32
      %dma_wait3A_88 = arith.constant 0 : i32
      %dma_wait3A_89 = tpu.memref_slice %arg2[%dma_wait3A_87, %dma_wait3A_88] : memref<8192x128xf32, #tpu.memory_space<hbm>> -> memref<8192x128xf32, #tpu.memory_space<hbm>>
      tpu.wait_indirect_dma semaphore(%arg7 : memref<!tpu.dma_semaphore, #tpu.memory_space<semaphore_mem>>) src(%dma_wait3A_89 : memref<8192x128xf32, #tpu.memory_space<hbm>>) dst(%dma_wait3A_83 : memref<128x128xf32, #tpu.memory_space<vmem>>)
      %scan3A_90 = arith.constant 0 : i32
      scf.yield %scan3A_90 : i32
    }
    %scan3A_32 = arith.constant 72 : i32
    return
  }
}

#map = affine_map<(d0, d1) -> (0, 0)>
module attributes {stable_mosaic.version = 14 : i64} {
  func.func @k(%arg0: i32, %arg1: i32, %arg2: memref<8192x128xf32, #tpu.memory_space<hbm>>, %arg3: memref<2304x128xi32, #tpu.memory_space<hbm>>, %arg4: memref<294912x128xf32, #tpu.memory_space<hbm>>, %arg5: memref<72x128xi32, #tpu.memory_space<vmem>>, %arg6: memref<2x128x128xf32, #tpu.memory_space<vmem>>, %arg7: memref<!tpu.dma_semaphore, #tpu.memory_space<semaphore_mem>>, %arg8: memref<!tpu.dma_semaphore, #tpu.memory_space<semaphore_mem>>) attributes {dimension_semantics = [#tpu.dimension_semantics<core_parallel>, #tpu.dimension_semantics<subcore_parallel>], iteration_bounds = array<i64: 2, 16>, scalar_prefetch = 0 : i64, scratch_operands = 4 : i64, tpu.core_type = #tpu.core_type<sc_vector_subcore>, window_params = [{transform_indices = #map}, {transform_indices = #map}, {transform_indices = #map}]} {
    %mul3A = arith.constant 2 : i32
    %mul3A_0 = arith.muli %arg1, %mul3A : i32
    %add3A = arith.addi %mul3A_0, %arg0 : i32
    %mul3A_1 = arith.constant 9216 : i32
    %mul3A_2 = arith.muli %add3A, %mul3A_1 : i32
    %mul3A_3 = arith.constant 72 : i32
    %mul3A_4 = arith.muli %add3A, %mul3A_3 : i32
    "tpu.region"() ({
      %run_scoped3A = tpu.sem_alloc : memref<!tpu.dma_semaphore, #tpu.memory_space<semaphore_mem>>
      %dma_start3A_33 = arith.constant 0 : i32
      %dma_start3A_34 = tpu.memref_slice %arg3[%mul3A_4, %dma_start3A_33] : memref<2304x128xi32, #tpu.memory_space<hbm>> -> memref<72x128xi32, #tpu.memory_space<hbm>>
      %dma_start3A_35 = arith.constant 0 : i32
      %dma_start3A_36 = tpu.memref_slice %arg3[%mul3A_4, %dma_start3A_35] : memref<2304x128xi32, #tpu.memory_space<hbm>> -> memref<72x128xi32, #tpu.memory_space<hbm>>
      tpu.enqueue_dma source(%dma_start3A_36 : memref<72x128xi32, #tpu.memory_space<hbm>>) target(%arg5 : memref<72x128xi32, #tpu.memory_space<vmem>>) target_semaphore(%run_scoped3A : memref<!tpu.dma_semaphore, #tpu.memory_space<semaphore_mem>>)
      %dma_wait3A_37 = arith.constant 0 : i32
      %dma_wait3A_38 = tpu.memref_slice %arg3[%mul3A_4, %dma_wait3A_37] : memref<2304x128xi32, #tpu.memory_space<hbm>> -> memref<72x128xi32, #tpu.memory_space<hbm>>
      %dma_wait3A_39 = arith.constant 0 : i32
      %dma_wait3A_40 = tpu.memref_slice %arg3[%mul3A_4, %dma_wait3A_39] : memref<2304x128xi32, #tpu.memory_space<hbm>> -> memref<72x128xi32, #tpu.memory_space<hbm>>
      tpu.wait_dma2 semaphore(%run_scoped3A : memref<!tpu.dma_semaphore, #tpu.memory_space<semaphore_mem>>) src(%dma_wait3A_40 : memref<72x128xi32, #tpu.memory_space<hbm>>) dst(%arg5 : memref<72x128xi32, #tpu.memory_space<vmem>>)
      tpu.yield
    }) : () -> ()
    %dma_start3A = arith.constant 0 : i32
    %dma_start3A_5 = arith.constant 0 : i32
    %dma_start3A_6 = arith.constant 0 : i32
    %dma_start3A_7 = arith.constant 0 : i32
    %dma_start3A_8 = tpu.memref_slice %arg6[%dma_start3A_5, %dma_start3A_6, %dma_start3A_7] : memref<2x128x128xf32, #tpu.memory_space<vmem>> -> memref<1x128x128xf32, #tpu.memory_space<vmem>>
    %dma_start3A_9 = tpu.memref_squeeze %dma_start3A_8 : memref<1x128x128xf32, #tpu.memory_space<vmem>> -> memref<128x128xf32, #tpu.memory_space<vmem>>
    %dma_start3A_10 = arith.constant 0 : i32
    %dma_start3A_11 = tpu.memref_slice %arg5[%dma_start3A, %dma_start3A_10] : memref<72x128xi32, #tpu.memory_space<vmem>> -> memref<1x128xi32, #tpu.memory_space<vmem>>
    %dma_start3A_12 = tpu.memref_squeeze %dma_start3A_11 : memref<1x128xi32, #tpu.memory_space<vmem>> -> memref<128xi32, #tpu.memory_space<vmem>>
    %dma_start3A_13 = arith.constant 0 : i32
    %dma_start3A_14 = arith.constant 0 : i32
    %dma_start3A_15 = tpu.memref_slice %arg2[%dma_start3A_13, %dma_start3A_14] : memref<8192x128xf32, #tpu.memory_space<hbm>> -> memref<8192x128xf32, #tpu.memory_space<hbm>>
    tpu.enqueue_indirect_dma source(%dma_start3A_15 : memref<8192x128xf32, #tpu.memory_space<hbm>>) target(%dma_start3A_9 : memref<128x128xf32, #tpu.memory_space<vmem>>) offsets(%dma_start3A_12 : memref<128xi32, #tpu.memory_space<vmem>>) semaphore(%arg7 : memref<!tpu.dma_semaphore, #tpu.memory_space<semaphore_mem>>)
    %dma_wait3A = arith.constant 0 : i32
    %dma_wait3A_16 = arith.constant 0 : i32
    %dma_wait3A_17 = arith.constant 0 : i32
    %dma_wait3A_18 = arith.constant 0 : i32
    %dma_wait3A_19 = tpu.memref_slice %arg6[%dma_wait3A_16, %dma_wait3A_17, %dma_wait3A_18] : memref<2x128x128xf32, #tpu.memory_space<vmem>> -> memref<1x128x128xf32, #tpu.memory_space<vmem>>
    %dma_wait3A_20 = tpu.memref_squeeze %dma_wait3A_19 : memref<1x128x128xf32, #tpu.memory_space<vmem>> -> memref<128x128xf32, #tpu.memory_space<vmem>>
    %dma_wait3A_21 = arith.constant 0 : i32
    %dma_wait3A_22 = tpu.memref_slice %arg5[%dma_wait3A, %dma_wait3A_21] : memref<72x128xi32, #tpu.memory_space<vmem>> -> memref<1x128xi32, #tpu.memory_space<vmem>>
    %dma_wait3A_23 = tpu.memref_squeeze %dma_wait3A_22 : memref<1x128xi32, #tpu.memory_space<vmem>> -> memref<128xi32, #tpu.memory_space<vmem>>
    %dma_wait3A_24 = arith.constant 0 : i32
    %dma_wait3A_25 = arith.constant 0 : i32
    %dma_wait3A_26 = tpu.memref_slice %arg2[%dma_wait3A_24, %dma_wait3A_25] : memref<8192x128xf32, #tpu.memory_space<hbm>> -> memref<8192x128xf32, #tpu.memory_space<hbm>>
    tpu.wait_indirect_dma semaphore(%arg7 : memref<!tpu.dma_semaphore, #tpu.memory_space<semaphore_mem>>) src(%dma_wait3A_26 : memref<8192x128xf32, #tpu.memory_space<hbm>>) dst(%dma_wait3A_20 : memref<128x128xf32, #tpu.memory_space<vmem>>)
    %scan3A = arith.constant 0 : i32
    %scan3A_27 = arith.constant 0 : i32
    %scan3A_28 = arith.constant 72 : i32
    %scan3A_29 = arith.addi %scan3A_27, %scan3A_28 : i32
    %scan3A_30 = arith.constant 1 : i32
    %scan3A_31 = scf.for %scan3A_33 = %scan3A_27 to %scan3A_29 step %scan3A_30 iter_args(%scan3A_34 = %scan3A) -> (i32)  : i32 {
      %rem3A = arith.constant 2 : i32
      %rem3A_35 = arith.remsi %scan3A_33, %rem3A : i32
      %add3A_36 = arith.constant 1 : i32
      %add3A_37 = arith.addi %scan3A_33, %add3A_36 : i32
      %rem3A_38 = arith.constant 2 : i32
      %rem3A_39 = arith.remsi %add3A_37, %rem3A_38 : i32
      %add3A_40 = arith.constant 1 : i32
      %add3A_41 = arith.addi %scan3A_33, %add3A_40 : i32
      %min3A = arith.constant 71 : i32
      %min3A_42 = arith.minsi %add3A_41, %min3A : i32
      %dma_start3A_43 = arith.constant 0 : i32
      %dma_start3A_44 = arith.constant 0 : i32
      %dma_start3A_45 = tpu.memref_slice %arg6[%rem3A_39, %dma_start3A_43, %dma_start3A_44] : memref<2x128x128xf32, #tpu.memory_space<vmem>> -> memref<1x128x128xf32, #tpu.memory_space<vmem>>
      %dma_start3A_46 = tpu.memref_squeeze %dma_start3A_45 : memref<1x128x128xf32, #tpu.memory_space<vmem>> -> memref<128x128xf32, #tpu.memory_space<vmem>>
      %dma_start3A_47 = arith.constant 0 : i32
      %dma_start3A_48 = tpu.memref_slice %arg5[%min3A_42, %dma_start3A_47] : memref<72x128xi32, #tpu.memory_space<vmem>> -> memref<1x128xi32, #tpu.memory_space<vmem>>
      %dma_start3A_49 = tpu.memref_squeeze %dma_start3A_48 : memref<1x128xi32, #tpu.memory_space<vmem>> -> memref<128xi32, #tpu.memory_space<vmem>>
      %dma_start3A_50 = arith.constant 0 : i32
      %dma_start3A_51 = arith.constant 0 : i32
      %dma_start3A_52 = tpu.memref_slice %arg2[%dma_start3A_50, %dma_start3A_51] : memref<8192x128xf32, #tpu.memory_space<hbm>> -> memref<8192x128xf32, #tpu.memory_space<hbm>>
      tpu.enqueue_indirect_dma source(%dma_start3A_52 : memref<8192x128xf32, #tpu.memory_space<hbm>>) target(%dma_start3A_46 : memref<128x128xf32, #tpu.memory_space<vmem>>) offsets(%dma_start3A_49 : memref<128xi32, #tpu.memory_space<vmem>>) semaphore(%arg7 : memref<!tpu.dma_semaphore, #tpu.memory_space<semaphore_mem>>)
      %mul3A_53 = arith.constant 128 : i32
      %mul3A_54 = arith.muli %scan3A_33, %mul3A_53 : i32
      %add3A_55 = arith.addi %mul3A_2, %mul3A_54 : i32
      %dma_start3A_56 = arith.constant 0 : i32
      %dma_start3A_57 = arith.constant 0 : i32
      %dma_start3A_58 = tpu.memref_slice %arg6[%rem3A_35, %dma_start3A_56, %dma_start3A_57] : memref<2x128x128xf32, #tpu.memory_space<vmem>> -> memref<1x128x128xf32, #tpu.memory_space<vmem>>
      %dma_start3A_59 = tpu.memref_squeeze %dma_start3A_58 : memref<1x128x128xf32, #tpu.memory_space<vmem>> -> memref<128x128xf32, #tpu.memory_space<vmem>>
      %dma_start3A_60 = arith.constant 0 : i32
      %dma_start3A_61 = tpu.memref_slice %arg4[%add3A_55, %dma_start3A_60] : memref<294912x128xf32, #tpu.memory_space<hbm>> -> memref<128x128xf32, #tpu.memory_space<hbm>>
      %dma_start3A_62 = arith.constant 0 : i32
      %dma_start3A_63 = tpu.memref_slice %arg4[%add3A_55, %dma_start3A_62] : memref<294912x128xf32, #tpu.memory_space<hbm>> -> memref<128x128xf32, #tpu.memory_space<hbm>>
      %dma_start3A_64 = arith.constant 0 : i32
      %dma_start3A_65 = arith.constant 0 : i32
      %dma_start3A_66 = tpu.memref_slice %arg6[%rem3A_35, %dma_start3A_64, %dma_start3A_65] : memref<2x128x128xf32, #tpu.memory_space<vmem>> -> memref<1x128x128xf32, #tpu.memory_space<vmem>>
      %dma_start3A_67 = tpu.memref_squeeze %dma_start3A_66 : memref<1x128x128xf32, #tpu.memory_space<vmem>> -> memref<128x128xf32, #tpu.memory_space<vmem>>
      tpu.enqueue_dma source(%dma_start3A_67 : memref<128x128xf32, #tpu.memory_space<vmem>>) target(%dma_start3A_63 : memref<128x128xf32, #tpu.memory_space<hbm>>) target_semaphore(%arg8 : memref<!tpu.dma_semaphore, #tpu.memory_space<semaphore_mem>>)
      %dma_wait3A_68 = arith.constant 0 : i32
      %dma_wait3A_69 = arith.constant 0 : i32
      %dma_wait3A_70 = tpu.memref_slice %arg6[%rem3A_35, %dma_wait3A_68, %dma_wait3A_69] : memref<2x128x128xf32, #tpu.memory_space<vmem>> -> memref<1x128x128xf32, #tpu.memory_space<vmem>>
      %dma_wait3A_71 = tpu.memref_squeeze %dma_wait3A_70 : memref<1x128x128xf32, #tpu.memory_space<vmem>> -> memref<128x128xf32, #tpu.memory_space<vmem>>
      %dma_wait3A_72 = arith.constant 0 : i32
      %dma_wait3A_73 = tpu.memref_slice %arg4[%add3A_55, %dma_wait3A_72] : memref<294912x128xf32, #tpu.memory_space<hbm>> -> memref<128x128xf32, #tpu.memory_space<hbm>>
      %dma_wait3A_74 = arith.constant 0 : i32
      %dma_wait3A_75 = tpu.memref_slice %arg4[%add3A_55, %dma_wait3A_74] : memref<294912x128xf32, #tpu.memory_space<hbm>> -> memref<128x128xf32, #tpu.memory_space<hbm>>
      %dma_wait3A_76 = arith.constant 0 : i32
      %dma_wait3A_77 = arith.constant 0 : i32
      %dma_wait3A_78 = tpu.memref_slice %arg6[%rem3A_35, %dma_wait3A_76, %dma_wait3A_77] : memref<2x128x128xf32, #tpu.memory_space<vmem>> -> memref<1x128x128xf32, #tpu.memory_space<vmem>>
      %dma_wait3A_79 = tpu.memref_squeeze %dma_wait3A_78 : memref<1x128x128xf32, #tpu.memory_space<vmem>> -> memref<128x128xf32, #tpu.memory_space<vmem>>
      tpu.wait_dma2 semaphore(%arg8 : memref<!tpu.dma_semaphore, #tpu.memory_space<semaphore_mem>>) src(%dma_wait3A_79 : memref<128x128xf32, #tpu.memory_space<vmem>>) dst(%dma_wait3A_75 : memref<128x128xf32, #tpu.memory_space<hbm>>)
      %dma_wait3A_80 = arith.constant 0 : i32
      %dma_wait3A_81 = arith.constant 0 : i32
      %dma_wait3A_82 = tpu.memref_slice %arg6[%rem3A_39, %dma_wait3A_80, %dma_wait3A_81] : memref<2x128x128xf32, #tpu.memory_space<vmem>> -> memref<1x128x128xf32, #tpu.memory_space<vmem>>
      %dma_wait3A_83 = tpu.memref_squeeze %dma_wait3A_82 : memref<1x128x128xf32, #tpu.memory_space<vmem>> -> memref<128x128xf32, #tpu.memory_space<vmem>>
      %dma_wait3A_84 = arith.constant 0 : i32
      %dma_wait3A_85 = tpu.memref_slice %arg5[%min3A_42, %dma_wait3A_84] : memref<72x128xi32, #tpu.memory_space<vmem>> -> memref<1x128xi32, #tpu.memory_space<vmem>>
      %dma_wait3A_86 = tpu.memref_squeeze %dma_wait3A_85 : memref<1x128xi32, #tpu.memory_space<vmem>> -> memref<128xi32, #tpu.memory_space<vmem>>
      %dma_wait3A_87 = arith.constant 0 : i32
      %dma_wait3A_88 = arith.constant 0 : i32
      %dma_wait3A_89 = tpu.memref_slice %arg2[%dma_wait3A_87, %dma_wait3A_88] : memref<8192x128xf32, #tpu.memory_space<hbm>> -> memref<8192x128xf32, #tpu.memory_space<hbm>>
      tpu.wait_indirect_dma semaphore(%arg7 : memref<!tpu.dma_semaphore, #tpu.memory_space<semaphore_mem>>) src(%dma_wait3A_89 : memref<8192x128xf32, #tpu.memory_space<hbm>>) dst(%dma_wait3A_83 : memref<128x128xf32, #tpu.memory_space<vmem>>)
      %scan3A_90 = arith.constant 0 : i32
      scf.yield %scan3A_90 : i32
    }
    %scan3A_32 = arith.constant 72 : i32
    return
  }
}

module attributes {stable_mosaic.version = 14 : i64} {
  func.func @_tca_body(%arg0: i32, %arg1: memref<1024x128xf32, #tpu.memory_space<vmem>>, %arg2: memref<128x128xf32, #tpu.memory_space<vmem>>, %arg3: memref<1x128xf32, #tpu.memory_space<vmem>>, %arg4: memref<128x128xf32, #tpu.memory_space<vmem>>, %arg5: memref<1024x128xf32, #tpu.memory_space<vmem>>, %arg6: memref<1024x128xf32, #tpu.memory_space<vmem>>) attributes {dimension_semantics = [#tpu.dimension_semantics<arbitrary>], iteration_bounds = array<i64: 8>, scalar_prefetch = 0 : i64, scratch_operands = 0 : i64, tpu.core_type = #tpu.core_type<tc>, window_params = [{transform_indices = @transform_0, window_bounds = array<i64: 1024, 128>}, {pipeline_mode = #tpu.pipeline_mode<synchronous>, transform_indices = @transform_1, window_bounds = array<i64: 128, 128>}, {pipeline_mode = #tpu.pipeline_mode<synchronous>, transform_indices = @transform_2, window_bounds = array<i64: 1, 128>}, {pipeline_mode = #tpu.pipeline_mode<synchronous>, transform_indices = @transform_3, window_bounds = array<i64: 128, 128>}, {transform_indices = @transform_4, window_bounds = array<i64: 1024, 128>}, {transform_indices = @transform_5, window_bounds = array<i64: 1024, 128>}]} {
    %get3A = arith.constant 0 : index
    %get3A_0 = arith.constant 0 : index
    %get3A_1 = vector.load %arg1[%get3A, %get3A_0] : memref<1024x128xf32, #tpu.memory_space<vmem>>, vector<1024x128xf32>
    %get3A_2 = arith.constant 0 : index
    %get3A_3 = arith.constant 0 : index
    %get3A_4 = vector.load %arg2[%get3A_2, %get3A_3] : memref<128x128xf32, #tpu.memory_space<vmem>>, vector<128x128xf32>
    %dot_general3A = arith.constant dense<0.000000e+00> : vector<1024x128xf32>
    %dot_general3A_5 = tpu.matmul %get3A_1, %get3A_4, %dot_general3A {dimension_numbers = #tpu.dot_dimension_numbers<[1], [0], [0], [1], [0, 0, 1, 1], [], []>, transpose_lhs_hint = false} : vector<1024x128xf32>, vector<128x128xf32>, vector<1024x128xf32> -> vector<1024x128xf32>
    %get3A_6 = arith.constant 0 : index
    %get3A_7 = arith.constant 0 : index
    %get3A_8 = vector.load %arg3[%get3A_6, %get3A_7] : memref<1x128xf32, #tpu.memory_space<vmem>>, vector<1x128xf32>
    %add3A = vector.broadcast %get3A_8 : vector<1x128xf32> to vector<1024x128xf32>
    %add3A_9 = arith.addf %dot_general3A_5, %add3A : vector<1024x128xf32>
    %swap3A = arith.constant 0 : index
    %swap3A_10 = arith.constant 0 : index
    %swap3A_11 = vector.load %arg5[%swap3A, %swap3A_10] : memref<1024x128xf32, #tpu.memory_space<vmem>>, vector<1024x128xf32>
    tpu.vector_store %arg5[%swap3A, %swap3A_10], %add3A_9 {strides = array<i32>} : memref<1024x128xf32, #tpu.memory_space<vmem>>, vector<1024x128xf32>,
    %get3A_12 = arith.constant 0 : index
    %get3A_13 = arith.constant 0 : index
    %get3A_14 = vector.load %arg4[%get3A_12, %get3A_13] : memref<128x128xf32, #tpu.memory_space<vmem>>, vector<128x128xf32>
    %dot_general3A_15 = arith.constant dense<0.000000e+00> : vector<1024x128xf32>
    %dot_general3A_16 = tpu.matmul %get3A_1, %get3A_14, %dot_general3A_15 {dimension_numbers = #tpu.dot_dimension_numbers<[1], [0], [0], [1], [0, 0, 1, 1], [], []>, transpose_lhs_hint = false} : vector<1024x128xf32>, vector<128x128xf32>, vector<1024x128xf32> -> vector<1024x128xf32>
    %swap3A_17 = arith.constant 0 : index
    %swap3A_18 = arith.constant 0 : index
    %swap3A_19 = vector.load %arg6[%swap3A_17, %swap3A_18] : memref<1024x128xf32, #tpu.memory_space<vmem>>, vector<1024x128xf32>
    tpu.vector_store %arg6[%swap3A_17, %swap3A_18], %dot_general3A_16 {strides = array<i32>} : memref<1024x128xf32, #tpu.memory_space<vmem>>, vector<1024x128xf32>,
    return
  }
  func.func @transform_0(%arg0: i32) -> (i32, i32) {
    %c0_i32 = arith.constant 0 : i32
    %c0_i32_0 = arith.constant 0 : i32
    return %arg0, %c0_i32 : i32, i32
  }
  func.func @transform_1(%arg0: i32) -> (i32, i32) {
    %c0_i32 = arith.constant 0 : i32
    %c0_i32_0 = arith.constant 0 : i32
    %c0_i32_1 = arith.constant 0 : i32
    return %c0_i32, %c0_i32_0 : i32, i32
  }
  func.func @transform_2(%arg0: i32) -> (i32, i32) {
    %c0_i32 = arith.constant 0 : i32
    %c0_i32_0 = arith.constant 0 : i32
    %c0_i32_1 = arith.constant 0 : i32
    return %c0_i32, %c0_i32_0 : i32, i32
  }
  func.func @transform_3(%arg0: i32) -> (i32, i32) {
    %c0_i32 = arith.constant 0 : i32
    %c0_i32_0 = arith.constant 0 : i32
    %c0_i32_1 = arith.constant 0 : i32
    return %c0_i32, %c0_i32_0 : i32, i32
  }
  func.func @transform_4(%arg0: i32) -> (i32, i32) {
    %c0_i32 = arith.constant 0 : i32
    %c0_i32_0 = arith.constant 0 : i32
    return %arg0, %c0_i32 : i32, i32
  }
  func.func @transform_5(%arg0: i32) -> (i32, i32) {
    %c0_i32 = arith.constant 0 : i32
    %c0_i32_0 = arith.constant 0 : i32
    return %arg0, %c0_i32 : i32, i32
  }
}

module attributes {stable_mosaic.version = 14 : i64} {
  func.func @_tcb_body(%arg0: i32, %arg1: memref<128x128xf32, #tpu.memory_space<vmem>>, %arg2: memref<128x128xf32, #tpu.memory_space<vmem>>, %arg3: memref<1x36x128x128xf32, #tpu.memory_space<vmem>>, %arg4: memref<4608x128xf32, #tpu.memory_space<vmem>>, %arg5: memref<1x36x128xf32, #tpu.memory_space<vmem>>, %arg6: memref<128x1xf32, #tpu.memory_space<vmem>>, %arg7: memref<128x128xf32, #tpu.memory_space<vmem>>, %arg8: memref<128x128xf32, #tpu.memory_space<vmem>>, %arg9: memref<1x128xf32, #tpu.memory_space<vmem>>, %arg10: memref<128x128xf32, #tpu.memory_space<vmem>>, %arg11: memref<1x128xf32, #tpu.memory_space<vmem>>, %arg12: memref<128x512xf32, #tpu.memory_space<vmem>>, %arg13: memref<1x512xf32, #tpu.memory_space<vmem>>, %arg14: memref<512x128xf32, #tpu.memory_space<vmem>>, %arg15: memref<1x128xf32, #tpu.memory_space<vmem>>, %arg16: memref<1x128xf32, #tpu.memory_space<vmem>>, %arg17: memref<1x128xf32, #tpu.memory_space<vmem>>, %arg18: memref<1x128xf32, #tpu.memory_space<vmem>>, %arg19: memref<1x128xf32, #tpu.memory_space<vmem>>, %arg20: memref<128x128xf32, #tpu.memory_space<vmem>>, %arg21: memref<1x128xf32, #tpu.memory_space<vmem>>, %arg22: memref<128x128xf32, #tpu.memory_space<vmem>>, %arg23: memref<128x128xf32, #tpu.memory_space<vmem>>, %arg24: memref<128x128xf32, #tpu.memory_space<vmem>>, %arg25: memref<128x128xf32, #tpu.memory_space<vmem>>) attributes {dimension_semantics = [#tpu.dimension_semantics<arbitrary>], iteration_bounds = array<i64: 64>, scalar_prefetch = 0 : i64, scratch_operands = 0 : i64, tpu.core_type = #tpu.core_type<tc>, window_params = [{transform_indices = @transform_0, window_bounds = array<i64: 128, 128>}, {transform_indices = @transform_1, window_bounds = array<i64: 128, 128>}, {transform_indices = @transform_2, window_bounds = array<i64: 1, 36, 128, 128>}, {transform_indices = @transform_3, window_bounds = array<i64: 4608, 128>}, {transform_indices = @transform_4, window_bounds = array<i64: 1, 36, 128>}, {transform_indices = @transform_5, window_bounds = array<i64: 128, 1>}, {pipeline_mode = #tpu.pipeline_mode<synchronous>, transform_indices = @transform_6, window_bounds = array<i64: 128, 128>}, {pipeline_mode = #tpu.pipeline_mode<synchronous>, transform_indices = @transform_7, window_bounds = array<i64: 128, 128>}, {pipeline_mode = #tpu.pipeline_mode<synchronous>, transform_indices = @transform_8, window_bounds = array<i64: 1, 128>}, {pipeline_mode = #tpu.pipeline_mode<synchronous>, transform_indices = @transform_9, window_bounds = array<i64: 128, 128>}, {pipeline_mode = #tpu.pipeline_mode<synchronous>, transform_indices = @transform_10, window_bounds = array<i64: 1, 128>}, {pipeline_mode = #tpu.pipeline_mode<synchronous>, transform_indices = @transform_11, window_bounds = array<i64: 128, 512>}, {pipeline_mode = #tpu.pipeline_mode<synchronous>, transform_indices = @transform_12, window_bounds = array<i64: 1, 512>}, {pipeline_mode = #tpu.pipeline_mode<synchronous>, transform_indices = @transform_13, window_bounds = array<i64: 512, 128>}, {pipeline_mode = #tpu.pipeline_mode<synchronous>, transform_indices = @transform_14, window_bounds = array<i64: 1, 128>}, {pipeline_mode = #tpu.pipeline_mode<synchronous>, transform_indices = @transform_15, window_bounds = array<i64: 1, 128>}, {pipeline_mode = #tpu.pipeline_mode<synchronous>, transform_indices = @transform_16, window_bounds = array<i64: 1, 128>}, {pipeline_mode = #tpu.pipeline_mode<synchronous>, transform_indices = @transform_17, window_bounds = array<i64: 1, 128>}, {pipeline_mode = #tpu.pipeline_mode<synchronous>, transform_indices = @transform_18, window_bounds = array<i64: 1, 128>}, {pipeline_mode = #tpu.pipeline_mode<synchronous>, transform_indices = @transform_19, window_bounds = array<i64: 128, 128>}, {pipeline_mode = #tpu.pipeline_mode<synchronous>, transform_indices = @transform_20, window_bounds = array<i64: 1, 128>}, {pipeline_mode = #tpu.pipeline_mode<synchronous>, transform_indices = @transform_21, window_bounds = array<i64: 128, 128>}, {transform_indices = @transform_22, window_bounds = array<i64: 128, 128>}, {transform_indices = @transform_23, window_bounds = array<i64: 128, 128>}, {transform_indices = @transform_24, window_bounds = array<i64: 128, 128>}]} {
    %get3A = arith.constant 0 : index
    %get3A_0 = arith.constant 0 : index
    %get3A_1 = arith.constant 0 : index
    %get3A_2 = arith.constant 0 : index
    %get3A_3 = vector.load %arg3[%get3A, %get3A_0, %get3A_1, %get3A_2] : memref<1x36x128x128xf32, #tpu.memory_space<vmem>>, vector<1x36x128x128xf32>
    %reshape3A = vector.shape_cast %get3A_3 : vector<1x36x128x128xf32> to vector<4608x128xf32>
    %get3A_4 = arith.constant 0 : index
    %get3A_5 = arith.constant 0 : index
    %get3A_6 = vector.load %arg7[%get3A_4, %get3A_5] : memref<128x128xf32, #tpu.memory_space<vmem>>, vector<128x128xf32>
    %dot_general3A = arith.constant dense<0.000000e+00> : vector<4608x128xf32>
    %dot_general3A_7 = tpu.matmul %reshape3A, %get3A_6, %dot_general3A {dimension_numbers = #tpu.dot_dimension_numbers<[1], [0], [0], [1], [0, 0, 1, 1], [], []>, transpose_lhs_hint = false} : vector<4608x128xf32>, vector<128x128xf32>, vector<4608x128xf32> -> vector<4608x128xf32>
    %get3A_8 = arith.constant 0 : index
    %get3A_9 = arith.constant 0 : index
    %get3A_10 = vector.load %arg4[%get3A_8, %get3A_9] : memref<4608x128xf32, #tpu.memory_space<vmem>>, vector<4608x128xf32>
    %add3A = arith.addf %dot_general3A_7, %get3A_10 : vector<4608x128xf32>
    %reshape3A_11 = vector.shape_cast %add3A : vector<4608x128xf32> to vector<36x128x128xf32>
    %get3A_12 = arith.constant 0 : index
    %get3A_13 = arith.constant 0 : index
    %get3A_14 = vector.load %arg2[%get3A_12, %get3A_13] : memref<128x128xf32, #tpu.memory_space<vmem>>, vector<128x128xf32>
    %broadcast_in_dim3A = vector.shape_cast %get3A_14 : vector<128x128xf32> to vector<1x128x128xf32>
    %add3A_15 = vector.broadcast %broadcast_in_dim3A : vector<1x128x128xf32> to vector<36x128x128xf32>
    %add3A_16 = arith.addf %reshape3A_11, %add3A_15 : vector<36x128x128xf32>
    %integer_pow3A = arith.mulf %add3A_16, %add3A_16 : vector<36x128x128xf32>
    %integer_pow3A_17 = arith.mulf %add3A_16, %integer_pow3A : vector<36x128x128xf32>
    %mul3A = arith.constant 4.471500e-02 : f32
    %mul3A_18 = vector.broadcast %mul3A : f32 to vector<36x128x128xf32>
    %mul3A_19 = arith.mulf %mul3A_18, %integer_pow3A_17 : vector<36x128x128xf32>
    %add3A_20 = arith.addf %add3A_16, %mul3A_19 : vector<36x128x128xf32>
    %mul3A_21 = arith.constant 0.797884583 : f32
    %mul3A_22 = vector.broadcast %mul3A_21 : f32 to vector<36x128x128xf32>
    %mul3A_23 = arith.mulf %mul3A_22, %add3A_20 : vector<36x128x128xf32>
    %tanh3A = math.tanh %mul3A_23 : vector<36x128x128xf32>
    %add3A_24 = arith.constant 1.000000e+00 : f32
    %add3A_25 = vector.broadcast %add3A_24 : f32 to vector<36x128x128xf32>
    %add3A_26 = arith.addf %add3A_25, %tanh3A : vector<36x128x128xf32>
    %mul3A_27 = arith.constant 5.000000e-01 : f32
    %mul3A_28 = vector.broadcast %mul3A_27 : f32 to vector<36x128x128xf32>
    %mul3A_29 = arith.mulf %mul3A_28, %add3A_26 : vector<36x128x128xf32>
    %mul3A_30 = arith.mulf %add3A_16, %mul3A_29 : vector<36x128x128xf32>
    %reshape3A_31 = vector.shape_cast %mul3A_30 : vector<36x128x128xf32> to vector<4608x128xf32>
    %get3A_32 = arith.constant 0 : index
    %get3A_33 = arith.constant 0 : index
    %get3A_34 = vector.load %arg8[%get3A_32, %get3A_33] : memref<128x128xf32, #tpu.memory_space<vmem>>, vector<128x128xf32>
    %dot_general3A_35 = arith.constant dense<0.000000e+00> : vector<4608x128xf32>
    %dot_general3A_36 = tpu.matmul %reshape3A_31, %get3A_34, %dot_general3A_35 {dimension_numbers = #tpu.dot_dimension_numbers<[1], [0], [0], [1], [0, 0, 1, 1], [], []>, transpose_lhs_hint = false} : vector<4608x128xf32>, vector<128x128xf32>, vector<4608x128xf32> -> vector<4608x128xf32>
    %get3A_37 = arith.constant 0 : index
    %get3A_38 = arith.constant 0 : index
    %get3A_39 = vector.load %arg9[%get3A_37, %get3A_38] : memref<1x128xf32, #tpu.memory_space<vmem>>, vector<1x128xf32>
    %add3A_40 = vector.broadcast %get3A_39 : vector<1x128xf32> to vector<4608x128xf32>
    %add3A_41 = arith.addf %dot_general3A_36, %add3A_40 : vector<4608x128xf32>
    %integer_pow3A_42 = arith.mulf %add3A_41, %add3A_41 : vector<4608x128xf32>
    %integer_pow3A_43 = arith.mulf %add3A_41, %integer_pow3A_42 : vector<4608x128xf32>
    %mul3A_44 = arith.constant 4.471500e-02 : f32
    %mul3A_45 = vector.broadcast %mul3A_44 : f32 to vector<4608x128xf32>
    %mul3A_46 = arith.mulf %mul3A_45, %integer_pow3A_43 : vector<4608x128xf32>
    %add3A_47 = arith.addf %add3A_41, %mul3A_46 : vector<4608x128xf32>
    %mul3A_48 = arith.constant 0.797884583 : f32
    %mul3A_49 = vector.broadcast %mul3A_48 : f32 to vector<4608x128xf32>
    %mul3A_50 = arith.mulf %mul3A_49, %add3A_47 : vector<4608x128xf32>
    %tanh3A_51 = math.tanh %mul3A_50 : vector<4608x128xf32>
    %add3A_52 = arith.constant 1.000000e+00 : f32
    %add3A_53 = vector.broadcast %add3A_52 : f32 to vector<4608x128xf32>
    %add3A_54 = arith.addf %add3A_53, %tanh3A_51 : vector<4608x128xf32>
    %mul3A_55 = arith.constant 5.000000e-01 : f32
    %mul3A_56 = vector.broadcast %mul3A_55 : f32 to vector<4608x128xf32>
    %mul3A_57 = arith.mulf %mul3A_56, %add3A_54 : vector<4608x128xf32>
    %mul3A_58 = arith.mulf %add3A_41, %mul3A_57 : vector<4608x128xf32>
    %get3A_59 = arith.constant 0 : index
    %get3A_60 = arith.constant 0 : index
    %get3A_61 = arith.constant 0 : index
    %get3A_62 = vector.load %arg5[%get3A_59, %get3A_60, %get3A_61] : memref<1x36x128xf32, #tpu.memory_space<vmem>>, vector<1x36x128xf32>
    %squeeze3A = vector.shape_cast %get3A_62 : vector<1x36x128xf32> to vector<36x128xf32>
    %broadcast_in_dim3A_63 = vector.shape_cast %squeeze3A : vector<36x128xf32> to vector<36x128x1xf32>
    %reshape3A_64 = vector.shape_cast %mul3A_58 : vector<4608x128xf32> to vector<36x128x128xf32>
    %mul3A_65 = vector.broadcast %broadcast_in_dim3A_63 : vector<36x128x1xf32> to vector<36x128x128xf32>
    %mul3A_66 = arith.mulf %reshape3A_64, %mul3A_65 : vector<36x128x128xf32>
    %reduce_sum3A = arith.constant dense<0.000000e+00> : vector<128x128xf32>
    %reduce_sum3A_67 = vector.multi_reduction <add>, %mul3A_66, %reduce_sum3A [0] : vector<36x128x128xf32> to vector<128x128xf32>
    %reduce_sum3A_68 = arith.constant dense<0.000000e+00> : vector<128x1xf32>
    %reduce_sum3A_69 = vector.multi_reduction <add>, %broadcast_in_dim3A_63, %reduce_sum3A_68 [0] : vector<36x128x1xf32> to vector<128x1xf32>
    %get3A_70 = arith.constant 0 : index
    %get3A_71 = arith.constant 0 : index
    %get3A_72 = vector.load %arg10[%get3A_70, %get3A_71] : memref<128x128xf32, #tpu.memory_space<vmem>>, vector<128x128xf32>
    %dot_general3A_73 = arith.constant dense<0.000000e+00> : vector<128x128xf32>
    %dot_general3A_74 = tpu.matmul %reduce_sum3A_67, %get3A_72, %dot_general3A_73 {dimension_numbers = #tpu.dot_dimension_numbers<[1], [0], [0], [1], [0, 0, 1, 1], [], []>, transpose_lhs_hint = false} : vector<128x128xf32>, vector<128x128xf32>, vector<128x128xf32> -> vector<128x128xf32>
    %get3A_75 = arith.constant 0 : index
    %get3A_76 = arith.constant 0 : index
    %get3A_77 = vector.load %arg11[%get3A_75, %get3A_76] : memref<1x128xf32, #tpu.memory_space<vmem>>, vector<1x128xf32>
    %mul3A_78 = vector.broadcast %get3A_77 : vector<1x128xf32> to vector<128x128xf32>
    %mul3A_79 = vector.broadcast %reduce_sum3A_69 : vector<128x1xf32> to vector<128x128xf32>
    %mul3A_80 = arith.mulf %mul3A_78, %mul3A_79 : vector<128x128xf32>
    %add3A_81 = arith.addf %dot_general3A_74, %mul3A_80 : vector<128x128xf32>
    %div3A = arith.constant 3.600000e+01 : f32
    %div3A_82 = vector.broadcast %div3A : f32 to vector<128x128xf32>
    %div3A_83 = arith.divf %add3A_81, %div3A_82 : vector<128x128xf32>
    %get3A_84 = arith.constant 0 : index
    %get3A_85 = arith.constant 0 : index
    %get3A_86 = vector.load %arg1[%get3A_84, %get3A_85] : memref<128x128xf32, #tpu.memory_space<vmem>>, vector<128x128xf32>
    %add3A_87 = arith.addf %get3A_86, %div3A_83 : vector<128x128xf32>
    %get3A_88 = arith.constant 0 : index
    %get3A_89 = arith.constant 0 : index
    %get3A_90 = vector.load %arg16[%get3A_88, %get3A_89] : memref<1x128xf32, #tpu.memory_space<vmem>>, vector<1x128xf32>
    %get3A_91 = arith.constant 0 : index
    %get3A_92 = arith.constant 0 : index
    %get3A_93 = vector.load %arg17[%get3A_91, %get3A_92] : memref<1x128xf32, #tpu.memory_space<vmem>>, vector<1x128xf32>
    %reduce_sum3A_94 = arith.constant dense<0.000000e+00> : vector<128xf32>
    %reduce_sum3A_95 = vector.multi_reduction <add>, %add3A_87, %reduce_sum3A_94 [1] : vector<128x128xf32> to vector<128xf32>
    %broadcast_in_dim3A_96 = vector.shape_cast %reduce_sum3A_95 : vector<128xf32> to vector<128x1xf32>
    %div3A_97 = arith.constant 1.280000e+02 : f32
    %div3A_98 = vector.broadcast %div3A_97 : f32 to vector<128x1xf32>
    %div3A_99 = arith.divf %broadcast_in_dim3A_96, %div3A_98 : vector<128x1xf32>
    %sub3A = vector.broadcast %div3A_99 : vector<128x1xf32> to vector<128x128xf32>
    %sub3A_100 = arith.subf %add3A_87, %sub3A : vector<128x128xf32>
    %integer_pow3A_101 = arith.mulf %sub3A_100, %sub3A_100 : vector<128x128xf32>
    %reduce_sum3A_102 = arith.constant dense<0.000000e+00> : vector<128xf32>
    %reduce_sum3A_103 = vector.multi_reduction <add>, %integer_pow3A_101, %reduce_sum3A_102 [1] : vector<128x128xf32> to vector<128xf32>
    %broadcast_in_dim3A_104 = vector.shape_cast %reduce_sum3A_103 : vector<128xf32> to vector<128x1xf32>
    %div3A_105 = arith.constant 1.280000e+02 : f32
    %div3A_106 = vector.broadcast %div3A_105 : f32 to vector<128x1xf32>
    %div3A_107 = arith.divf %broadcast_in_dim3A_104, %div3A_106 : vector<128x1xf32>
    %sub3A_108 = vector.broadcast %div3A_99 : vector<128x1xf32> to vector<128x128xf32>
    %sub3A_109 = arith.subf %add3A_87, %sub3A_108 : vector<128x128xf32>
    %add3A_110 = arith.constant 9.99999974E-6 : f32
    %add3A_111 = vector.broadcast %add3A_110 : f32 to vector<128x1xf32>
    %add3A_112 = arith.addf %div3A_107, %add3A_111 : vector<128x1xf32>
    %sqrt3A = math.sqrt %add3A_112 : vector<128x1xf32>
    %div3A_113 = vector.broadcast %sqrt3A : vector<128x1xf32> to vector<128x128xf32>
    %div3A_114 = arith.divf %sub3A_109, %div3A_113 : vector<128x128xf32>
    %mul3A_115 = vector.broadcast %get3A_90 : vector<1x128xf32> to vector<128x128xf32>
    %mul3A_116 = arith.mulf %div3A_114, %mul3A_115 : vector<128x128xf32>
    %add3A_117 = vector.broadcast %get3A_93 : vector<1x128xf32> to vector<128x128xf32>
    %add3A_118 = arith.addf %mul3A_116, %add3A_117 : vector<128x128xf32>
    %get3A_119 = arith.constant 0 : index
    %get3A_120 = arith.constant 0 : index
    %get3A_121 = vector.load %arg12[%get3A_119, %get3A_120] : memref<128x512xf32, #tpu.memory_space<vmem>>, vector<128x512xf32>
    %dot_general3A_122 = arith.constant dense<0.000000e+00> : vector<128x512xf32>
    %dot_general3A_123 = tpu.matmul %add3A_118, %get3A_121, %dot_general3A_122 {dimension_numbers = #tpu.dot_dimension_numbers<[1], [0], [0], [1], [0, 0, 1, 1], [], []>, transpose_lhs_hint = false} : vector<128x128xf32>, vector<128x512xf32>, vector<128x512xf32> -> vector<128x512xf32>
    %get3A_124 = arith.constant 0 : index
    %get3A_125 = arith.constant 0 : index
    %get3A_126 = vector.load %arg13[%get3A_124, %get3A_125] : memref<1x512xf32, #tpu.memory_space<vmem>>, vector<1x512xf32>
    %add3A_127 = vector.broadcast %get3A_126 : vector<1x512xf32> to vector<128x512xf32>
    %add3A_128 = arith.addf %dot_general3A_123, %add3A_127 : vector<128x512xf32>
    %integer_pow3A_129 = arith.mulf %add3A_128, %add3A_128 : vector<128x512xf32>
    %integer_pow3A_130 = arith.mulf %add3A_128, %integer_pow3A_129 : vector<128x512xf32>
    %mul3A_131 = arith.constant 4.471500e-02 : f32
    %mul3A_132 = vector.broadcast %mul3A_131 : f32 to vector<128x512xf32>
    %mul3A_133 = arith.mulf %mul3A_132, %integer_pow3A_130 : vector<128x512xf32>
    %add3A_134 = arith.addf %add3A_128, %mul3A_133 : vector<128x512xf32>
    %mul3A_135 = arith.constant 0.797884583 : f32
    %mul3A_136 = vector.broadcast %mul3A_135 : f32 to vector<128x512xf32>
    %mul3A_137 = arith.mulf %mul3A_136, %add3A_134 : vector<128x512xf32>
    %tanh3A_138 = math.tanh %mul3A_137 : vector<128x512xf32>
    %add3A_139 = arith.constant 1.000000e+00 : f32
    %add3A_140 = vector.broadcast %add3A_139 : f32 to vector<128x512xf32>
    %add3A_141 = arith.addf %add3A_140, %tanh3A_138 : vector<128x512xf32>
    %mul3A_142 = arith.constant 5.000000e-01 : f32
    %mul3A_143 = vector.broadcast %mul3A_142 : f32 to vector<128x512xf32>
    %mul3A_144 = arith.mulf %mul3A_143, %add3A_141 : vector<128x512xf32>
    %mul3A_145 = arith.mulf %add3A_128, %mul3A_144 : vector<128x512xf32>
    %get3A_146 = arith.constant 0 : index
    %get3A_147 = arith.constant 0 : index
    %get3A_148 = vector.load %arg14[%get3A_146, %get3A_147] : memref<512x128xf32, #tpu.memory_space<vmem>>, vector<512x128xf32>
    %dot_general3A_149 = arith.constant dense<0.000000e+00> : vector<128x128xf32>
    %dot_general3A_150 = tpu.matmul %mul3A_145, %get3A_148, %dot_general3A_149 {dimension_numbers = #tpu.dot_dimension_numbers<[1], [0], [0], [1], [0, 0, 1, 1], [], []>, transpose_lhs_hint = false} : vector<128x512xf32>, vector<512x128xf32>, vector<128x128xf32> -> vector<128x128xf32>
    %get3A_151 = arith.constant 0 : index
    %get3A_152 = arith.constant 0 : index
    %get3A_153 = vector.load %arg15[%get3A_151, %get3A_152] : memref<1x128xf32, #tpu.memory_space<vmem>>, vector<1x128xf32>
    %add3A_154 = vector.broadcast %get3A_153 : vector<1x128xf32> to vector<128x128xf32>
    %add3A_155 = arith.addf %dot_general3A_150, %add3A_154 : vector<128x128xf32>
    %add3A_156 = arith.addf %add3A_118, %add3A_155 : vector<128x128xf32>
    %get3A_157 = arith.constant 0 : index
    %get3A_158 = arith.constant 0 : index
    %get3A_159 = vector.load %arg18[%get3A_157, %get3A_158] : memref<1x128xf32, #tpu.memory_space<vmem>>, vector<1x128xf32>
    %get3A_160 = arith.constant 0 : index
    %get3A_161 = arith.constant 0 : index
    %get3A_162 = vector.load %arg19[%get3A_160, %get3A_161] : memref<1x128xf32, #tpu.memory_space<vmem>>, vector<1x128xf32>
    %reduce_sum3A_163 = arith.constant dense<0.000000e+00> : vector<128xf32>
    %reduce_sum3A_164 = vector.multi_reduction <add>, %add3A_156, %reduce_sum3A_163 [1] : vector<128x128xf32> to vector<128xf32>
    %broadcast_in_dim3A_165 = vector.shape_cast %reduce_sum3A_164 : vector<128xf32> to vector<128x1xf32>
    %div3A_166 = arith.constant 1.280000e+02 : f32
    %div3A_167 = vector.broadcast %div3A_166 : f32 to vector<128x1xf32>
    %div3A_168 = arith.divf %broadcast_in_dim3A_165, %div3A_167 : vector<128x1xf32>
    %sub3A_169 = vector.broadcast %div3A_168 : vector<128x1xf32> to vector<128x128xf32>
    %sub3A_170 = arith.subf %add3A_156, %sub3A_169 : vector<128x128xf32>
    %integer_pow3A_171 = arith.mulf %sub3A_170, %sub3A_170 : vector<128x128xf32>
    %reduce_sum3A_172 = arith.constant dense<0.000000e+00> : vector<128xf32>
    %reduce_sum3A_173 = vector.multi_reduction <add>, %integer_pow3A_171, %reduce_sum3A_172 [1] : vector<128x128xf32> to vector<128xf32>
    %broadcast_in_dim3A_174 = vector.shape_cast %reduce_sum3A_173 : vector<128xf32> to vector<128x1xf32>
    %div3A_175 = arith.constant 1.280000e+02 : f32
    %div3A_176 = vector.broadcast %div3A_175 : f32 to vector<128x1xf32>
    %div3A_177 = arith.divf %broadcast_in_dim3A_174, %div3A_176 : vector<128x1xf32>
    %sub3A_178 = vector.broadcast %div3A_168 : vector<128x1xf32> to vector<128x128xf32>
    %sub3A_179 = arith.subf %add3A_156, %sub3A_178 : vector<128x128xf32>
    %add3A_180 = arith.constant 9.99999974E-6 : f32
    %add3A_181 = vector.broadcast %add3A_180 : f32 to vector<128x1xf32>
    %add3A_182 = arith.addf %div3A_177, %add3A_181 : vector<128x1xf32>
    %sqrt3A_183 = math.sqrt %add3A_182 : vector<128x1xf32>
    %div3A_184 = vector.broadcast %sqrt3A_183 : vector<128x1xf32> to vector<128x128xf32>
    %div3A_185 = arith.divf %sub3A_179, %div3A_184 : vector<128x128xf32>
    %mul3A_186 = vector.broadcast %get3A_159 : vector<1x128xf32> to vector<128x128xf32>
    %mul3A_187 = arith.mulf %div3A_185, %mul3A_186 : vector<128x128xf32>
    %add3A_188 = vector.broadcast %get3A_162 : vector<1x128xf32> to vector<128x128xf32>
    %add3A_189 = arith.addf %mul3A_187, %add3A_188 : vector<128x128xf32>
    %get3A_190 = arith.constant 0 : index
    %get3A_191 = arith.constant 0 : index
    %get3A_192 = vector.load %arg6[%get3A_190, %get3A_191] : memref<128x1xf32, #tpu.memory_space<vmem>>, vector<128x1xf32>
    %mul3A_193 = vector.broadcast %get3A_192 : vector<128x1xf32> to vector<128x128xf32>
    %mul3A_194 = arith.mulf %add3A_189, %mul3A_193 : vector<128x128xf32>
    %swap3A = arith.constant 0 : index
    %swap3A_195 = arith.constant 0 : index
    %swap3A_196 = vector.load %arg23[%swap3A, %swap3A_195] : memref<128x128xf32, #tpu.memory_space<vmem>>, vector<128x128xf32>
    tpu.vector_store %arg23[%swap3A, %swap3A_195], %mul3A_194 {strides = array<i32>} : memref<128x128xf32, #tpu.memory_space<vmem>>, vector<128x128xf32>,
    %get3A_197 = arith.constant 0 : index
    %get3A_198 = arith.constant 0 : index
    %get3A_199 = vector.load %arg20[%get3A_197, %get3A_198] : memref<128x128xf32, #tpu.memory_space<vmem>>, vector<128x128xf32>
    %dot_general3A_200 = arith.constant dense<0.000000e+00> : vector<128x128xf32>
    %dot_general3A_201 = tpu.matmul %mul3A_194, %get3A_199, %dot_general3A_200 {dimension_numbers = #tpu.dot_dimension_numbers<[1], [0], [0], [1], [0, 0, 1, 1], [], []>, transpose_lhs_hint = false} : vector<128x128xf32>, vector<128x128xf32>, vector<128x128xf32> -> vector<128x128xf32>
    %get3A_202 = arith.constant 0 : index
    %get3A_203 = arith.constant 0 : index
    %get3A_204 = vector.load %arg21[%get3A_202, %get3A_203] : memref<1x128xf32, #tpu.memory_space<vmem>>, vector<1x128xf32>
    %add3A_205 = vector.broadcast %get3A_204 : vector<1x128xf32> to vector<128x128xf32>
    %add3A_206 = arith.addf %dot_general3A_201, %add3A_205 : vector<128x128xf32>
    %swap3A_207 = arith.constant 0 : index
    %swap3A_208 = arith.constant 0 : index
    %swap3A_209 = vector.load %arg24[%swap3A_207, %swap3A_208] : memref<128x128xf32, #tpu.memory_space<vmem>>, vector<128x128xf32>
    tpu.vector_store %arg24[%swap3A_207, %swap3A_208], %add3A_206 {strides = array<i32>} : memref<128x128xf32, #tpu.memory_space<vmem>>, vector<128x128xf32>,
    %get3A_210 = arith.constant 0 : index
    %get3A_211 = arith.constant 0 : index
    %get3A_212 = vector.load %arg22[%get3A_210, %get3A_211] : memref<128x128xf32, #tpu.memory_space<vmem>>, vector<128x128xf32>
    %dot_general3A_213 = arith.constant dense<0.000000e+00> : vector<128x128xf32>
    %dot_general3A_214 = tpu.matmul %mul3A_194, %get3A_212, %dot_general3A_213 {dimension_numbers = #tpu.dot_dimension_numbers<[1], [0], [0], [1], [0, 0, 1, 1], [], []>, transpose_lhs_hint = false} : vector<128x128xf32>, vector<128x128xf32>, vector<128x128xf32> -> vector<128x128xf32>
    %swap3A_215 = arith.constant 0 : index
    %swap3A_216 = arith.constant 0 : index
    %swap3A_217 = vector.load %arg25[%swap3A_215, %swap3A_216] : memref<128x128xf32, #tpu.memory_space<vmem>>, vector<128x128xf32>
    tpu.vector_store %arg25[%swap3A_215, %swap3A_216], %dot_general3A_214 {strides = array<i32>} : memref<128x128xf32, #tpu.memory_space<vmem>>, vector<128x128xf32>,
    return
  }
  func.func @transform_0(%arg0: i32) -> (i32, i32) {
    %c0_i32 = arith.constant 0 : i32
    %c0_i32_0 = arith.constant 0 : i32
    return %arg0, %c0_i32 : i32, i32
  }
  func.func @transform_1(%arg0: i32) -> (i32, i32) {
    %c0_i32 = arith.constant 0 : i32
    %c0_i32_0 = arith.constant 0 : i32
    return %arg0, %c0_i32 : i32, i32
  }
  func.func @transform_2(%arg0: i32) -> (i32, i32, i32, i32) {
    %jit3A = arith.constant 32 : i32
    %div3A = arith.divsi %arg0, %jit3A : i32
    %sign3A = arith.constant 0 : i32
    %sign3A_0 = arith.cmpi sgt, %arg0, %sign3A : i32
    %sign3A_1 = arith.extui %sign3A_0 : i1 to i32
    %sign3A_2 = arith.constant 0 : i32
    %sign3A_3 = arith.cmpi slt, %arg0, %sign3A_2 : i32
    %sign3A_4 = arith.extui %sign3A_3 : i1 to i32
    %sign3A_5 = arith.subi %sign3A_1, %sign3A_4 : i32
    %sign3A_6 = arith.constant 0 : i32
    %sign3A_7 = arith.cmpi sgt, %jit3A, %sign3A_6 : i32
    %sign3A_8 = arith.extui %sign3A_7 : i1 to i32
    %sign3A_9 = arith.constant 0 : i32
    %sign3A_10 = arith.cmpi slt, %jit3A, %sign3A_9 : i32
    %sign3A_11 = arith.extui %sign3A_10 : i1 to i32
    %sign3A_12 = arith.subi %sign3A_8, %sign3A_11 : i32
    %ne3A = arith.cmpi ne, %sign3A_5, %sign3A_12 : i32
    %rem3A = arith.remsi %arg0, %jit3A : i32
    %ne3A_13 = arith.constant 0 : i32
    %ne3A_14 = arith.cmpi ne, %rem3A, %ne3A_13 : i32
    %and3A = arith.andi %ne3A, %ne3A_14 : i1
    %sub3A = arith.constant 1 : i32
    %sub3A_15 = arith.subi %div3A, %sub3A : i32
    %select_n3A = arith.select %and3A, %sub3A_15, %div3A : i32
    %jit3A_16 = arith.constant 32 : i32
    %eq3A = arith.constant 0 : i32
    %eq3A_17 = arith.cmpi eq, %jit3A_16, %eq3A : i32
    %jit3A_18 = arith.constant 1 : i32
    %select_n3A_19 = arith.select %eq3A_17, %jit3A_18, %jit3A_16 : i32
    %rem3A_20 = arith.remsi %arg0, %select_n3A_19 : i32
    %ne3A_21 = arith.constant 0 : i32
    %ne3A_22 = arith.cmpi ne, %rem3A_20, %ne3A_21 : i32
    %lt3A = arith.constant 0 : i32
    %lt3A_23 = arith.cmpi slt, %rem3A_20, %lt3A : i32
    %lt3A_24 = arith.constant 0 : i32
    %lt3A_25 = arith.cmpi slt, %select_n3A_19, %lt3A_24 : i32
    %ne3A_26 = arith.xori %lt3A_23, %lt3A_25 : i1
    %and3A_27 = arith.andi %ne3A_26, %ne3A_22 : i1
    %add3A = arith.addi %rem3A_20, %select_n3A_19 : i32
    %select_n3A_28 = arith.select %and3A_27, %add3A, %rem3A_20 : i32
    %c0_i32 = arith.constant 0 : i32
    %c0_i32_29 = arith.constant 0 : i32
    %c0_i32_30 = arith.constant 0 : i32
    return %select_n3A, %c0_i32, %select_n3A_28, %c0_i32_29 : i32, i32, i32, i32
  }
  func.func @transform_3(%arg0: i32) -> (i32, i32) {
    %c0_i32 = arith.constant 0 : i32
    %c0_i32_0 = arith.constant 0 : i32
    return %arg0, %c0_i32 : i32, i32
  }
  func.func @transform_4(%arg0: i32) -> (i32, i32, i32) {
    %c0_i32 = arith.constant 0 : i32
    %c0_i32_0 = arith.constant 0 : i32
    %c0_i32_1 = arith.constant 0 : i32
    return %arg0, %c0_i32, %c0_i32_0 : i32, i32, i32
  }
  func.func @transform_5(%arg0: i32) -> (i32, i32) {
    %c0_i32 = arith.constant 0 : i32
    %c0_i32_0 = arith.constant 0 : i32
    return %arg0, %c0_i32 : i32, i32
  }
  func.func @transform_6(%arg0: i32) -> (i32, i32) {
    %c0_i32 = arith.constant 0 : i32
    %c0_i32_0 = arith.constant 0 : i32
    %c0_i32_1 = arith.constant 0 : i32
    return %c0_i32, %c0_i32_0 : i32, i32
  }
  func.func @transform_7(%arg0: i32) -> (i32, i32) {
    %c0_i32 = arith.constant 0 : i32
    %c0_i32_0 = arith.constant 0 : i32
    %c0_i32_1 = arith.constant 0 : i32
    return %c0_i32, %c0_i32_0 : i32, i32
  }
  func.func @transform_8(%arg0: i32) -> (i32, i32) {
    %c0_i32 = arith.constant 0 : i32
    %c0_i32_0 = arith.constant 0 : i32
    %c0_i32_1 = arith.constant 0 : i32
    return %c0_i32, %c0_i32_0 : i32, i32
  }
  func.func @transform_9(%arg0: i32) -> (i32, i32) {
    %c0_i32 = arith.constant 0 : i32
    %c0_i32_0 = arith.constant 0 : i32
    %c0_i32_1 = arith.constant 0 : i32
    return %c0_i32, %c0_i32_0 : i32, i32
  }
  func.func @transform_10(%arg0: i32) -> (i32, i32) {
    %c0_i32 = arith.constant 0 : i32
    %c0_i32_0 = arith.constant 0 : i32
    %c0_i32_1 = arith.constant 0 : i32
    return %c0_i32, %c0_i32_0 : i32, i32
  }
  func.func @transform_11(%arg0: i32) -> (i32, i32) {
    %c0_i32 = arith.constant 0 : i32
    %c0_i32_0 = arith.constant 0 : i32
    %c0_i32_1 = arith.constant 0 : i32
    return %c0_i32, %c0_i32_0 : i32, i32
  }
  func.func @transform_12(%arg0: i32) -> (i32, i32) {
    %c0_i32 = arith.constant 0 : i32
    %c0_i32_0 = arith.constant 0 : i32
    %c0_i32_1 = arith.constant 0 : i32
    return %c0_i32, %c0_i32_0 : i32, i32
  }
  func.func @transform_13(%arg0: i32) -> (i32, i32) {
    %c0_i32 = arith.constant 0 : i32
    %c0_i32_0 = arith.constant 0 : i32
    %c0_i32_1 = arith.constant 0 : i32
    return %c0_i32, %c0_i32_0 : i32, i32
  }
  func.func @transform_14(%arg0: i32) -> (i32, i32) {
    %c0_i32 = arith.constant 0 : i32
    %c0_i32_0 = arith.constant 0 : i32
    %c0_i32_1 = arith.constant 0 : i32
    return %c0_i32, %c0_i32_0 : i32, i32
  }
  func.func @transform_15(%arg0: i32) -> (i32, i32) {
    %c0_i32 = arith.constant 0 : i32
    %c0_i32_0 = arith.constant 0 : i32
    %c0_i32_1 = arith.constant 0 : i32
    return %c0_i32, %c0_i32_0 : i32, i32
  }
  func.func @transform_16(%arg0: i32) -> (i32, i32) {
    %c0_i32 = arith.constant 0 : i32
    %c0_i32_0 = arith.constant 0 : i32
    %c0_i32_1 = arith.constant 0 : i32
    return %c0_i32, %c0_i32_0 : i32, i32
  }
  func.func @transform_17(%arg0: i32) -> (i32, i32) {
    %c0_i32 = arith.constant 0 : i32
    %c0_i32_0 = arith.constant 0 : i32
    %c0_i32_1 = arith.constant 0 : i32
    return %c0_i32, %c0_i32_0 : i32, i32
  }
  func.func @transform_18(%arg0: i32) -> (i32, i32) {
    %c0_i32 = arith.constant 0 : i32
    %c0_i32_0 = arith.constant 0 : i32
    %c0_i32_1 = arith.constant 0 : i32
    return %c0_i32, %c0_i32_0 : i32, i32
  }
  func.func @transform_19(%arg0: i32) -> (i32, i32) {
    %c0_i32 = arith.constant 0 : i32
    %c0_i32_0 = arith.constant 0 : i32
    %c0_i32_1 = arith.constant 0 : i32
    return %c0_i32, %c0_i32_0 : i32, i32
  }
  func.func @transform_20(%arg0: i32) -> (i32, i32) {
    %c0_i32 = arith.constant 0 : i32
    %c0_i32_0 = arith.constant 0 : i32
    %c0_i32_1 = arith.constant 0 : i32
    return %c0_i32, %c0_i32_0 : i32, i32
  }
  func.func @transform_21(%arg0: i32) -> (i32, i32) {
    %c0_i32 = arith.constant 0 : i32
    %c0_i32_0 = arith.constant 0 : i32
    %c0_i32_1 = arith.constant 0 : i32
    return %c0_i32, %c0_i32_0 : i32, i32
  }
  func.func @transform_22(%arg0: i32) -> (i32, i32) {
    %c0_i32 = arith.constant 0 : i32
    %c0_i32_0 = arith.constant 0 : i32
    return %arg0, %c0_i32 : i32, i32
  }
  func.func @transform_23(%arg0: i32) -> (i32, i32) {
    %c0_i32 = arith.constant 0 : i32
    %c0_i32_0 = arith.constant 0 : i32
    return %arg0, %c0_i32 : i32, i32
  }
  func.func @transform_24(%arg0: i32) -> (i32, i32) {
    %c0_i32 = arith.constant 0 : i32
    %c0_i32_0 = arith.constant 0 : i32
    return %arg0, %c0_i32 : i32, i32
  }
}

module attributes {stable_mosaic.version = 14 : i64} {
  func.func @_tcc_body(%arg0: i32, %arg1: memref<1x36x128x128xf32, #tpu.memory_space<vmem>>, %arg2: memref<4608x128xf32, #tpu.memory_space<vmem>>, %arg3: memref<128x128xf32, #tpu.memory_space<vmem>>, %arg4: memref<1x36x128xf32, #tpu.memory_space<vmem>>, %arg5: memref<128x128xf32, #tpu.memory_space<vmem>>, %arg6: memref<128x128xf32, #tpu.memory_space<vmem>>, %arg7: memref<1x128xf32, #tpu.memory_space<vmem>>, %arg8: memref<128x128xf32, #tpu.memory_space<vmem>>, %arg9: memref<1x128xf32, #tpu.memory_space<vmem>>, %arg10: memref<1x128xf32, #tpu.memory_space<vmem>>, %arg11: memref<1x128xf32, #tpu.memory_space<vmem>>, %arg12: memref<1x36x128x128xf32, #tpu.memory_space<vmem>>, %arg13: memref<4608x128xf32, #tpu.memory_space<vmem>>) attributes {dimension_semantics = [#tpu.dimension_semantics<arbitrary>], iteration_bounds = array<i64: 64>, scalar_prefetch = 0 : i64, scratch_operands = 0 : i64, tpu.core_type = #tpu.core_type<tc>, window_params = [{transform_indices = @transform_0, window_bounds = array<i64: 1, 36, 128, 128>}, {transform_indices = @transform_1, window_bounds = array<i64: 4608, 128>}, {transform_indices = @transform_2, window_bounds = array<i64: 128, 128>}, {transform_indices = @transform_3, window_bounds = array<i64: 1, 36, 128>}, {pipeline_mode = #tpu.pipeline_mode<synchronous>, transform_indices = @transform_4, window_bounds = array<i64: 128, 128>}, {pipeline_mode = #tpu.pipeline_mode<synchronous>, transform_indices = @transform_5, window_bounds = array<i64: 128, 128>}, {pipeline_mode = #tpu.pipeline_mode<synchronous>, transform_indices = @transform_6, window_bounds = array<i64: 1, 128>}, {pipeline_mode = #tpu.pipeline_mode<synchronous>, transform_indices = @transform_7, window_bounds = array<i64: 128, 128>}, {pipeline_mode = #tpu.pipeline_mode<synchronous>, transform_indices = @transform_8, window_bounds = array<i64: 1, 128>}, {pipeline_mode = #tpu.pipeline_mode<synchronous>, transform_indices = @transform_9, window_bounds = array<i64: 1, 128>}, {pipeline_mode = #tpu.pipeline_mode<synchronous>, transform_indices = @transform_10, window_bounds = array<i64: 1, 128>}, {transform_indices = @transform_11, window_bounds = array<i64: 1, 36, 128, 128>}, {transform_indices = @transform_12, window_bounds = array<i64: 4608, 128>}]} {
    %get3A = arith.constant 0 : index
    %get3A_0 = arith.constant 0 : index
    %get3A_1 = arith.constant 0 : index
    %get3A_2 = arith.constant 0 : index
    %get3A_3 = vector.load %arg1[%get3A, %get3A_0, %get3A_1, %get3A_2] : memref<1x36x128x128xf32, #tpu.memory_space<vmem>>, vector<1x36x128x128xf32>
    %reshape3A = vector.shape_cast %get3A_3 : vector<1x36x128x128xf32> to vector<4608x128xf32>
    %get3A_4 = arith.constant 0 : index
    %get3A_5 = arith.constant 0 : index
    %get3A_6 = vector.load %arg5[%get3A_4, %get3A_5] : memref<128x128xf32, #tpu.memory_space<vmem>>, vector<128x128xf32>
    %dot_general3A = arith.constant dense<0.000000e+00> : vector<4608x128xf32>
    %dot_general3A_7 = tpu.matmul %reshape3A, %get3A_6, %dot_general3A {dimension_numbers = #tpu.dot_dimension_numbers<[1], [0], [0], [1], [0, 0, 1, 1], [], []>, transpose_lhs_hint = false} : vector<4608x128xf32>, vector<128x128xf32>, vector<4608x128xf32> -> vector<4608x128xf32>
    %get3A_8 = arith.constant 0 : index
    %get3A_9 = arith.constant 0 : index
    %get3A_10 = vector.load %arg2[%get3A_8, %get3A_9] : memref<4608x128xf32, #tpu.memory_space<vmem>>, vector<4608x128xf32>
    %add3A = arith.addf %dot_general3A_7, %get3A_10 : vector<4608x128xf32>
    %reshape3A_11 = vector.shape_cast %add3A : vector<4608x128xf32> to vector<36x128x128xf32>
    %get3A_12 = arith.constant 0 : index
    %get3A_13 = arith.constant 0 : index
    %get3A_14 = vector.load %arg3[%get3A_12, %get3A_13] : memref<128x128xf32, #tpu.memory_space<vmem>>, vector<128x128xf32>
    %broadcast_in_dim3A = vector.shape_cast %get3A_14 : vector<128x128xf32> to vector<1x128x128xf32>
    %add3A_15 = vector.broadcast %broadcast_in_dim3A : vector<1x128x128xf32> to vector<36x128x128xf32>
    %add3A_16 = arith.addf %reshape3A_11, %add3A_15 : vector<36x128x128xf32>
    %integer_pow3A = arith.mulf %add3A_16, %add3A_16 : vector<36x128x128xf32>
    %integer_pow3A_17 = arith.mulf %add3A_16, %integer_pow3A : vector<36x128x128xf32>
    %mul3A = arith.constant 4.471500e-02 : f32
    %mul3A_18 = vector.broadcast %mul3A : f32 to vector<36x128x128xf32>
    %mul3A_19 = arith.mulf %mul3A_18, %integer_pow3A_17 : vector<36x128x128xf32>
    %add3A_20 = arith.addf %add3A_16, %mul3A_19 : vector<36x128x128xf32>
    %mul3A_21 = arith.constant 0.797884583 : f32
    %mul3A_22 = vector.broadcast %mul3A_21 : f32 to vector<36x128x128xf32>
    %mul3A_23 = arith.mulf %mul3A_22, %add3A_20 : vector<36x128x128xf32>
    %tanh3A = math.tanh %mul3A_23 : vector<36x128x128xf32>
    %add3A_24 = arith.constant 1.000000e+00 : f32
    %add3A_25 = vector.broadcast %add3A_24 : f32 to vector<36x128x128xf32>
    %add3A_26 = arith.addf %add3A_25, %tanh3A : vector<36x128x128xf32>
    %mul3A_27 = arith.constant 5.000000e-01 : f32
    %mul3A_28 = vector.broadcast %mul3A_27 : f32 to vector<36x128x128xf32>
    %mul3A_29 = arith.mulf %mul3A_28, %add3A_26 : vector<36x128x128xf32>
    %mul3A_30 = arith.mulf %add3A_16, %mul3A_29 : vector<36x128x128xf32>
    %reshape3A_31 = vector.shape_cast %mul3A_30 : vector<36x128x128xf32> to vector<4608x128xf32>
    %get3A_32 = arith.constant 0 : index
    %get3A_33 = arith.constant 0 : index
    %get3A_34 = vector.load %arg6[%get3A_32, %get3A_33] : memref<128x128xf32, #tpu.memory_space<vmem>>, vector<128x128xf32>
    %dot_general3A_35 = arith.constant dense<0.000000e+00> : vector<4608x128xf32>
    %dot_general3A_36 = tpu.matmul %reshape3A_31, %get3A_34, %dot_general3A_35 {dimension_numbers = #tpu.dot_dimension_numbers<[1], [0], [0], [1], [0, 0, 1, 1], [], []>, transpose_lhs_hint = false} : vector<4608x128xf32>, vector<128x128xf32>, vector<4608x128xf32> -> vector<4608x128xf32>
    %get3A_37 = arith.constant 0 : index
    %get3A_38 = arith.constant 0 : index
    %get3A_39 = vector.load %arg7[%get3A_37, %get3A_38] : memref<1x128xf32, #tpu.memory_space<vmem>>, vector<1x128xf32>
    %add3A_40 = vector.broadcast %get3A_39 : vector<1x128xf32> to vector<4608x128xf32>
    %add3A_41 = arith.addf %dot_general3A_36, %add3A_40 : vector<4608x128xf32>
    %integer_pow3A_42 = arith.mulf %add3A_41, %add3A_41 : vector<4608x128xf32>
    %integer_pow3A_43 = arith.mulf %add3A_41, %integer_pow3A_42 : vector<4608x128xf32>
    %mul3A_44 = arith.constant 4.471500e-02 : f32
    %mul3A_45 = vector.broadcast %mul3A_44 : f32 to vector<4608x128xf32>
    %mul3A_46 = arith.mulf %mul3A_45, %integer_pow3A_43 : vector<4608x128xf32>
    %add3A_47 = arith.addf %add3A_41, %mul3A_46 : vector<4608x128xf32>
    %mul3A_48 = arith.constant 0.797884583 : f32
    %mul3A_49 = vector.broadcast %mul3A_48 : f32 to vector<4608x128xf32>
    %mul3A_50 = arith.mulf %mul3A_49, %add3A_47 : vector<4608x128xf32>
    %tanh3A_51 = math.tanh %mul3A_50 : vector<4608x128xf32>
    %add3A_52 = arith.constant 1.000000e+00 : f32
    %add3A_53 = vector.broadcast %add3A_52 : f32 to vector<4608x128xf32>
    %add3A_54 = arith.addf %add3A_53, %tanh3A_51 : vector<4608x128xf32>
    %mul3A_55 = arith.constant 5.000000e-01 : f32
    %mul3A_56 = vector.broadcast %mul3A_55 : f32 to vector<4608x128xf32>
    %mul3A_57 = arith.mulf %mul3A_56, %add3A_54 : vector<4608x128xf32>
    %mul3A_58 = arith.mulf %add3A_41, %mul3A_57 : vector<4608x128xf32>
    %get3A_59 = arith.constant 0 : index
    %get3A_60 = arith.constant 0 : index
    %get3A_61 = vector.load %arg8[%get3A_59, %get3A_60] : memref<128x128xf32, #tpu.memory_space<vmem>>, vector<128x128xf32>
    %dot_general3A_62 = arith.constant dense<0.000000e+00> : vector<4608x128xf32>
    %dot_general3A_63 = tpu.matmul %mul3A_58, %get3A_61, %dot_general3A_62 {dimension_numbers = #tpu.dot_dimension_numbers<[1], [0], [0], [1], [0, 0, 1, 1], [], []>, transpose_lhs_hint = false} : vector<4608x128xf32>, vector<128x128xf32>, vector<4608x128xf32> -> vector<4608x128xf32>
    %get3A_64 = arith.constant 0 : index
    %get3A_65 = arith.constant 0 : index
    %get3A_66 = vector.load %arg9[%get3A_64, %get3A_65] : memref<1x128xf32, #tpu.memory_space<vmem>>, vector<1x128xf32>
    %add3A_67 = vector.broadcast %get3A_66 : vector<1x128xf32> to vector<4608x128xf32>
    %add3A_68 = arith.addf %dot_general3A_63, %add3A_67 : vector<4608x128xf32>
    %add3A_69 = arith.addf %reshape3A, %add3A_68 : vector<4608x128xf32>
    %get3A_70 = arith.constant 0 : index
    %get3A_71 = arith.constant 0 : index
    %get3A_72 = vector.load %arg10[%get3A_70, %get3A_71] : memref<1x128xf32, #tpu.memory_space<vmem>>, vector<1x128xf32>
    %get3A_73 = arith.constant 0 : index
    %get3A_74 = arith.constant 0 : index
    %get3A_75 = vector.load %arg11[%get3A_73, %get3A_74] : memref<1x128xf32, #tpu.memory_space<vmem>>, vector<1x128xf32>
    %reduce_sum3A = arith.constant dense<0.000000e+00> : vector<4608xf32>
    %reduce_sum3A_76 = vector.multi_reduction <add>, %add3A_69, %reduce_sum3A [1] : vector<4608x128xf32> to vector<4608xf32>
    %broadcast_in_dim3A_77 = vector.shape_cast %reduce_sum3A_76 : vector<4608xf32> to vector<4608x1xf32>
    %div3A = arith.constant 1.280000e+02 : f32
    %div3A_78 = vector.broadcast %div3A : f32 to vector<4608x1xf32>
    %div3A_79 = arith.divf %broadcast_in_dim3A_77, %div3A_78 : vector<4608x1xf32>
    %sub3A = vector.broadcast %div3A_79 : vector<4608x1xf32> to vector<4608x128xf32>
    %sub3A_80 = arith.subf %add3A_69, %sub3A : vector<4608x128xf32>
    %integer_pow3A_81 = arith.mulf %sub3A_80, %sub3A_80 : vector<4608x128xf32>
    %reduce_sum3A_82 = arith.constant dense<0.000000e+00> : vector<4608xf32>
    %reduce_sum3A_83 = vector.multi_reduction <add>, %integer_pow3A_81, %reduce_sum3A_82 [1] : vector<4608x128xf32> to vector<4608xf32>
    %broadcast_in_dim3A_84 = vector.shape_cast %reduce_sum3A_83 : vector<4608xf32> to vector<4608x1xf32>
    %div3A_85 = arith.constant 1.280000e+02 : f32
    %div3A_86 = vector.broadcast %div3A_85 : f32 to vector<4608x1xf32>
    %div3A_87 = arith.divf %broadcast_in_dim3A_84, %div3A_86 : vector<4608x1xf32>
    %sub3A_88 = vector.broadcast %div3A_79 : vector<4608x1xf32> to vector<4608x128xf32>
    %sub3A_89 = arith.subf %add3A_69, %sub3A_88 : vector<4608x128xf32>
    %add3A_90 = arith.constant 9.99999974E-6 : f32
    %add3A_91 = vector.broadcast %add3A_90 : f32 to vector<4608x1xf32>
    %add3A_92 = arith.addf %div3A_87, %add3A_91 : vector<4608x1xf32>
    %sqrt3A = math.sqrt %add3A_92 : vector<4608x1xf32>
    %div3A_93 = vector.broadcast %sqrt3A : vector<4608x1xf32> to vector<4608x128xf32>
    %div3A_94 = arith.divf %sub3A_89, %div3A_93 : vector<4608x128xf32>
    %mul3A_95 = vector.broadcast %get3A_72 : vector<1x128xf32> to vector<4608x128xf32>
    %mul3A_96 = arith.mulf %div3A_94, %mul3A_95 : vector<4608x128xf32>
    %add3A_97 = vector.broadcast %get3A_75 : vector<1x128xf32> to vector<4608x128xf32>
    %add3A_98 = arith.addf %mul3A_96, %add3A_97 : vector<4608x128xf32>
    %reshape3A_99 = vector.shape_cast %add3A_98 : vector<4608x128xf32> to vector<1x36x128x128xf32>
    %swap3A = arith.constant 0 : index
    %swap3A_100 = arith.constant 0 : index
    %swap3A_101 = arith.constant 0 : index
    %swap3A_102 = arith.constant 0 : index
    %swap3A_103 = vector.load %arg12[%swap3A, %swap3A_100, %swap3A_101, %swap3A_102] : memref<1x36x128x128xf32, #tpu.memory_space<vmem>>, vector<1x36x128x128xf32>
    tpu.vector_store %arg12[%swap3A, %swap3A_100, %swap3A_101, %swap3A_102], %reshape3A_99 {strides = array<i32>} : memref<1x36x128x128xf32, #tpu.memory_space<vmem>>, vector<1x36x128x128xf32>,
    %get3A_104 = arith.constant 0 : index
    %get3A_105 = arith.constant 0 : index
    %get3A_106 = arith.constant 0 : index
    %get3A_107 = vector.load %arg4[%get3A_104, %get3A_105, %get3A_106] : memref<1x36x128xf32, #tpu.memory_space<vmem>>, vector<1x36x128xf32>
    %squeeze3A = vector.shape_cast %get3A_107 : vector<1x36x128xf32> to vector<36x128xf32>
    %broadcast_in_dim3A_108 = vector.shape_cast %squeeze3A : vector<36x128xf32> to vector<36x128x1xf32>
    %reshape3A_109 = vector.shape_cast %add3A_98 : vector<4608x128xf32> to vector<36x128x128xf32>
    %mul3A_110 = vector.broadcast %broadcast_in_dim3A_108 : vector<36x128x1xf32> to vector<36x128x128xf32>
    %mul3A_111 = arith.mulf %reshape3A_109, %mul3A_110 : vector<36x128x128xf32>
    %reshape3A_112 = vector.shape_cast %mul3A_111 : vector<36x128x128xf32> to vector<4608x128xf32>
    %swap3A_113 = arith.constant 0 : index
    %swap3A_114 = arith.constant 0 : index
    %swap3A_115 = vector.load %arg13[%swap3A_113, %swap3A_114] : memref<4608x128xf32, #tpu.memory_space<vmem>>, vector<4608x128xf32>
    tpu.vector_store %arg13[%swap3A_113, %swap3A_114], %reshape3A_112 {strides = array<i32>} : memref<4608x128xf32, #tpu.memory_space<vmem>>, vector<4608x128xf32>,
    return
  }
  func.func @transform_0(%arg0: i32) -> (i32, i32, i32, i32) {
    %jit3A = arith.constant 32 : i32
    %div3A = arith.divsi %arg0, %jit3A : i32
    %sign3A = arith.constant 0 : i32
    %sign3A_0 = arith.cmpi sgt, %arg0, %sign3A : i32
    %sign3A_1 = arith.extui %sign3A_0 : i1 to i32
    %sign3A_2 = arith.constant 0 : i32
    %sign3A_3 = arith.cmpi slt, %arg0, %sign3A_2 : i32
    %sign3A_4 = arith.extui %sign3A_3 : i1 to i32
    %sign3A_5 = arith.subi %sign3A_1, %sign3A_4 : i32
    %sign3A_6 = arith.constant 0 : i32
    %sign3A_7 = arith.cmpi sgt, %jit3A, %sign3A_6 : i32
    %sign3A_8 = arith.extui %sign3A_7 : i1 to i32
    %sign3A_9 = arith.constant 0 : i32
    %sign3A_10 = arith.cmpi slt, %jit3A, %sign3A_9 : i32
    %sign3A_11 = arith.extui %sign3A_10 : i1 to i32
    %sign3A_12 = arith.subi %sign3A_8, %sign3A_11 : i32
    %ne3A = arith.cmpi ne, %sign3A_5, %sign3A_12 : i32
    %rem3A = arith.remsi %arg0, %jit3A : i32
    %ne3A_13 = arith.constant 0 : i32
    %ne3A_14 = arith.cmpi ne, %rem3A, %ne3A_13 : i32
    %and3A = arith.andi %ne3A, %ne3A_14 : i1
    %sub3A = arith.constant 1 : i32
    %sub3A_15 = arith.subi %div3A, %sub3A : i32
    %select_n3A = arith.select %and3A, %sub3A_15, %div3A : i32
    %jit3A_16 = arith.constant 32 : i32
    %eq3A = arith.constant 0 : i32
    %eq3A_17 = arith.cmpi eq, %jit3A_16, %eq3A : i32
    %jit3A_18 = arith.constant 1 : i32
    %select_n3A_19 = arith.select %eq3A_17, %jit3A_18, %jit3A_16 : i32
    %rem3A_20 = arith.remsi %arg0, %select_n3A_19 : i32
    %ne3A_21 = arith.constant 0 : i32
    %ne3A_22 = arith.cmpi ne, %rem3A_20, %ne3A_21 : i32
    %lt3A = arith.constant 0 : i32
    %lt3A_23 = arith.cmpi slt, %rem3A_20, %lt3A : i32
    %lt3A_24 = arith.constant 0 : i32
    %lt3A_25 = arith.cmpi slt, %select_n3A_19, %lt3A_24 : i32
    %ne3A_26 = arith.xori %lt3A_23, %lt3A_25 : i1
    %and3A_27 = arith.andi %ne3A_26, %ne3A_22 : i1
    %add3A = arith.addi %rem3A_20, %select_n3A_19 : i32
    %select_n3A_28 = arith.select %and3A_27, %add3A, %rem3A_20 : i32
    %c0_i32 = arith.constant 0 : i32
    %c0_i32_29 = arith.constant 0 : i32
    %c0_i32_30 = arith.constant 0 : i32
    return %select_n3A, %c0_i32, %select_n3A_28, %c0_i32_29 : i32, i32, i32, i32
  }
  func.func @transform_1(%arg0: i32) -> (i32, i32) {
    %c0_i32 = arith.constant 0 : i32
    %c0_i32_0 = arith.constant 0 : i32
    return %arg0, %c0_i32 : i32, i32
  }
  func.func @transform_2(%arg0: i32) -> (i32, i32) {
    %c0_i32 = arith.constant 0 : i32
    %c0_i32_0 = arith.constant 0 : i32
    return %arg0, %c0_i32 : i32, i32
  }
  func.func @transform_3(%arg0: i32) -> (i32, i32, i32) {
    %c0_i32 = arith.constant 0 : i32
    %c0_i32_0 = arith.constant 0 : i32
    %c0_i32_1 = arith.constant 0 : i32
    return %arg0, %c0_i32, %c0_i32_0 : i32, i32, i32
  }
  func.func @transform_4(%arg0: i32) -> (i32, i32) {
    %c0_i32 = arith.constant 0 : i32
    %c0_i32_0 = arith.constant 0 : i32
    %c0_i32_1 = arith.constant 0 : i32
    return %c0_i32, %c0_i32_0 : i32, i32
  }
  func.func @transform_5(%arg0: i32) -> (i32, i32) {
    %c0_i32 = arith.constant 0 : i32
    %c0_i32_0 = arith.constant 0 : i32
    %c0_i32_1 = arith.constant 0 : i32
    return %c0_i32, %c0_i32_0 : i32, i32
  }
  func.func @transform_6(%arg0: i32) -> (i32, i32) {
    %c0_i32 = arith.constant 0 : i32
    %c0_i32_0 = arith.constant 0 : i32
    %c0_i32_1 = arith.constant 0 : i32
    return %c0_i32, %c0_i32_0 : i32, i32
  }
  func.func @transform_7(%arg0: i32) -> (i32, i32) {
    %c0_i32 = arith.constant 0 : i32
    %c0_i32_0 = arith.constant 0 : i32
    %c0_i32_1 = arith.constant 0 : i32
    return %c0_i32, %c0_i32_0 : i32, i32
  }
  func.func @transform_8(%arg0: i32) -> (i32, i32) {
    %c0_i32 = arith.constant 0 : i32
    %c0_i32_0 = arith.constant 0 : i32
    %c0_i32_1 = arith.constant 0 : i32
    return %c0_i32, %c0_i32_0 : i32, i32
  }
  func.func @transform_9(%arg0: i32) -> (i32, i32) {
    %c0_i32 = arith.constant 0 : i32
    %c0_i32_0 = arith.constant 0 : i32
    %c0_i32_1 = arith.constant 0 : i32
    return %c0_i32, %c0_i32_0 : i32, i32
  }
  func.func @transform_10(%arg0: i32) -> (i32, i32) {
    %c0_i32 = arith.constant 0 : i32
    %c0_i32_0 = arith.constant 0 : i32
    %c0_i32_1 = arith.constant 0 : i32
    return %c0_i32, %c0_i32_0 : i32, i32
  }
  func.func @transform_11(%arg0: i32) -> (i32, i32, i32, i32) {
    %jit3A = arith.constant 32 : i32
    %div3A = arith.divsi %arg0, %jit3A : i32
    %sign3A = arith.constant 0 : i32
    %sign3A_0 = arith.cmpi sgt, %arg0, %sign3A : i32
    %sign3A_1 = arith.extui %sign3A_0 : i1 to i32
    %sign3A_2 = arith.constant 0 : i32
    %sign3A_3 = arith.cmpi slt, %arg0, %sign3A_2 : i32
    %sign3A_4 = arith.extui %sign3A_3 : i1 to i32
    %sign3A_5 = arith.subi %sign3A_1, %sign3A_4 : i32
    %sign3A_6 = arith.constant 0 : i32
    %sign3A_7 = arith.cmpi sgt, %jit3A, %sign3A_6 : i32
    %sign3A_8 = arith.extui %sign3A_7 : i1 to i32
    %sign3A_9 = arith.constant 0 : i32
    %sign3A_10 = arith.cmpi slt, %jit3A, %sign3A_9 : i32
    %sign3A_11 = arith.extui %sign3A_10 : i1 to i32
    %sign3A_12 = arith.subi %sign3A_8, %sign3A_11 : i32
    %ne3A = arith.cmpi ne, %sign3A_5, %sign3A_12 : i32
    %rem3A = arith.remsi %arg0, %jit3A : i32
    %ne3A_13 = arith.constant 0 : i32
    %ne3A_14 = arith.cmpi ne, %rem3A, %ne3A_13 : i32
    %and3A = arith.andi %ne3A, %ne3A_14 : i1
    %sub3A = arith.constant 1 : i32
    %sub3A_15 = arith.subi %div3A, %sub3A : i32
    %select_n3A = arith.select %and3A, %sub3A_15, %div3A : i32
    %jit3A_16 = arith.constant 32 : i32
    %eq3A = arith.constant 0 : i32
    %eq3A_17 = arith.cmpi eq, %jit3A_16, %eq3A : i32
    %jit3A_18 = arith.constant 1 : i32
    %select_n3A_19 = arith.select %eq3A_17, %jit3A_18, %jit3A_16 : i32
    %rem3A_20 = arith.remsi %arg0, %select_n3A_19 : i32
    %ne3A_21 = arith.constant 0 : i32
    %ne3A_22 = arith.cmpi ne, %rem3A_20, %ne3A_21 : i32
    %lt3A = arith.constant 0 : i32
    %lt3A_23 = arith.cmpi slt, %rem3A_20, %lt3A : i32
    %lt3A_24 = arith.constant 0 : i32
    %lt3A_25 = arith.cmpi slt, %select_n3A_19, %lt3A_24 : i32
    %ne3A_26 = arith.xori %lt3A_23, %lt3A_25 : i1
    %and3A_27 = arith.andi %ne3A_26, %ne3A_22 : i1
    %add3A = arith.addi %rem3A_20, %select_n3A_19 : i32
    %select_n3A_28 = arith.select %and3A_27, %add3A, %rem3A_20 : i32
    %c0_i32 = arith.constant 0 : i32
    %c0_i32_29 = arith.constant 0 : i32
    %c0_i32_30 = arith.constant 0 : i32
    return %select_n3A, %c0_i32, %select_n3A_28, %c0_i32_29 : i32, i32, i32, i32
  }
  func.func @transform_12(%arg0: i32) -> (i32, i32) {
    %c0_i32 = arith.constant 0 : i32
    %c0_i32_0 = arith.constant 0 : i32
    return %arg0, %c0_i32 : i32, i32
  }
}

module attributes {stable_mosaic.version = 14 : i64} {
  func.func @_tcd_body(%arg0: i32, %arg1: memref<512x128xf32, #tpu.memory_space<vmem>>, %arg2: memref<512x128xf32, #tpu.memory_space<vmem>>, %arg3: memref<512x128xf32, #tpu.memory_space<vmem>>, %arg4: memref<128x128xf32, #tpu.memory_space<vmem>>, %arg5: memref<1x128xf32, #tpu.memory_space<vmem>>, %arg6: memref<128x128xf32, #tpu.memory_space<vmem>>, %arg7: memref<1x128xf32, #tpu.memory_space<vmem>>, %arg8: memref<1x128xf32, #tpu.memory_space<vmem>>, %arg9: memref<1x128xf32, #tpu.memory_space<vmem>>, %arg10: memref<1x128xf32, #tpu.memory_space<vmem>>, %arg11: memref<1x128xf32, #tpu.memory_space<vmem>>, %arg12: memref<512x128xf32, #tpu.memory_space<vmem>>) attributes {dimension_semantics = [#tpu.dimension_semantics<arbitrary>], iteration_bounds = array<i64: 16>, scalar_prefetch = 0 : i64, scratch_operands = 0 : i64, tpu.core_type = #tpu.core_type<tc>, window_params = [{transform_indices = @transform_0, window_bounds = array<i64: 512, 128>}, {transform_indices = @transform_1, window_bounds = array<i64: 512, 128>}, {transform_indices = @transform_2, window_bounds = array<i64: 512, 128>}, {pipeline_mode = #tpu.pipeline_mode<synchronous>, transform_indices = @transform_3, window_bounds = array<i64: 128, 128>}, {pipeline_mode = #tpu.pipeline_mode<synchronous>, transform_indices = @transform_4, window_bounds = array<i64: 1, 128>}, {pipeline_mode = #tpu.pipeline_mode<synchronous>, transform_indices = @transform_5, window_bounds = array<i64: 128, 128>}, {pipeline_mode = #tpu.pipeline_mode<synchronous>, transform_indices = @transform_6, window_bounds = array<i64: 1, 128>}, {pipeline_mode = #tpu.pipeline_mode<synchronous>, transform_indices = @transform_7, window_bounds = array<i64: 1, 128>}, {pipeline_mode = #tpu.pipeline_mode<synchronous>, transform_indices = @transform_8, window_bounds = array<i64: 1, 128>}, {pipeline_mode = #tpu.pipeline_mode<synchronous>, transform_indices = @transform_9, window_bounds = array<i64: 1, 128>}, {pipeline_mode = #tpu.pipeline_mode<synchronous>, transform_indices = @transform_10, window_bounds = array<i64: 1, 128>}, {transform_indices = @transform_11, window_bounds = array<i64: 512, 128>}]} {
    %get3A = arith.constant 0 : index
    %get3A_0 = arith.constant 0 : index
    %get3A_1 = vector.load %arg1[%get3A, %get3A_0] : memref<512x128xf32, #tpu.memory_space<vmem>>, vector<512x128xf32>
    %get3A_2 = arith.constant 0 : index
    %get3A_3 = arith.constant 0 : index
    %get3A_4 = vector.load %arg2[%get3A_2, %get3A_3] : memref<512x128xf32, #tpu.memory_space<vmem>>, vector<512x128xf32>
    %eq3A = arith.constant 0.000000e+00 : f32
    %eq3A_5 = vector.broadcast %eq3A : f32 to vector<512x128xf32>
    %eq3A_6 = arith.cmpf oeq, %get3A_4, %eq3A_5 : vector<512x128xf32>
    %jit3A = arith.constant 1.000000e+00 : f32
    %broadcast_in_dim3A = vector.broadcast %jit3A : f32 to vector<512x128xf32>
    %select_n3A = arith.select %eq3A_6, %broadcast_in_dim3A, %get3A_4 : vector<512x128xi1>, vector<512x128xf32>
    %div3A = arith.divf %get3A_1, %select_n3A : vector<512x128xf32>
    %get3A_7 = arith.constant 0 : index
    %get3A_8 = arith.constant 0 : index
    %get3A_9 = vector.load %arg8[%get3A_7, %get3A_8] : memref<1x128xf32, #tpu.memory_space<vmem>>, vector<1x128xf32>
    %get3A_10 = arith.constant 0 : index
    %get3A_11 = arith.constant 0 : index
    %get3A_12 = vector.load %arg9[%get3A_10, %get3A_11] : memref<1x128xf32, #tpu.memory_space<vmem>>, vector<1x128xf32>
    %reduce_sum3A = arith.constant dense<0.000000e+00> : vector<512xf32>
    %reduce_sum3A_13 = vector.multi_reduction <add>, %div3A, %reduce_sum3A [1] : vector<512x128xf32> to vector<512xf32>
    %broadcast_in_dim3A_14 = vector.shape_cast %reduce_sum3A_13 : vector<512xf32> to vector<512x1xf32>
    %div3A_15 = arith.constant 1.280000e+02 : f32
    %div3A_16 = vector.broadcast %div3A_15 : f32 to vector<512x1xf32>
    %div3A_17 = arith.divf %broadcast_in_dim3A_14, %div3A_16 : vector<512x1xf32>
    %sub3A = vector.broadcast %div3A_17 : vector<512x1xf32> to vector<512x128xf32>
    %sub3A_18 = arith.subf %div3A, %sub3A : vector<512x128xf32>
    %integer_pow3A = arith.mulf %sub3A_18, %sub3A_18 : vector<512x128xf32>
    %reduce_sum3A_19 = arith.constant dense<0.000000e+00> : vector<512xf32>
    %reduce_sum3A_20 = vector.multi_reduction <add>, %integer_pow3A, %reduce_sum3A_19 [1] : vector<512x128xf32> to vector<512xf32>
    %broadcast_in_dim3A_21 = vector.shape_cast %reduce_sum3A_20 : vector<512xf32> to vector<512x1xf32>
    %div3A_22 = arith.constant 1.280000e+02 : f32
    %div3A_23 = vector.broadcast %div3A_22 : f32 to vector<512x1xf32>
    %div3A_24 = arith.divf %broadcast_in_dim3A_21, %div3A_23 : vector<512x1xf32>
    %sub3A_25 = vector.broadcast %div3A_17 : vector<512x1xf32> to vector<512x128xf32>
    %sub3A_26 = arith.subf %div3A, %sub3A_25 : vector<512x128xf32>
    %add3A = arith.constant 9.99999974E-6 : f32
    %add3A_27 = vector.broadcast %add3A : f32 to vector<512x1xf32>
    %add3A_28 = arith.addf %div3A_24, %add3A_27 : vector<512x1xf32>
    %sqrt3A = math.sqrt %add3A_28 : vector<512x1xf32>
    %div3A_29 = vector.broadcast %sqrt3A : vector<512x1xf32> to vector<512x128xf32>
    %div3A_30 = arith.divf %sub3A_26, %div3A_29 : vector<512x128xf32>
    %mul3A = vector.broadcast %get3A_9 : vector<1x128xf32> to vector<512x128xf32>
    %mul3A_31 = arith.mulf %div3A_30, %mul3A : vector<512x128xf32>
    %add3A_32 = vector.broadcast %get3A_12 : vector<1x128xf32> to vector<512x128xf32>
    %add3A_33 = arith.addf %mul3A_31, %add3A_32 : vector<512x128xf32>
    %get3A_34 = arith.constant 0 : index
    %get3A_35 = arith.constant 0 : index
    %get3A_36 = vector.load %arg4[%get3A_34, %get3A_35] : memref<128x128xf32, #tpu.memory_space<vmem>>, vector<128x128xf32>
    %dot_general3A = arith.constant dense<0.000000e+00> : vector<512x128xf32>
    %dot_general3A_37 = tpu.matmul %add3A_33, %get3A_36, %dot_general3A {dimension_numbers = #tpu.dot_dimension_numbers<[1], [0], [0], [1], [0, 0, 1, 1], [], []>, transpose_lhs_hint = false} : vector<512x128xf32>, vector<128x128xf32>, vector<512x128xf32> -> vector<512x128xf32>
    %get3A_38 = arith.constant 0 : index
    %get3A_39 = arith.constant 0 : index
    %get3A_40 = vector.load %arg5[%get3A_38, %get3A_39] : memref<1x128xf32, #tpu.memory_space<vmem>>, vector<1x128xf32>
    %add3A_41 = vector.broadcast %get3A_40 : vector<1x128xf32> to vector<512x128xf32>
    %add3A_42 = arith.addf %dot_general3A_37, %add3A_41 : vector<512x128xf32>
    %max3A = arith.constant 0.000000e+00 : f32
    %max3A_43 = vector.broadcast %max3A : f32 to vector<512x128xf32>
    %max3A_44 = arith.maximumf %add3A_42, %max3A_43 : vector<512x128xf32>
    %get3A_45 = arith.constant 0 : index
    %get3A_46 = arith.constant 0 : index
    %get3A_47 = vector.load %arg6[%get3A_45, %get3A_46] : memref<128x128xf32, #tpu.memory_space<vmem>>, vector<128x128xf32>
    %dot_general3A_48 = arith.constant dense<0.000000e+00> : vector<512x128xf32>
    %dot_general3A_49 = tpu.matmul %max3A_44, %get3A_47, %dot_general3A_48 {dimension_numbers = #tpu.dot_dimension_numbers<[1], [0], [0], [1], [0, 0, 1, 1], [], []>, transpose_lhs_hint = false} : vector<512x128xf32>, vector<128x128xf32>, vector<512x128xf32> -> vector<512x128xf32>
    %get3A_50 = arith.constant 0 : index
    %get3A_51 = arith.constant 0 : index
    %get3A_52 = vector.load %arg7[%get3A_50, %get3A_51] : memref<1x128xf32, #tpu.memory_space<vmem>>, vector<1x128xf32>
    %add3A_53 = vector.broadcast %get3A_52 : vector<1x128xf32> to vector<512x128xf32>
    %add3A_54 = arith.addf %dot_general3A_49, %add3A_53 : vector<512x128xf32>
    %add3A_55 = arith.addf %add3A_33, %add3A_54 : vector<512x128xf32>
    %get3A_56 = arith.constant 0 : index
    %get3A_57 = arith.constant 0 : index
    %get3A_58 = vector.load %arg10[%get3A_56, %get3A_57] : memref<1x128xf32, #tpu.memory_space<vmem>>, vector<1x128xf32>
    %get3A_59 = arith.constant 0 : index
    %get3A_60 = arith.constant 0 : index
    %get3A_61 = vector.load %arg11[%get3A_59, %get3A_60] : memref<1x128xf32, #tpu.memory_space<vmem>>, vector<1x128xf32>
    %reduce_sum3A_62 = arith.constant dense<0.000000e+00> : vector<512xf32>
    %reduce_sum3A_63 = vector.multi_reduction <add>, %add3A_55, %reduce_sum3A_62 [1] : vector<512x128xf32> to vector<512xf32>
    %broadcast_in_dim3A_64 = vector.shape_cast %reduce_sum3A_63 : vector<512xf32> to vector<512x1xf32>
    %div3A_65 = arith.constant 1.280000e+02 : f32
    %div3A_66 = vector.broadcast %div3A_65 : f32 to vector<512x1xf32>
    %div3A_67 = arith.divf %broadcast_in_dim3A_64, %div3A_66 : vector<512x1xf32>
    %sub3A_68 = vector.broadcast %div3A_67 : vector<512x1xf32> to vector<512x128xf32>
    %sub3A_69 = arith.subf %add3A_55, %sub3A_68 : vector<512x128xf32>
    %integer_pow3A_70 = arith.mulf %sub3A_69, %sub3A_69 : vector<512x128xf32>
    %reduce_sum3A_71 = arith.constant dense<0.000000e+00> : vector<512xf32>
    %reduce_sum3A_72 = vector.multi_reduction <add>, %integer_pow3A_70, %reduce_sum3A_71 [1] : vector<512x128xf32> to vector<512xf32>
    %broadcast_in_dim3A_73 = vector.shape_cast %reduce_sum3A_72 : vector<512xf32> to vector<512x1xf32>
    %div3A_74 = arith.constant 1.280000e+02 : f32
    %div3A_75 = vector.broadcast %div3A_74 : f32 to vector<512x1xf32>
    %div3A_76 = arith.divf %broadcast_in_dim3A_73, %div3A_75 : vector<512x1xf32>
    %sub3A_77 = vector.broadcast %div3A_67 : vector<512x1xf32> to vector<512x128xf32>
    %sub3A_78 = arith.subf %add3A_55, %sub3A_77 : vector<512x128xf32>
    %add3A_79 = arith.constant 9.99999974E-6 : f32
    %add3A_80 = vector.broadcast %add3A_79 : f32 to vector<512x1xf32>
    %add3A_81 = arith.addf %div3A_76, %add3A_80 : vector<512x1xf32>
    %sqrt3A_82 = math.sqrt %add3A_81 : vector<512x1xf32>
    %div3A_83 = vector.broadcast %sqrt3A_82 : vector<512x1xf32> to vector<512x128xf32>
    %div3A_84 = arith.divf %sub3A_78, %div3A_83 : vector<512x128xf32>
    %mul3A_85 = vector.broadcast %get3A_58 : vector<1x128xf32> to vector<512x128xf32>
    %mul3A_86 = arith.mulf %div3A_84, %mul3A_85 : vector<512x128xf32>
    %add3A_87 = vector.broadcast %get3A_61 : vector<1x128xf32> to vector<512x128xf32>
    %add3A_88 = arith.addf %mul3A_86, %add3A_87 : vector<512x128xf32>
    %get3A_89 = arith.constant 0 : index
    %get3A_90 = arith.constant 0 : index
    %get3A_91 = vector.load %arg3[%get3A_89, %get3A_90] : memref<512x128xf32, #tpu.memory_space<vmem>>, vector<512x128xf32>
    %add3A_92 = arith.addf %get3A_91, %add3A_88 : vector<512x128xf32>
    %swap3A = arith.constant 0 : index
    %swap3A_93 = arith.constant 0 : index
    %swap3A_94 = vector.load %arg12[%swap3A, %swap3A_93] : memref<512x128xf32, #tpu.memory_space<vmem>>, vector<512x128xf32>
    tpu.vector_store %arg12[%swap3A, %swap3A_93], %add3A_92 {strides = array<i32>} : memref<512x128xf32, #tpu.memory_space<vmem>>, vector<512x128xf32>,
    return
  }
  func.func @transform_0(%arg0: i32) -> (i32, i32) {
    %c0_i32 = arith.constant 0 : i32
    %c0_i32_0 = arith.constant 0 : i32
    return %arg0, %c0_i32 : i32, i32
  }
  func.func @transform_1(%arg0: i32) -> (i32, i32) {
    %c0_i32 = arith.constant 0 : i32
    %c0_i32_0 = arith.constant 0 : i32
    return %arg0, %c0_i32 : i32, i32
  }
  func.func @transform_2(%arg0: i32) -> (i32, i32) {
    %c0_i32 = arith.constant 0 : i32
    %c0_i32_0 = arith.constant 0 : i32
    return %arg0, %c0_i32 : i32, i32
  }
  func.func @transform_3(%arg0: i32) -> (i32, i32) {
    %c0_i32 = arith.constant 0 : i32
    %c0_i32_0 = arith.constant 0 : i32
    %c0_i32_1 = arith.constant 0 : i32
    return %c0_i32, %c0_i32_0 : i32, i32
  }
  func.func @transform_4(%arg0: i32) -> (i32, i32) {
    %c0_i32 = arith.constant 0 : i32
    %c0_i32_0 = arith.constant 0 : i32
    %c0_i32_1 = arith.constant 0 : i32
    return %c0_i32, %c0_i32_0 : i32, i32
  }
  func.func @transform_5(%arg0: i32) -> (i32, i32) {
    %c0_i32 = arith.constant 0 : i32
    %c0_i32_0 = arith.constant 0 : i32
    %c0_i32_1 = arith.constant 0 : i32
    return %c0_i32, %c0_i32_0 : i32, i32
  }
  func.func @transform_6(%arg0: i32) -> (i32, i32) {
    %c0_i32 = arith.constant 0 : i32
    %c0_i32_0 = arith.constant 0 : i32
    %c0_i32_1 = arith.constant 0 : i32
    return %c0_i32, %c0_i32_0 : i32, i32
  }
  func.func @transform_7(%arg0: i32) -> (i32, i32) {
    %c0_i32 = arith.constant 0 : i32
    %c0_i32_0 = arith.constant 0 : i32
    %c0_i32_1 = arith.constant 0 : i32
    return %c0_i32, %c0_i32_0 : i32, i32
  }
  func.func @transform_8(%arg0: i32) -> (i32, i32) {
    %c0_i32 = arith.constant 0 : i32
    %c0_i32_0 = arith.constant 0 : i32
    %c0_i32_1 = arith.constant 0 : i32
    return %c0_i32, %c0_i32_0 : i32, i32
  }
  func.func @transform_9(%arg0: i32) -> (i32, i32) {
    %c0_i32 = arith.constant 0 : i32
    %c0_i32_0 = arith.constant 0 : i32
    %c0_i32_1 = arith.constant 0 : i32
    return %c0_i32, %c0_i32_0 : i32, i32
  }
  func.func @transform_10(%arg0: i32) -> (i32, i32) {
    %c0_i32 = arith.constant 0 : i32
    %c0_i32_0 = arith.constant 0 : i32
    %c0_i32_1 = arith.constant 0 : i32
    return %c0_i32, %c0_i32_0 : i32, i32
  }
  func.func @transform_11(%arg0: i32) -> (i32, i32) {
    %c0_i32 = arith.constant 0 : i32
    %c0_i32_0 = arith.constant 0 : i32
    return %arg0, %c0_i32 : i32, i32
  }
}

</mosaic_0001>

<sc_bundles>
// kernel: kernel.12.cloned.1.call-start
scs
__scs_entry_jumppad:
0x0: {  	(pc) =	sbr.rel $0x88, $3  }
0x1: {  	(tag) =	ssettag $0x0;
	lr =	simm.s32 $0x1  }
0x2: {  	[smem:$0x3F7E] =	sst lr;
	_ =	strace $0xD0000000  }
0x3: {  	_ = 	snop  }
0x4: {  	_ = 	snop  }
0x5: {  	_ = 	snop  }
0x6: {  	_ = 	snop  }
0x7: {  	_ = 	snop  }
__scs_overlays_trampoline_lowered:
0x8: {  	[smem:$0x3F8D] =	sst s0  }
0x9: {  	[smem:$0x3F8E] =	sst s1  }
0xa: {  	[smem:$0x3F8F] =	sst s2  }
0xb: {  	[smem:$0x3F90] =	sst s3  }
0xc: {  	[smem:$0x3F91] =	sst s4  }
0xd: {  	[smem:$0x3F92] =	sst s5  }
0xe: {  	[smem:$0x3F93] =	sst s6  }
0xf: {  	[smem:$0x3F94] =	sst s7  }
0x10: {  	[smem:$0x3F95] =	sst s8  }
0x11: {  	[smem:$0x3F96] =	sst s9;
	s0 =	simm.s32 @!p0 $0x0  }
0x12: {  	s1 =	sld [smem:$0x3F7C];
	s0 =	simm.s32 @p0 $0x1  }
0x13: {  	[smem:$0x3F97] =	sst s0;
	s0 =	simm.s32 @!p1 $0x0  }
0x14: {  	s2 =	sld [smem:$0x3F7B];
	s0 =	simm.s32 @p1 $0x1  }
0x15: {  	[smem:$0x3F98] =	sst s0;
	s0 =	simm.s32 @!p2 $0x0  }
0x16: {  	s3 =	sld [smem:$0x3FDB];
	s0 =	simm.s32 @p2 $0x1  }
0x17: {  	s4 =	simm.s32 $0x1BF5;
	[smem:$0x3F9A] =	sst s0  }
0x18: {  	s0 =	sld [smem:$0x3F7D];
	_ =	swait.ge [sflag:s4], $0x0  }
0x19: {  	s7 =	sld [smem:$0x3F7E]  }
0x1a: {  	s8 =	sadd.s32 $0xFFFFE003, lr  }
0x1b: {  	s9 =	sadd.s32 $0xFFFFFEF7, lr;
	s5 =	simm.s32 $0xFFFFFFFF;
	p2 =	slt.u32 s8, $0xFFFFF086  }
0x1c: {  	p1 =	slt.u32 s9, $0xF7A;
	s5 =	simm.s32 @!p2 $0x0  }
0x1d: {  	s5 =	simm.s32 @p1 $0x1;
	p0 =	seq.s32 s7, s2  }
0x1e: {  	s7 =	smul.u32 @!p0 $0xF7A, s2;
	p2 =	seq.s32 @!p0 s5, $0x0  }
0x1f: {  	s9 =	smul.u32 $0xF7A, s1;
	s8 =	simm.s32 @!p0 $0x1BF5;
	p2 =	por !p2, p0  }
0x20: {  	[sflag:s8] =	ssyncset.s32 @!p0 $0xFFFFF086;
	s6 =	sadd.s32 @!p0 s3, s7;
	s7 =	simm.s32 @!p0 $0x108  }
0x21: {  	s3 =	sadd.s32 s3, s9;
	s6 =	sadd.s32 @!p0 $0x88, s6;
	s7 =	simm.s32 @p2 $0x1082  }
0x22: {  	[simem:s7], [sflag:s8] =	dma.local @!p0 [hbm:s6], $0xF7A  }
0x23: {  	s9 =	sor.u32 $0xD0000000, s2;
	s6 =	simm.s32 $0x108;
	_ =	swait.ge @!p0 [sflag:s8], $0x0  }
0x24: {  	s3 =	sadd.s32 $0x88, s3;
	s6 =	simm.s32 @!p1 $0x1082;
	[sflag:s4] =	ssyncset.s32 $0xFFFFF086  }
0x25: {  	[simem:s6], [sflag:s4] =	dma.local [hbm:s3], $0xF7A  }
0x26: {  	[smem:$0x3F7E] =	sst s1;
	(tag) =	ssettag s2;
	_ =	strace s9  }
0x27: {  	s1 =	sld [smem:$0x3F8E]  }
0x28: {  	s2 =	sld [smem:$0x3F8F]  }
0x29: {  	s4 =	sld [smem:$0x3F91]  }
0x2a: {  	p0 =	seq.s32 s5, $0x0;
	s5 =	sld [smem:$0x3F92]  }
0x2b: {  	s6 =	sld [smem:$0x3F93]  }
0x2c: {  	s7 =	sld [smem:$0x3F94]  }
0x2d: {  	s3 =	simm.s32 $0x108;
	s8 =	sld [smem:$0x3F95]  }
0x2e: {  	s3 =	simm.s32 @!p0 $0x1082;
	s9 =	sld [smem:$0x3F96]  }
0x2f: {  	lr =	sadd.s32 s0, s3;
	s0 =	sld [smem:$0x3F8D]  }
0x30: {  	s3 =	sld [smem:$0x3F90]  }
0x31: {  	[smem:$0x3F99] =	sst s10  }
0x32: {  	s10 =	sld [smem:$0x3F97];
	_ =	sdelay $0x3  }
0x33: {  	p0 =	seq.s32 s10, $0x1;
	s10 =	sld [smem:$0x3F99];
	_ =	sdelay $0x3  }
0x34: {  	[smem:$0x3F99] =	sst s10  }
0x35: {  	s10 =	sld [smem:$0x3F98];
	_ =	sdelay $0x3  }
0x36: {  	p1 =	seq.s32 s10, $0x1;
	s10 =	sld [smem:$0x3F99];
	_ =	sdelay $0x3  }
0x37: {  	[smem:$0x3F99] =	sst s10  }
0x38: {  	s10 =	sld [smem:$0x3F9A]  }
0x39: {  	_ = 	snop;
	(pc) =	sbr.ind lr, $3  }
0x3a: {  	_ = 	snop  }
0x3b: {  	_ = 	snop  }
0x3c: {  	p2 =	seq.s32 s10, $0x1;
	s10 =	sld [smem:$0x3F99]  }
0x3d: {  	_ =	shalt  }
0x3e: {  	_ =	shalt  }
0x3f: {  	_ =	shalt  }
0x40: {  	_ =	shalt  }
0x41: {  	_ =	shalt  }
0x42: {  	_ =	shalt  }
0x43: {  	_ =	shalt  }
0x44: {  	_ =	shalt  }
0x45: {  	_ =	shalt  }
0x46: {  	_ =	shalt  }
0x47: {  	_ =	shalt  }
0x48: {  	_ =	shalt  }
0x49: {  	_ =	shalt  }
0x4a: {  	_ =	shalt  }
0x4b: {  	_ =	shalt  }
0x4c: {  	_ =	shalt  }
0x4d: {  	_ =	shalt  }
0x4e: {  	_ =	shalt  }
0x4f: {  	_ =	shalt  }
0x50: {  	_ =	shalt  }
0x51: {  	_ =	shalt  }
0x52: {  	_ =	shalt  }
0x53: {  	_ =	shalt  }
0x54: {  	_ =	shalt  }
0x55: {  	_ =	shalt  }
0x56: {  	_ =	shalt  }
0x57: {  	_ =	shalt  }
0x58: {  	_ =	shalt  }
0x59: {  	_ =	shalt  }
0x5a: {  	_ =	shalt  }
0x5b: {  	_ =	shalt  }
0x5c: {  	_ =	shalt  }
0x5d: {  	_ =	shalt  }
0x5e: {  	_ =	shalt  }
0x5f: {  	_ =	shalt  }
0x60: {  	_ =	shalt  }
0x61: {  	_ =	shalt  }
0x62: {  	_ =	shalt  }
0x63: {  	_ =	shalt  }
0x64: {  	_ =	shalt  }
0x65: {  	_ =	shalt  }
0x66: {  	_ =	shalt  }
0x67: {  	_ =	shalt  }
0x68: {  	_ =	shalt  }
0x69: {  	_ =	shalt  }
0x6a: {  	_ =	shalt  }
0x6b: {  	_ =	shalt  }
0x6c: {  	_ =	shalt  }
0x6d: {  	_ =	shalt  }
0x6e: {  	_ =	shalt  }
0x6f: {  	_ =	shalt  }
0x70: {  	_ =	shalt  }
0x71: {  	_ =	shalt  }
0x72: {  	_ =	shalt  }
0x73: {  	_ =	shalt  }
0x74: {  	_ =	shalt  }
0x75: {  	_ =	shalt  }
0x76: {  	_ =	shalt  }
0x77: {  	_ =	shalt  }
0x78: {  	_ =	shalt  }
0x79: {  	_ =	shalt  }
0x7a: {  	_ =	shalt  }
0x7b: {  	_ =	shalt  }
0x7c: {  	_ =	shalt  }
0x7d: {  	_ =	shalt  }
0x7e: {  	_ =	shalt  }
0x7f: {  	_ =	shalt  }
0x80: {  	_ =	shalt  }
0x81: {  	_ =	shalt  }
0x82: {  	_ =	shalt  }
0x83: {  	_ =	shalt  }
0x84: {  	_ =	shalt  }
0x85: {  	_ =	shalt  }
0x86: {  	_ =	shalt  }
0x87: {  	_ =	shalt  }
.Lfunc_end0:
.L_simem_size_0:
called_computation.1_lowered:
.L_overlay_start_0:
0x88: {  	s2 =	sld [smem:$0x3FD9]  }
0x89: {  	s3 =	sld [smem:$0x3FFE];
	_ =	sdelay $0x1  }
0x8a: {  	s1 =	srdreg.scid  }
0x8b: {  	s0 =	sand.u32 $0x1, s1  }
0x8c: {  	s14 =	sshll.u32 s0, $0xA;
	s2 =	sadd.s32 s3, s2  }
0x8d: {  	s2 =	sadd.s32 s2, s14  }
0x8e: {  	[smem:$0x3FA5] =	sst s2  }
0x8f: {  	_ = 	snop  }
0x90: {  	s2 =	sld [smem:$0x3FD0];
	_ =	sdelay $0x2  }
0x91: {  	s15 =	simm.s32 $0xA;
	s4 =	simm.s32 $0x10  }
0x92: {  	[smem:s4], [sflag:s15] =	dma.local [hbm:s2], $0x1  }
0x93: {  	_ =	swait.eq [sflag:s15], $0x1  }
0x94: {  	[sflag:s15] =	ssyncset.done $0x0  }
0x95: {  	[sflag:s15] =	ssyncadd.s32 $0xFFFFFFFF  }
0x96: {  	s16 =	sld [smem:$0x10];
	(tm) =	ssettm $0x1  }
0x97: {  	s17 =	sld [smem:$0x3FFB];
	_ =	sdelay $0x3  }
0x98: {  	_ =	strace s17  }
0x99: {  	s3 =	sld [smem:$0x3FFC];
	_ =	sdelay $0x3  }
0x9a: {  	_ =	strace s3  }
0x9b: {  	s3 =	sld [smem:$0x3FFD];
	_ =	sdelay $0x3  }
0x9c: {  	_ =	strace s3  }
0x9d: {  	_ =	strace $0x8FFFFFFF  }
0x9e: {  	s18 =	sld [smem:$0x3FDB];
	_ =	sdelay $0x1  }
0x9f: {  	s19 =	simm.s32 $_scs_section_size  }
0xa0: {  	s5 =	simm.s32 $_size__tile_overlayer_lowered;
	s6 =	simm.s32 $_tile_overlayer_lowered  }
0xa1: {  	s22 =	simm.s32 $0x1BFF;
	s21 =	sshll.u32 s6, $0x1;
	s3 =	sadd.s32 s19, s18  }
0xa2: {  	s7 =	simm.s32 $0x0;
	s20 =	sshll.u32 s5, $0x1;
	s5 =	sadd.s32 s21, s3  }
0xa3: {  	[timem:s7], [sflag:s22] =	dma.local [hbm:s5], s20  }
0xa4: {  	_ =	swait.ge [sflag:s22], s20  }
0xa5: {  	s4 =	ssub.s32 $0x0, s20;
	[sflag:s22] =	ssyncset.done $0x0  }
0xa6: {  	[sflag:s22] =	ssyncadd.s32 s4;
	_ =	sdelay $0x1  }
0xa7: {  	s23 =	simm.s32 $0x1B8B  }
0xa8: {  	_ =	swait.ge [sflag:s23], $0x1  }
0xa9: {  	[sflag:s23] =	ssyncset.done $0x0  }
0xaa: {  	s25 =	simm.s32 $0x1B8E;
	s24 =	sld [smem:$0x3FFE];
	[sflag:s23] =	ssyncadd.s32 $0xFFFFFFFF  }
0xab: {  	s26 =	simm.s32 $execute0_lowered;
	[smem:$0x3FD2] =	sst s25  }
0xac: {  	s5 =	sshll.u32 s26, $0x1;
	_ =	strace $0x80000049;
	[dreg:$0x1] =	wrdreg $0xFFFFFFFF  }
0xad: {  	s28 =	simm.s32 $_size_execute0_lowered;
	s3 =	sadd.s32 s3, s5;
	[dreg:$0x0] =	wrdreg $0x0  }
0xae: {  	s5 =	sshll.u32 s28, $0x1;
	[dreg:$0x2] =	wrdreg s3  }
0xaf: {  	[dreg:$0x3] =	wrdreg s5  }
0xb0: {  	[dreg:$0x4] =	wrdreg $0xC0  }
0xb1: {  	_ =	task [dreg:s7], $0x5FFFF  }
0xb2: {  	[dreg:$0x1] =	wrdreg $0xFFFFFFFF  }
0xb3: {  	[dreg:$0x0] =	wrdreg $0x60  }
0xb4: {  	[dreg:$0x2] =	wrdreg s16  }
0xb5: {  	[dreg:$0x3] =	wrdreg s24  }
0xb6: {  	[dreg:$0x4] =	wrdreg $0x9  }
0xb7: {  	_ =	task.clear_ibuf [dreg:s7], $0x5FFFF;
	_ =	strace $0x90000049  }
0xb8: {  	s29 =	simm.s32 $0x9;
	_ =	strace $0x8000004B  }
0xb9: {  	_ =	swait.ge [sflag:s29], $0x1  }
0xba: {  	[sflag:s29] =	ssyncadd.s32 $0xFFFFFFFF  }
0xbb: {  	_ =	strace $0x9000004B  }
0xbc: {  	_ =	sfence  }
0xbd: {  	s30 =	sld [smem:$0x0];
	_ =	sdelay $0x2  }
0xbe: {  	s31 =	sshll.u32 s1, $0xD;
	s1 =	sshrl.u32 s1, $0x2  }
0xbf: {  	s3 =	sand.u32 $0x4000, s31;
	s1 =	sadd.s32 s1, s30  }
0xc0: {  	s0 =	sor.u32 s3, s0;
	s1 =	sshll.u32 s1, $0x11  }
0xc1: {  	s0 =	sor.u32 s1, s0  }
0xc2: {  	s0 =	sadd.s32 $0x8F2B, s0  }
0xc3: {  	[sflag:s0] =	ssyncadd.remote.s32 $0x1  }
0xc4: {  	_ =	sfence.sel $0xFFFF  }
0xc5: {  	[dreg:$0x0] =	wrdreg $0xFFFFFFFF;
	(pc) =	sbr.abs _section_cstart, $3  }
0xc6: {  	[dreg:$0x1] =	wrdreg $0xFFFFFFFF  }
0xc7: {  	_ =	task.clear_ibuf [dreg:s7], $0x2FFFF;
	_ =	strace $0x9FFFFFFF  }
0xc8: {  	(tm) =	ssettm $0x7FFFFFFF  }
0xc9: {  	_ =	shalt  }
tec
execute0_lowered:
.L_overlay_start_1:
0x0: {  	(tag) =	ssettag $0x1  }
0x1: {  	s2 =	rddreg [dreg:$0x0]  }
0x2: {  	s4 =	rddreg [dreg:$0x1];
	s3 =	srdreg.scid  }
0x3: {  	s1 =	stileid.u32;
	s0 =	rddreg [dreg:$0x2];
	s9 =	simm.s32 $0x2400  }
0x4: {  	s10 =	simm.s32 $0x2;
	s11 =	simm.s32 $0x1;
	s12 =	simm.s32 $0x0  }
0x5: {  	s5 =	sand.u32 $0x1, s3;
	s6 =	smul.u32 $0x240000, s1;
	s7 =	sshll.u32 s1, $0x1  }
0x6: {  	s3 =	simm.s32 $0x0;
	s8 =	smul.u32 $0x120000, s5;
	s7 =	sor.u32 s5, s7  }
0x7: {  	[smem:$0x7FF] =	sst s3;
	s5 =	ssub.s32 $0x2, s5;
	s7 =	smul.u32 $0x480, s7  }
0x8: {  	_ =	strace $0x8000004A;
	s31 =	sshrl.u32 s5, $0x1;
	s6 =	sadd.s32 s8, s6  }
0x9: {  	s5 =	ssub.s32 s5, s31;
	s8 =	simm.s32 $0x80;
	s6 =	sshrl.u32 s6, $0x3  }
0xa: {  	s7 =	sadd.s32 s7, s4;
	s5 =	smax.u32 s5, $0x1;
	s6 =	sadd.s32 s6, s4  }
0xb: {  	s4 =	sadd.s32 $0x7A00, s7;
	s7 =	simm.s32 $0x3;
	s6 =	sadd.s32 $0x3CA00, s6  }
.LBB2_1:
0xc: {  	[tilespmem:s3], [sflag:$0x3] =	stream.linear.gather [hbm4b:s4+s3], $0x2400, $0x38;
	[tilespmem:$0xA400] =	vst v63  }
0xd: {  	_ =	swait.ge [sflag:s7], $0x2400  }
0xe: {  	s13 =	simm.s32 $0x10000;
	[sflag:s7] =	ssyncset.done $0x0  }
0xf: {  	s14 =	simm.s32 $0x0;
	s15 =	smin.u32 s11, $0x47;
	[sflag:s7] =	ssyncadd.s32 $0xFFFFDC00  }
0x10: {  	[tilespmem:s9], [sflag:$0x1] =	stream.indirect.gather [hbm4b:s2+s8], $0x80, s3, s8, $0xb8;
	[tilespmem:$0xA400] =	vst v63  }
0x11: {  	s13 =	sand.u32 $0x10000, s13;
	s14 =	sand.u32 $0x10000, s14;
	_ =	swait.ge [sflag:s11], $0x4000  }
0x12: {  	s15 =	sshll.u32 s15, $0x7;
	s13 =	sshrl.u32 s13, $0x2;
	[sflag:s11] =	ssyncset.done $0x0  }
0x13: {  	s14 =	sshrl.u32 s14, $0x2;
	s13 =	sor.u32 $0x2400, s13;
	[sflag:s11] =	ssyncadd.s32 $0xFFFFC000  }
0x14: {  	[tilespmem:s13], [sflag:$0x1] =	stream.indirect.gather [hbm4b:s2+s8], $0x80, s15, s8, $0xb8;
	[tilespmem:$0xA400] =	vst v63  }
0x15: {  	s31 =	sor.u32 $0x2400, s14  }
0x16: {  	[hbm4b:s6+s3] =	stream.linear.scatter [tilespmem:s31], [sflag:$0x2], $0x4000, $0x38;
	[tilespmem:$0xA400] =	vst v63  }
0x17: {  	_ =	swait.ge [sflag:s10], $0x4000  }
0x18: {  	s16 =	simm.s32 $0x2;
	s14 =	simm.s32 $0x20000;
	[sflag:s10] =	ssyncset.done $0x0  }
0x19: {  	s16 =	smin.u32 s16, $0x47;
	s17 =	sand.u32 $0x10000, s14;
	[sflag:s10] =	ssyncadd.s32 $0xFFFFC000  }
0x1a: {  	s15 =	simm.s32 $0x3;
	s13 =	sadd.s32 $0x800, s6;
	_ =	swait.ge [sflag:s11], $0x4000  }
.LBB2_2:
0x1b: {  	s17 =	sshrl.u32 s17, $0x2  }
0x1c: {  	s18 =	sadd.s32 $0xFFFF0000, s14;
	[sflag:s11] =	ssyncset.done $0x0;
	s19 =	smov.u32 s15  }
0x1d: {  	s16 =	sshll.u32 s16, $0x7;
	s17 =	sor.u32 $0x2400, s17;
	s18 =	sand.u32 $0x10000, s18  }
0x1e: {  	s20 =	sadd.s32 $0x1, s15;
	s18 =	sshrl.u32 s18, $0x2;
	[sflag:s11] =	ssyncadd.s32 $0xFFFFC000  }
0x1f: {  	[tilespmem:s17], [sflag:$0x1] =	stream.indirect.gather [hbm4b:s2+s8], $0x80, s16, s8, $0xb8;
	[tilespmem:$0xA400] =	vst v63  }
0x20: {  	p0 =	sne.s32 s15, $0x48;
	s15 =	sor.u32 $0x2400, s18  }
0x21: {  	[hbm4b:s13+s3] =	stream.linear.scatter [tilespmem:s15], [sflag:$0x2], $0x4000, $0x38;
	[tilespmem:$0xA400] =	vst v63  }
.Ltmp0:
0x22: {  	_ = 	snop;
	(pc) =	sbr.rel @p0 .LBB2_2-.Ltmp0, $4  }
0x23: {  	_ =	swait.ge [sflag:s10], $0x4000  }
0x24: {  	s14 =	sadd.s32 $0x10000, s14;
	[sflag:s10] =	ssyncset.done $0x0  }
0x25: {  	s16 =	smin.u32 s19, $0x47;
	s13 =	sadd.s32 $0x800, s13;
	[sflag:s10] =	ssyncadd.s32 $0xFFFFC000  }
0x26: {  	s17 =	sand.u32 $0x10000, s14;
	s15 =	smov.u32 s20;
	_ =	swait.ge [sflag:s11], $0x4000  }
0x27: {  	s15 =	sshrl.u32 s17, $0x2;
	s14 =	sadd.s32 $0xFFFF0000, s14  }
0x28: {  	[sflag:s11] =	ssyncset.done $0x0;
	s16 =	sshll.u32 s16, $0x7;
	s14 =	sand.u32 $0x10000, s14  }
0x29: {  	s15 =	sor.u32 $0x2400, s15;
	[sflag:s11] =	ssyncadd.s32 $0xFFFFC000;
	s14 =	sshrl.u32 s14, $0x2  }
0x2a: {  	[tilespmem:s15], [sflag:$0x1] =	stream.indirect.gather [hbm4b:s2+s8], $0x80, s16, s8, $0xb8;
	[tilespmem:$0xA400] =	vst v63  }
0x2b: {  	s12 =	sadd.s32 $0x1, s12;
	s14 =	sor.u32 $0x2400, s14  }
0x2c: {  	[hbm4b:s13+s3] =	stream.linear.scatter [tilespmem:s14], [sflag:$0x2], $0x4000, $0x38;
	[tilespmem:$0xA400] =	vst v63  }
0x2d: {  	p0 =	sne.s32 s12, s5;
	_ =	swait.ge [sflag:s10], $0x4000  }
.Ltmp1:
0x2e: {  	[sflag:s10] =	ssyncset.done $0x0;
	(pc) =	sbr.rel @p0 .LBB2_1-.Ltmp1, $4  }
0x2f: {  	[sflag:s10] =	ssyncadd.s32 $0xFFFFC000  }
0x30: {  	_ =	swait.ge [sflag:s11], $0x4000  }
0x31: {  	[sflag:s11] =	ssyncset.done $0x0  }
0x32: {  	[sflag:s11] =	ssyncadd.s32 $0xFFFFC000  }
0x33: {  	_ =	sfence.sel $0x180000  }
0x34: {  	[bflag:$0x0] =	sbarrier.arrive $0xFFFF  }
0x35: {  	p0 =	sne.s32 s1, $0x0;
	_ =	strace $0x9000004A  }
0x36: {  	s0 =	sadd.s32 @!p0 $0x100000, s0;
	[bflag:$0x2] =	sbarrier.arrive $0xFFFF  }
0x37: {  	[sflag:s0] =	ssyncadd.tile.s32 @!p0 $0x1;
	_ =	shalt  }
.Lfunc_end2:
_tile_overlayer_lowered:
.L_overlay_start_2:
0x38: {  	(tag) =	ssettag $0x2  }
0x39: {  	s0 =	rddreg [dreg:$0x0];
	s2 =	stileid.u32  }
0x3a: {  	s1 =	rddreg [dreg:$0x1];
	p0 =	sne.s32 s2, $0x0  }
0x3b: {  	s3 =	rddreg [dreg:$0x2];
	[bflag:$0x3] =	sbarrier.arrive $0xFFFF;
	s2 =	simm.s32 @!p0 $0x1C03  }
0x3c: {  	[timem:s3], [sflag:s2] =	dma.local @!p0 [hbm:s0], s1  }
0x3d: {  	s0 =	simm.s32 @!p0 $0x3  }
0x3e: {  	_ =	swait.ge @!p0 [sflag:s0], s1  }
0x3f: {  	s1 =	ssub.s32 @!p0 $0x0, s1;
	[sflag:s0] =	ssyncset.done @!p0 $0x0  }
0x40: {  	[sflag:s0] =	ssyncadd.s32 @!p0 s1  }
0x41: {  	[bflag:$0x3] =	sbarrier.arrive $0xFFFF  }
0x42: {  	_ =	shalt  }

// kernel: kernel.15.cloned.1.call-start
scs
__scs_entry_jumppad:
0x0: {  	(pc) =	sbr.rel $0x88, $3  }
0x1: {  	(tag) =	ssettag $0x0;
	lr =	simm.s32 $0x1  }
0x2: {  	[smem:$0x3F7E] =	sst lr;
	_ =	strace $0xD0000000  }
0x3: {  	_ = 	snop  }
0x4: {  	_ = 	snop  }
0x5: {  	_ = 	snop  }
0x6: {  	_ = 	snop  }
0x7: {  	_ = 	snop  }
__scs_overlays_trampoline_lowered:
0x8: {  	[smem:$0x3F8D] =	sst s0  }
0x9: {  	[smem:$0x3F8E] =	sst s1  }
0xa: {  	[smem:$0x3F8F] =	sst s2  }
0xb: {  	[smem:$0x3F90] =	sst s3  }
0xc: {  	[smem:$0x3F91] =	sst s4  }
0xd: {  	[smem:$0x3F92] =	sst s5  }
0xe: {  	[smem:$0x3F93] =	sst s6  }
0xf: {  	[smem:$0x3F94] =	sst s7  }
0x10: {  	[smem:$0x3F95] =	sst s8  }
0x11: {  	[smem:$0x3F96] =	sst s9;
	s0 =	simm.s32 @!p0 $0x0  }
0x12: {  	s1 =	sld [smem:$0x3F7C];
	s0 =	simm.s32 @p0 $0x1  }
0x13: {  	[smem:$0x3F97] =	sst s0;
	s0 =	simm.s32 @!p1 $0x0  }
0x14: {  	s2 =	sld [smem:$0x3F7B];
	s0 =	simm.s32 @p1 $0x1  }
0x15: {  	[smem:$0x3F98] =	sst s0;
	s0 =	simm.s32 @!p2 $0x0  }
0x16: {  	s3 =	sld [smem:$0x3FDB];
	s0 =	simm.s32 @p2 $0x1  }
0x17: {  	s4 =	simm.s32 $0x1BF5;
	[smem:$0x3F9A] =	sst s0  }
0x18: {  	s0 =	sld [smem:$0x3F7D];
	_ =	swait.ge [sflag:s4], $0x0  }
0x19: {  	s7 =	sld [smem:$0x3F7E]  }
0x1a: {  	s8 =	sadd.s32 $0xFFFFE003, lr  }
0x1b: {  	s9 =	sadd.s32 $0xFFFFFEF7, lr;
	s5 =	simm.s32 $0xFFFFFFFF;
	p2 =	slt.u32 s8, $0xFFFFF086  }
0x1c: {  	p1 =	slt.u32 s9, $0xF7A;
	s5 =	simm.s32 @!p2 $0x0  }
0x1d: {  	s5 =	simm.s32 @p1 $0x1;
	p0 =	seq.s32 s7, s2  }
0x1e: {  	s7 =	smul.u32 @!p0 $0xF7A, s2;
	p2 =	seq.s32 @!p0 s5, $0x0  }
0x1f: {  	s9 =	smul.u32 $0xF7A, s1;
	s8 =	simm.s32 @!p0 $0x1BF5;
	p2 =	por !p2, p0  }
0x20: {  	[sflag:s8] =	ssyncset.s32 @!p0 $0xFFFFF086;
	s6 =	sadd.s32 @!p0 s3, s7;
	s7 =	simm.s32 @!p0 $0x108  }
0x21: {  	s3 =	sadd.s32 s3, s9;
	s6 =	sadd.s32 @!p0 $0x88, s6;
	s7 =	simm.s32 @p2 $0x1082  }
0x22: {  	[simem:s7], [sflag:s8] =	dma.local @!p0 [hbm:s6], $0xF7A  }
0x23: {  	s9 =	sor.u32 $0xD0000000, s2;
	s6 =	simm.s32 $0x108;
	_ =	swait.ge @!p0 [sflag:s8], $0x0  }
0x24: {  	s3 =	sadd.s32 $0x88, s3;
	s6 =	simm.s32 @!p1 $0x1082;
	[sflag:s4] =	ssyncset.s32 $0xFFFFF086  }
0x25: {  	[simem:s6], [sflag:s4] =	dma.local [hbm:s3], $0xF7A  }
0x26: {  	[smem:$0x3F7E] =	sst s1;
	(tag) =	ssettag s2;
	_ =	strace s9  }
0x27: {  	s1 =	sld [smem:$0x3F8E]  }
0x28: {  	s2 =	sld [smem:$0x3F8F]  }
0x29: {  	s4 =	sld [smem:$0x3F91]  }
0x2a: {  	p0 =	seq.s32 s5, $0x0;
	s5 =	sld [smem:$0x3F92]  }
0x2b: {  	s6 =	sld [smem:$0x3F93]  }
0x2c: {  	s7 =	sld [smem:$0x3F94]  }
0x2d: {  	s3 =	simm.s32 $0x108;
	s8 =	sld [smem:$0x3F95]  }
0x2e: {  	s3 =	simm.s32 @!p0 $0x1082;
	s9 =	sld [smem:$0x3F96]  }
0x2f: {  	lr =	sadd.s32 s0, s3;
	s0 =	sld [smem:$0x3F8D]  }
0x30: {  	s3 =	sld [smem:$0x3F90]  }
0x31: {  	[smem:$0x3F99] =	sst s10  }
0x32: {  	s10 =	sld [smem:$0x3F97];
	_ =	sdelay $0x3  }
0x33: {  	p0 =	seq.s32 s10, $0x1;
	s10 =	sld [smem:$0x3F99];
	_ =	sdelay $0x3  }
0x34: {  	[smem:$0x3F99] =	sst s10  }
0x35: {  	s10 =	sld [smem:$0x3F98];
	_ =	sdelay $0x3  }
0x36: {  	p1 =	seq.s32 s10, $0x1;
	s10 =	sld [smem:$0x3F99];
	_ =	sdelay $0x3  }
0x37: {  	[smem:$0x3F99] =	sst s10  }
0x38: {  	s10 =	sld [smem:$0x3F9A]  }
0x39: {  	_ = 	snop;
	(pc) =	sbr.ind lr, $3  }
0x3a: {  	_ = 	snop  }
0x3b: {  	_ = 	snop  }
0x3c: {  	p2 =	seq.s32 s10, $0x1;
	s10 =	sld [smem:$0x3F99]  }
0x3d: {  	_ =	shalt  }
0x3e: {  	_ =	shalt  }
0x3f: {  	_ =	shalt  }
0x40: {  	_ =	shalt  }
0x41: {  	_ =	shalt  }
0x42: {  	_ =	shalt  }
0x43: {  	_ =	shalt  }
0x44: {  	_ =	shalt  }
0x45: {  	_ =	shalt  }
0x46: {  	_ =	shalt  }
0x47: {  	_ =	shalt  }
0x48: {  	_ =	shalt  }
0x49: {  	_ =	shalt  }
0x4a: {  	_ =	shalt  }
0x4b: {  	_ =	shalt  }
0x4c: {  	_ =	shalt  }
0x4d: {  	_ =	shalt  }
0x4e: {  	_ =	shalt  }
0x4f: {  	_ =	shalt  }
0x50: {  	_ =	shalt  }
0x51: {  	_ =	shalt  }
0x52: {  	_ =	shalt  }
0x53: {  	_ =	shalt  }
0x54: {  	_ =	shalt  }
0x55: {  	_ =	shalt  }
0x56: {  	_ =	shalt  }
0x57: {  	_ =	shalt  }
0x58: {  	_ =	shalt  }
0x59: {  	_ =	shalt  }
0x5a: {  	_ =	shalt  }
0x5b: {  	_ =	shalt  }
0x5c: {  	_ =	shalt  }
0x5d: {  	_ =	shalt  }
0x5e: {  	_ =	shalt  }
0x5f: {  	_ =	shalt  }
0x60: {  	_ =	shalt  }
0x61: {  	_ =	shalt  }
0x62: {  	_ =	shalt  }
0x63: {  	_ =	shalt  }
0x64: {  	_ =	shalt  }
0x65: {  	_ =	shalt  }
0x66: {  	_ =	shalt  }
0x67: {  	_ =	shalt  }
0x68: {  	_ =	shalt  }
0x69: {  	_ =	shalt  }
0x6a: {  	_ =	shalt  }
0x6b: {  	_ =	shalt  }
0x6c: {  	_ =	shalt  }
0x6d: {  	_ =	shalt  }
0x6e: {  	_ =	shalt  }
0x6f: {  	_ =	shalt  }
0x70: {  	_ =	shalt  }
0x71: {  	_ =	shalt  }
0x72: {  	_ =	shalt  }
0x73: {  	_ =	shalt  }
0x74: {  	_ =	shalt  }
0x75: {  	_ =	shalt  }
0x76: {  	_ =	shalt  }
0x77: {  	_ =	shalt  }
0x78: {  	_ =	shalt  }
0x79: {  	_ =	shalt  }
0x7a: {  	_ =	shalt  }
0x7b: {  	_ =	shalt  }
0x7c: {  	_ =	shalt  }
0x7d: {  	_ =	shalt  }
0x7e: {  	_ =	shalt  }
0x7f: {  	_ =	shalt  }
0x80: {  	_ =	shalt  }
0x81: {  	_ =	shalt  }
0x82: {  	_ =	shalt  }
0x83: {  	_ =	shalt  }
0x84: {  	_ =	shalt  }
0x85: {  	_ =	shalt  }
0x86: {  	_ =	shalt  }
0x87: {  	_ =	shalt  }
.Lfunc_end0:
.L_simem_size_0:
called_computation.2_lowered:
.L_overlay_start_0:
0x88: {  	s2 =	sld [smem:$0x3FD9]  }
0x89: {  	s3 =	sld [smem:$0x3FFE];
	_ =	sdelay $0x1  }
0x8a: {  	s1 =	srdreg.scid  }
0x8b: {  	s0 =	sand.u32 $0x1, s1  }
0x8c: {  	s14 =	sshll.u32 s0, $0xA;
	s2 =	sadd.s32 s3, s2  }
0x8d: {  	s2 =	sadd.s32 s2, s14  }
0x8e: {  	[smem:$0x3FA5] =	sst s2  }
0x8f: {  	_ = 	snop  }
0x90: {  	s2 =	sld [smem:$0x3FD0];
	_ =	sdelay $0x2  }
0x91: {  	s15 =	simm.s32 $0xA;
	s4 =	simm.s32 $0x10  }
0x92: {  	[smem:s4], [sflag:s15] =	dma.local [hbm:s2], $0x1  }
0x93: {  	_ =	swait.eq [sflag:s15], $0x1  }
0x94: {  	[sflag:s15] =	ssyncset.done $0x0  }
0x95: {  	[sflag:s15] =	ssyncadd.s32 $0xFFFFFFFF  }
0x96: {  	s16 =	sld [smem:$0x10];
	(tm) =	ssettm $0x1  }
0x97: {  	s17 =	sld [smem:$0x3FFB];
	_ =	sdelay $0x3  }
0x98: {  	_ =	strace s17  }
0x99: {  	s3 =	sld [smem:$0x3FFC];
	_ =	sdelay $0x3  }
0x9a: {  	_ =	strace s3  }
0x9b: {  	s3 =	sld [smem:$0x3FFD];
	_ =	sdelay $0x3  }
0x9c: {  	_ =	strace s3  }
0x9d: {  	_ =	strace $0x8FFFFFFF  }
0x9e: {  	s18 =	sld [smem:$0x3FDB];
	_ =	sdelay $0x1  }
0x9f: {  	s19 =	simm.s32 $_scs_section_size  }
0xa0: {  	s5 =	simm.s32 $_size__tile_overlayer_lowered;
	s6 =	simm.s32 $_tile_overlayer_lowered  }
0xa1: {  	s22 =	simm.s32 $0x1BFF;
	s21 =	sshll.u32 s6, $0x1;
	s3 =	sadd.s32 s19, s18  }
0xa2: {  	s7 =	simm.s32 $0x0;
	s20 =	sshll.u32 s5, $0x1;
	s5 =	sadd.s32 s21, s3  }
0xa3: {  	[timem:s7], [sflag:s22] =	dma.local [hbm:s5], s20  }
0xa4: {  	_ =	swait.ge [sflag:s22], s20  }
0xa5: {  	s4 =	ssub.s32 $0x0, s20;
	[sflag:s22] =	ssyncset.done $0x0  }
0xa6: {  	[sflag:s22] =	ssyncadd.s32 s4;
	_ =	sdelay $0x1  }
0xa7: {  	s23 =	simm.s32 $0x1B8B  }
0xa8: {  	_ =	swait.ge [sflag:s23], $0x1  }
0xa9: {  	[sflag:s23] =	ssyncset.done $0x0  }
0xaa: {  	s25 =	simm.s32 $0x1B8E;
	s24 =	sld [smem:$0x3FFE];
	[sflag:s23] =	ssyncadd.s32 $0xFFFFFFFF  }
0xab: {  	s26 =	simm.s32 $execute0_lowered;
	[smem:$0x3FD2] =	sst s25  }
0xac: {  	s5 =	sshll.u32 s26, $0x1;
	_ =	strace $0x8000004C;
	[dreg:$0x1] =	wrdreg $0xFFFFFFFF  }
0xad: {  	s28 =	simm.s32 $_size_execute0_lowered;
	s3 =	sadd.s32 s3, s5;
	[dreg:$0x0] =	wrdreg $0x0  }
0xae: {  	s5 =	sshll.u32 s28, $0x1;
	[dreg:$0x2] =	wrdreg s3  }
0xaf: {  	[dreg:$0x3] =	wrdreg s5  }
0xb0: {  	[dreg:$0x4] =	wrdreg $0xC0  }
0xb1: {  	_ =	task [dreg:s7], $0x5FFFF  }
0xb2: {  	[dreg:$0x1] =	wrdreg $0xFFFFFFFF  }
0xb3: {  	[dreg:$0x0] =	wrdreg $0x60  }
0xb4: {  	[dreg:$0x2] =	wrdreg s24  }
0xb5: {  	[dreg:$0x3] =	wrdreg s16  }
0xb6: {  	[dreg:$0x4] =	wrdreg $0x0  }
0xb7: {  	[dreg:$0x5] =	wrdreg $0x9  }
0xb8: {  	_ =	task.clear_ibuf [dreg:s7], $0x6FFFF;
	_ =	strace $0x9000004C  }
0xb9: {  	s29 =	simm.s32 $0x9;
	_ =	strace $0x8000004E  }
0xba: {  	_ =	swait.ge [sflag:s29], $0x1  }
0xbb: {  	[sflag:s29] =	ssyncadd.s32 $0xFFFFFFFF  }
0xbc: {  	_ =	strace $0x9000004E  }
0xbd: {  	_ =	sfence  }
0xbe: {  	s30 =	sld [smem:$0x0];
	_ =	sdelay $0x2  }
0xbf: {  	s31 =	sshll.u32 s1, $0xD;
	s1 =	sshrl.u32 s1, $0x2  }
0xc0: {  	s3 =	sand.u32 $0x4000, s31;
	s1 =	sadd.s32 s1, s30  }
0xc1: {  	s0 =	sor.u32 s3, s0;
	s1 =	sshll.u32 s1, $0x11  }
0xc2: {  	s0 =	sor.u32 s1, s0  }
0xc3: {  	s0 =	sadd.s32 $0x8F2B, s0  }
0xc4: {  	[sflag:s0] =	ssyncadd.remote.s32 $0x1  }
0xc5: {  	_ =	sfence.sel $0xFFFF  }
0xc6: {  	[dreg:$0x0] =	wrdreg $0xFFFFFFFF;
	(pc) =	sbr.abs _section_cstart, $3  }
0xc7: {  	[dreg:$0x1] =	wrdreg $0xFFFFFFFF  }
0xc8: {  	_ =	task.clear_ibuf [dreg:s7], $0x2FFFF;
	_ =	strace $0x9FFFFFFF  }
0xc9: {  	(tm) =	ssettm $0x7FFFFFFF  }
tec
execute0_lowered:
.L_overlay_start_1:
0x0: {  	(tag) =	ssettag $0x1  }
0x1: {  	s0 =	rddreg [dreg:$0x0]  }
0x2: {  	s1 =	rddreg [dreg:$0x1]  }
0x3: {  	s2 =	rddreg [dreg:$0x2]  }
0x4: {  	s3 =	simm.s32 $0x0;
	s7 =	stileid.u32;
	s6 =	srdreg.scid  }
0x5: {  	s28 =	simm.s32 $0x1;
	s29 =	simm.s32 $0x0;
	[smem:$0x7FF] =	sst s3  }
0x6: {  	s5 =	smul.u32 $0x900, s7;
	s4 =	sadd.s32 $0x4BCA00, s0;
	s22 =	sand.u32 $0x1, s6  }
0x7: {  	s21 =	sadd.s32 $0x10A00, s0;
	s23 =	sadd.s32 $0x32A00, s0;
	s16 =	sshll.u32 s7, $0x9  }
0x8: {  	s9 =	sshll.u32 s7, $0x10;
	s11 =	sshll.u32 s7, $0x6;
	s13 =	smul.u32 $0x48000, s7  }
0x9: {  	s14 =	smul.u32 $0x240000, s7;
	_ =	strace $0x8000004D;
	[dreg:$0x4] =	wrdreg s21  }
0xa: {  	s8 =	ssub.s32 $0x2, s22;
	[dreg:$0x5] =	wrdreg s23;
	s9 =	sadd.s32 s9, s2  }
0xb: {  	s11 =	sor.u32 $0x1C02, s11;
	s25 =	sor.u32 $0x80, s16;
	s18 =	sor.u32 $0x100, s16  }
0xc: {  	s20 =	sor.u32 $0x180, s16;
	p0 =	sne.s32 s22, $0x0;
	s23 =	simm.s32 $0x2  }
0xd: {  	s5 =	sadd.s32 s5, s0;
	s0 =	sadd.s32 $0x52A00, s0;
	s24 =	sshrl.u32 s8, $0x1  }
0xe: {  	s13 =	sadd.s32 s4, s13;
	s26 =	sshll.u32 s25, $0x7;
	s30 =	sshll.u32 s18, $0x7  }
0xf: {  	s16 =	sshll.u32 s25, $0x4;
	s31 =	sshll.u32 s20, $0x7;
	s18 =	sshll.u32 s18, $0x4  }
.Ltmp0:
0x10: {  	s20 =	sshll.u32 s20, $0x4;
	s22 =	sshrl.u32 s9, $0x3;
	(pc) =	sbr.rel .LBB2_1-.Ltmp0, $4  }
0x11: {  	s25 =	simm.s32 $0x14800;
	[dreg:$0x6] =	wrdreg s0;
	s0 =	ssub.s32 s8, s24  }
0x12: {  	s8 =	sshll.u32 s7, $0xD;
	s12 =	sadd.s32 $0x7A00, s5;
	s15 =	sadd.s32 s26, s2  }
0x13: {  	s17 =	sadd.s32 s30, s2;
	s19 =	sadd.s32 s31, s2;
	s24 =	simm.s32 $0x10000  }
0x14: {  	s26 =	simm.s32 $0x80;
	s10 =	sadd.s32 s1, s8;
	s21 =	smax.u32 s0, $0x1  }
.LBB2_7:
0x15: {  	[sflag:s23] =	ssyncset.done $0x0  }
0x16: {  	s0 =	rddreg [dreg:$0x6];
	[sflag:s23] =	ssyncadd.s32 $0xFFFFC000  }
.LBB2_8:
0x17: {  	[bflag:$0x0] =	sbarrier.arrive $0xFFFF  }
0x18: {  	[tilespmem:s25], [sflag:$0x2] =	stream.linear.gather [spmem:s9], $0x4000, $0x38;
	[tilespmem:$0x1C800] =	vst v63  }
0x19: {  	_ =	swait.ge [sflag:s23], $0x4000  }
0x1a: {  	[sflag:s23] =	ssyncset.done $0x0  }
0x1b: {  	s1 =	sadd.s32 s0, s8;
	[sflag:s23] =	ssyncadd.s32 $0xFFFFC000  }
0x1c: {  	[hbm4b:s1+s3] =	stream.linear.scatter [tilespmem:s25], [sflag:$0x2], $0x4000, $0x38;
	[tilespmem:$0x1C800] =	vst v63  }
0x1d: {  	_ =	swait.ge [sflag:s23], $0x4000  }
0x1e: {  	[sflag:s23] =	ssyncset.done $0x0  }
0x1f: {  	[sflag:s23] =	ssyncadd.s32 $0xFFFFC000  }
0x20: {  	[tilespmem:s25], [sflag:$0x2] =	stream.linear.gather [spmem:s15], $0x4000, $0x38;
	[tilespmem:$0x1C800] =	vst v63  }
0x21: {  	_ =	swait.ge [sflag:s23], $0x4000  }
0x22: {  	[sflag:s23] =	ssyncset.done $0x0  }
0x23: {  	s7 =	sadd.s32 s0, s16;
	[sflag:s23] =	ssyncadd.s32 $0xFFFFC000  }
0x24: {  	[hbm4b:s7+s3] =	stream.linear.scatter [tilespmem:s25], [sflag:$0x2], $0x4000, $0x38;
	[tilespmem:$0x1C800] =	vst v63  }
0x25: {  	_ =	swait.ge [sflag:s23], $0x4000  }
0x26: {  	[sflag:s23] =	ssyncset.done $0x0  }
0x27: {  	[sflag:s23] =	ssyncadd.s32 $0xFFFFC000  }
0x28: {  	[tilespmem:s25], [sflag:$0x2] =	stream.linear.gather [spmem:s17], $0x4000, $0x38;
	[tilespmem:$0x1C800] =	vst v63  }
0x29: {  	_ =	swait.ge [sflag:s23], $0x4000  }
0x2a: {  	[sflag:s23] =	ssyncset.done $0x0  }
0x2b: {  	s30 =	sadd.s32 s0, s18;
	[sflag:s23] =	ssyncadd.s32 $0xFFFFC000  }
0x2c: {  	[hbm4b:s30+s3] =	stream.linear.scatter [tilespmem:s25], [sflag:$0x2], $0x4000, $0x38;
	[tilespmem:$0x1C800] =	vst v63  }
0x2d: {  	_ =	swait.ge [sflag:s23], $0x4000  }
0x2e: {  	[sflag:s23] =	ssyncset.done $0x0  }
0x2f: {  	[sflag:s23] =	ssyncadd.s32 $0xFFFFC000  }
0x30: {  	[tilespmem:s25], [sflag:$0x2] =	stream.linear.gather [spmem:s19], $0x4000, $0x38;
	[tilespmem:$0x1C800] =	vst v63  }
0x31: {  	s29 =	sadd.s32 $0x1, s29;
	_ =	swait.ge [sflag:s23], $0x4000  }
0x32: {  	p1 =	sne.s32 s29, s21;
	[sflag:s23] =	ssyncset.done $0x0  }
.Ltmp1:
0x33: {  	s31 =	sadd.s32 s0, s20;
	[sflag:s23] =	ssyncadd.s32 $0xFFFFC000;
	(pc) =	sbr.rel @!p1 .LBB2_9-.Ltmp1, $4  }
0x34: {  	[hbm4b:s31+s3] =	stream.linear.scatter [tilespmem:s25], [sflag:$0x2], $0x4000, $0x38;
	[tilespmem:$0x1C800] =	vst v63  }
0x35: {  	_ =	swait.ge [sflag:s23], $0x4000  }
0x36: {  	[sflag:s23] =	ssyncset.done $0x0  }
0x37: {  	[sflag:s23] =	ssyncadd.s32 $0xFFFFC000  }
.LBB2_1:
0x38: {  	[spmem:s22], [sflag:s11] =	dma.local [hbm:s10], $0x2000  }
0x39: {  	_ =	swait.ge [sflag:s23], $0x2000  }
0x3a: {  	[sflag:s23] =	ssyncset.done $0x0  }
.Ltmp2:
0x3b: {  	[sflag:s23] =	ssyncadd.s32 $0xFFFFE000;
	(pc) =	sbr.rel @p0 .LBB2_5-.Ltmp2, $4  }
0x3c: {  	[tilespmem:s24], [sflag:$0x2] =	stream.linear.gather [hbm4b:s12+s3], $0x4800, $0x38;
	[tilespmem:$0x1C800] =	vst v63  }
0x3d: {  	_ =	swait.ge [sflag:s23], $0x4800  }
0x3e: {  	[sflag:s23] =	ssyncset.done $0x0  }
0x3f: {  	[sflag:s23] =	ssyncadd.s32 $0xFFFFB800  }
0x40: {  	[bflag:$0x0] =	sbarrier.arrive $0xFFFF;
	s0 =	simm.s32 $0x1  }
0x41: {  	[tilespmem:s25], [sflag:$0x1] =	stream.linear.gather [hbm4b:s13+s3], $0x4000, $0x38;
	[tilespmem:$0x1C800] =	vst v63  }
0x42: {  	s5 =	simm.s32 $0x10000;
	s1 =	smin.u32 s0, $0x8F  }
0x43: {  	s30 =	simm.s32 $0x0;
	_ =	swait.ge [sflag:s0], $0x4000;
	s1 =	sshll.u32 s1, $0xE  }
0x44: {  	s7 =	sand.u32 $0x10000, s5;
	[sflag:s0] =	ssyncset.done $0x0;
	s6 =	sadd.s32 s14, s1  }
0x45: {  	s1 =	sshrl.u32 s7, $0x2;
	[sflag:s0] =	ssyncadd.s32 $0xFFFFC000;
	s0 =	sshrl.u32 s6, $0x3  }
0x46: {  	s30 =	sand.u32 $0x10000, s30;
	s1 =	sadd.s32 $0x14800, s1;
	s0 =	sadd.s32 s4, s0  }
0x47: {  	[tilespmem:s1], [sflag:$0x1] =	stream.linear.gather [hbm4b:s0+s3], $0x4000, $0x38;
	[tilespmem:$0x1C800] =	vst v63  }
0x48: {  	s1 =	sshrl.u32 s30, $0x2  }
0x49: {  	s0 =	sadd.s32 $0x14800, s1  }
0x4a: {  	[spmem:s2] =	stream.indirect.scatter.add.f32 [tilespmem:s0], [sflag:$0x2], $0x80, s5, s26, $0xb8;
	[tilespmem:$0x1C800] =	vst v63  }
0x4b: {  	s6 =	simm.s32 $0x2;
	_ =	swait.ge [sflag:s23], $0x4000  }
0x4c: {  	s31 =	simm.s32 $0x3;
	s7 =	smin.u32 s6, $0x8F;
	[sflag:s23] =	ssyncset.done $0x0  }
0x4d: {  	s30 =	simm.s32 $0x10080;
	s1 =	simm.s32 $0x10000;
	[sflag:s23] =	ssyncadd.s32 $0xFFFFC000  }
0x4e: {  	s0 =	simm.s32 $0x20000;
	s5 =	sshll.u32 s7, $0xE;
	_ =	swait.ge [sflag:s28], $0x4000  }
.LBB2_3:
0x4f: {  	s5 =	sadd.s32 s14, s5  }
0x50: {  	s6 =	sand.u32 $0x10000, s0;
	[sflag:s28] =	ssyncset.done $0x0;
	s7 =	smov.u32 s31  }
0x51: {  	s6 =	sshrl.u32 s6, $0x2;
	s5 =	sshrl.u32 s5, $0x3;
	[sflag:s28] =	ssyncadd.s32 $0xFFFFC000  }
0x52: {  	s1 =	sand.u32 $0x10000, s1;
	s6 =	sadd.s32 $0x14800, s6;
	s5 =	sadd.s32 s4, s5  }
0x53: {  	[tilespmem:s6], [sflag:$0x1] =	stream.linear.gather [hbm4b:s5+s3], $0x4000, $0x38;
	[tilespmem:$0x1C800] =	vst v63  }
0x54: {  	p1 =	seq.s32 s31, $0x90;
	s31 =	sadd.s32 $0x1, s31;
	s1 =	sshrl.u32 s1, $0x2  }
0x55: {  	s1 =	sadd.s32 $0x14800, s1  }
0x56: {  	[spmem:s2] =	stream.indirect.scatter.add.f32 [tilespmem:s1], [sflag:$0x2], $0x80, s30, s26, $0xb8;
	[tilespmem:$0x1C800] =	vst v63  }
.Ltmp3:
0x57: {  	_ = 	snop;
	(pc) =	sbr.rel @!p1 .LBB2_3-.Ltmp3, $4  }
0x58: {  	_ =	swait.ge [sflag:s23], $0x4000  }
0x59: {  	s30 =	sadd.s32 $0x80, s30;
	[sflag:s23] =	ssyncset.done $0x0  }
0x5a: {  	s0 =	sadd.s32 $0x10000, s0;
	s1 =	smin.u32 s7, $0x8F;
	[sflag:s23] =	ssyncadd.s32 $0xFFFFC000  }
0x5b: {  	s5 =	sshll.u32 s1, $0xE;
	s1 =	sadd.s32 $0xFFFF0000, s0;
	_ =	swait.ge [sflag:s28], $0x4000  }
0x5c: {  	s5 =	sadd.s32 s14, s5  }
0x5d: {  	s0 =	sand.u32 $0x10000, s0;
	[sflag:s28] =	ssyncset.done $0x0;
	s1 =	sand.u32 $0x10000, s1  }
0x5e: {  	s0 =	sshrl.u32 s0, $0x2;
	s5 =	sshrl.u32 s5, $0x3;
	[sflag:s28] =	ssyncadd.s32 $0xFFFFC000  }
0x5f: {  	s31 =	sshrl.u32 s1, $0x2;
	s0 =	sadd.s32 $0x14800, s0;
	s5 =	sadd.s32 s4, s5  }
0x60: {  	[tilespmem:s0], [sflag:$0x1] =	stream.linear.gather [hbm4b:s5+s3], $0x4000, $0x38;
	[tilespmem:$0x1C800] =	vst v63  }
0x61: {  	s0 =	sadd.s32 $0x14800, s31  }
0x62: {  	[spmem:s2] =	stream.indirect.scatter.add.f32 [tilespmem:s0], [sflag:$0x2], $0x80, s30, s26, $0xb8;
	[tilespmem:$0x1C800] =	vst v63  }
0x63: {  	_ =	swait.ge [sflag:s23], $0x4000  }
.Ltmp4:
0x64: {  	[sflag:s23] =	ssyncset.done $0x0;
	(pc) =	sbr.rel .LBB2_8-.Ltmp4, $4  }
0x65: {  	[sflag:s23] =	ssyncadd.s32 $0xFFFFC000  }
0x66: {  	_ =	swait.ge [sflag:s28], $0x4000  }
0x67: {  	[sflag:s28] =	ssyncset.done $0x0  }
0x68: {  	s0 =	rddreg [dreg:$0x5];
	[sflag:s28] =	ssyncadd.s32 $0xFFFFC000  }
.LBB2_5:
0x69: {  	s0 =	simm.s32 $0x0;
	s1 =	rddreg [dreg:$0x4]  }
0x6a: {  	[tilespmem:s25], [sflag:$0x2] =	stream.linear.gather [hbm4b:s1+s0], $0x4000, $0x38;
	[tilespmem:$0x1C800] =	vst v63  }
0x6b: {  	_ =	swait.ge [sflag:s23], $0x4000  }
0x6c: {  	[sflag:s23] =	ssyncset.done $0x0  }
0x6d: {  	[sflag:s23] =	ssyncadd.s32 $0xFFFFC000  }
0x6e: {  	s31 =	simm.s32 $0x10000;
	[bflag:$0x0] =	sbarrier.arrive $0xFFFF  }
0x6f: {  	[spmem:s2] =	stream.indirect.scatter.add.f32 [tilespmem:s25], [sflag:$0x2], $0x80, s31, s26, $0xb8;
	[tilespmem:$0x1C800] =	vst v63  }
0x70: {  	s0 =	simm.s32 $0x200;
	_ =	swait.ge [sflag:s23], $0x4000  }
.LBB2_6:
0x71: {  	s1 =	sshra.s32 s0, $0x2;
	[sflag:s23] =	ssyncset.done $0x0;
	p1 =	sne.s32 s0, $0x11E00  }
.Ltmp5:
0x72: {  	s1 =	sadd.s32 $0x10000, s1;
	[sflag:s23] =	ssyncadd.s32 $0xFFFFC000;
	(pc) =	sbr.rel @p1 .LBB2_6-.Ltmp5, $3  }
0x73: {  	[spmem:s2] =	stream.indirect.scatter.add.f32 [tilespmem:s25], [sflag:$0x2], $0x80, s1, s26, $0xb8;
	[tilespmem:$0x1C800] =	vst v63  }
0x74: {  	s0 =	sadd.s32 $0x200, s0;
	_ =	sdelay $0x1  }
0x75: {  	_ =	swait.ge [sflag:s23], $0x4000  }
.Ltmp6:
0x76: {  	_ = 	snop;
	(pc) =	sbr.rel .LBB2_7-.Ltmp6, $1  }
0x77: {  	_ =	sdelay $0x3  }
.LBB2_9:
0x78: {  	_ =	sfence.sel $0x180000  }
0x79: {  	[bflag:$0x0] =	sbarrier.arrive $0xFFFF  }
0x7a: {  	_ =	strace $0x9000004D  }
0x7b: {  	s0 =	stileid.u32;
	[bflag:$0x2] =	sbarrier.arrive $0xFFFF  }
0x7c: {  	p0 =	sne.s32 s0, $0x0;
	s0 =	rddreg [dreg:$0x3]  }
0x7d: {  	s0 =	sadd.s32 @!p0 $0x100000, s0  }
0x7e: {  	[sflag:s0] =	ssyncadd.tile.s32 @!p0 $0x1;
	_ =	shalt  }
.Lfunc_end2:
_tile_overlayer_lowered:
.L_overlay_start_2:
0x7f: {  	(tag) =	ssettag $0x2  }
0x80: {  	s0 =	rddreg [dreg:$0x0];
	s2 =	stileid.u32  }
0x81: {  	s1 =	rddreg [dreg:$0x1];
	p0 =	sne.s32 s2, $0x0  }
0x82: {  	s3 =	rddreg [dreg:$0x2];
	[bflag:$0x3] =	sbarrier.arrive $0xFFFF;
	s2 =	simm.s32 @!p0 $0x1C02  }
0x83: {  	[timem:s3], [sflag:s2] =	dma.local @!p0 [hbm:s0], s1  }
0x84: {  	s0 =	simm.s32 @!p0 $0x2  }
0x85: {  	_ =	swait.ge @!p0 [sflag:s0], s1  }
0x86: {  	s1 =	ssub.s32 @!p0 $0x0, s1;
	[sflag:s0] =	ssyncset.done @!p0 $0x0  }
0x87: {  	[sflag:s0] =	ssyncadd.s32 @!p0 s1  }
0x88: {  	[bflag:$0x3] =	sbarrier.arrive $0xFFFF  }
0x89: {  	_ =	shalt  }

// kernel: kernel.9.cloned.1.call-start
scs
__scs_entry_jumppad:
0x0: {  	(pc) =	sbr.rel $0x88, $3  }
0x1: {  	(tag) =	ssettag $0x0;
	lr =	simm.s32 $0x1  }
0x2: {  	[smem:$0x3F7E] =	sst lr;
	_ =	strace $0xD0000000  }
0x3: {  	_ = 	snop  }
0x4: {  	_ = 	snop  }
0x5: {  	_ = 	snop  }
0x6: {  	_ = 	snop  }
0x7: {  	_ = 	snop  }
__scs_overlays_trampoline_lowered:
0x8: {  	[smem:$0x3F8D] =	sst s0  }
0x9: {  	[smem:$0x3F8E] =	sst s1  }
0xa: {  	[smem:$0x3F8F] =	sst s2  }
0xb: {  	[smem:$0x3F90] =	sst s3  }
0xc: {  	[smem:$0x3F91] =	sst s4  }
0xd: {  	[smem:$0x3F92] =	sst s5  }
0xe: {  	[smem:$0x3F93] =	sst s6  }
0xf: {  	[smem:$0x3F94] =	sst s7  }
0x10: {  	[smem:$0x3F95] =	sst s8  }
0x11: {  	[smem:$0x3F96] =	sst s9;
	s0 =	simm.s32 @!p0 $0x0  }
0x12: {  	s1 =	sld [smem:$0x3F7C];
	s0 =	simm.s32 @p0 $0x1  }
0x13: {  	[smem:$0x3F97] =	sst s0;
	s0 =	simm.s32 @!p1 $0x0  }
0x14: {  	s2 =	sld [smem:$0x3F7B];
	s0 =	simm.s32 @p1 $0x1  }
0x15: {  	[smem:$0x3F98] =	sst s0;
	s0 =	simm.s32 @!p2 $0x0  }
0x16: {  	s3 =	sld [smem:$0x3FDB];
	s0 =	simm.s32 @p2 $0x1  }
0x17: {  	s4 =	simm.s32 $0x1BF5;
	[smem:$0x3F9A] =	sst s0  }
0x18: {  	s0 =	sld [smem:$0x3F7D];
	_ =	swait.ge [sflag:s4], $0x0  }
0x19: {  	s7 =	sld [smem:$0x3F7E]  }
0x1a: {  	s8 =	sadd.s32 $0xFFFFE003, lr  }
0x1b: {  	s9 =	sadd.s32 $0xFFFFFEF7, lr;
	s5 =	simm.s32 $0xFFFFFFFF;
	p2 =	slt.u32 s8, $0xFFFFF086  }
0x1c: {  	p1 =	slt.u32 s9, $0xF7A;
	s5 =	simm.s32 @!p2 $0x0  }
0x1d: {  	s5 =	simm.s32 @p1 $0x1;
	p0 =	seq.s32 s7, s2  }
0x1e: {  	s7 =	smul.u32 @!p0 $0xF7A, s2;
	p2 =	seq.s32 @!p0 s5, $0x0  }
0x1f: {  	s9 =	smul.u32 $0xF7A, s1;
	s8 =	simm.s32 @!p0 $0x1BF5;
	p2 =	por !p2, p0  }
0x20: {  	[sflag:s8] =	ssyncset.s32 @!p0 $0xFFFFF086;
	s6 =	sadd.s32 @!p0 s3, s7;
	s7 =	simm.s32 @!p0 $0x108  }
0x21: {  	s3 =	sadd.s32 s3, s9;
	s6 =	sadd.s32 @!p0 $0x88, s6;
	s7 =	simm.s32 @p2 $0x1082  }
0x22: {  	[simem:s7], [sflag:s8] =	dma.local @!p0 [hbm:s6], $0xF7A  }
0x23: {  	s9 =	sor.u32 $0xD0000000, s2;
	s6 =	simm.s32 $0x108;
	_ =	swait.ge @!p0 [sflag:s8], $0x0  }
0x24: {  	s3 =	sadd.s32 $0x88, s3;
	s6 =	simm.s32 @!p1 $0x1082;
	[sflag:s4] =	ssyncset.s32 $0xFFFFF086  }
0x25: {  	[simem:s6], [sflag:s4] =	dma.local [hbm:s3], $0xF7A  }
0x26: {  	[smem:$0x3F7E] =	sst s1;
	(tag) =	ssettag s2;
	_ =	strace s9  }
0x27: {  	s1 =	sld [smem:$0x3F8E]  }
0x28: {  	s2 =	sld [smem:$0x3F8F]  }
0x29: {  	s4 =	sld [smem:$0x3F91]  }
0x2a: {  	p0 =	seq.s32 s5, $0x0;
	s5 =	sld [smem:$0x3F92]  }
0x2b: {  	s6 =	sld [smem:$0x3F93]  }
0x2c: {  	s7 =	sld [smem:$0x3F94]  }
0x2d: {  	s3 =	simm.s32 $0x108;
	s8 =	sld [smem:$0x3F95]  }
0x2e: {  	s3 =	simm.s32 @!p0 $0x1082;
	s9 =	sld [smem:$0x3F96]  }
0x2f: {  	lr =	sadd.s32 s0, s3;
	s0 =	sld [smem:$0x3F8D]  }
0x30: {  	s3 =	sld [smem:$0x3F90]  }
0x31: {  	[smem:$0x3F99] =	sst s10  }
0x32: {  	s10 =	sld [smem:$0x3F97];
	_ =	sdelay $0x3  }
0x33: {  	p0 =	seq.s32 s10, $0x1;
	s10 =	sld [smem:$0x3F99];
	_ =	sdelay $0x3  }
0x34: {  	[smem:$0x3F99] =	sst s10  }
0x35: {  	s10 =	sld [smem:$0x3F98];
	_ =	sdelay $0x3  }
0x36: {  	p1 =	seq.s32 s10, $0x1;
	s10 =	sld [smem:$0x3F99];
	_ =	sdelay $0x3  }
0x37: {  	[smem:$0x3F99] =	sst s10  }
0x38: {  	s10 =	sld [smem:$0x3F9A]  }
0x39: {  	_ = 	snop;
	(pc) =	sbr.ind lr, $3  }
0x3a: {  	_ = 	snop  }
0x3b: {  	_ = 	snop  }
0x3c: {  	p2 =	seq.s32 s10, $0x1;
	s10 =	sld [smem:$0x3F99]  }
0x3d: {  	_ =	shalt  }
0x3e: {  	_ =	shalt  }
0x3f: {  	_ =	shalt  }
0x40: {  	_ =	shalt  }
0x41: {  	_ =	shalt  }
0x42: {  	_ =	shalt  }
0x43: {  	_ =	shalt  }
0x44: {  	_ =	shalt  }
0x45: {  	_ =	shalt  }
0x46: {  	_ =	shalt  }
0x47: {  	_ =	shalt  }
0x48: {  	_ =	shalt  }
0x49: {  	_ =	shalt  }
0x4a: {  	_ =	shalt  }
0x4b: {  	_ =	shalt  }
0x4c: {  	_ =	shalt  }
0x4d: {  	_ =	shalt  }
0x4e: {  	_ =	shalt  }
0x4f: {  	_ =	shalt  }
0x50: {  	_ =	shalt  }
0x51: {  	_ =	shalt  }
0x52: {  	_ =	shalt  }
0x53: {  	_ =	shalt  }
0x54: {  	_ =	shalt  }
0x55: {  	_ =	shalt  }
0x56: {  	_ =	shalt  }
0x57: {  	_ =	shalt  }
0x58: {  	_ =	shalt  }
0x59: {  	_ =	shalt  }
0x5a: {  	_ =	shalt  }
0x5b: {  	_ =	shalt  }
0x5c: {  	_ =	shalt  }
0x5d: {  	_ =	shalt  }
0x5e: {  	_ =	shalt  }
0x5f: {  	_ =	shalt  }
0x60: {  	_ =	shalt  }
0x61: {  	_ =	shalt  }
0x62: {  	_ =	shalt  }
0x63: {  	_ =	shalt  }
0x64: {  	_ =	shalt  }
0x65: {  	_ =	shalt  }
0x66: {  	_ =	shalt  }
0x67: {  	_ =	shalt  }
0x68: {  	_ =	shalt  }
0x69: {  	_ =	shalt  }
0x6a: {  	_ =	shalt  }
0x6b: {  	_ =	shalt  }
0x6c: {  	_ =	shalt  }
0x6d: {  	_ =	shalt  }
0x6e: {  	_ =	shalt  }
0x6f: {  	_ =	shalt  }
0x70: {  	_ =	shalt  }
0x71: {  	_ =	shalt  }
0x72: {  	_ =	shalt  }
0x73: {  	_ =	shalt  }
0x74: {  	_ =	shalt  }
0x75: {  	_ =	shalt  }
0x76: {  	_ =	shalt  }
0x77: {  	_ =	shalt  }
0x78: {  	_ =	shalt  }
0x79: {  	_ =	shalt  }
0x7a: {  	_ =	shalt  }
0x7b: {  	_ =	shalt  }
0x7c: {  	_ =	shalt  }
0x7d: {  	_ =	shalt  }
0x7e: {  	_ =	shalt  }
0x7f: {  	_ =	shalt  }
0x80: {  	_ =	shalt  }
0x81: {  	_ =	shalt  }
0x82: {  	_ =	shalt  }
0x83: {  	_ =	shalt  }
0x84: {  	_ =	shalt  }
0x85: {  	_ =	shalt  }
0x86: {  	_ =	shalt  }
0x87: {  	_ =	shalt  }
.Lfunc_end0:
.L_simem_size_0:
called_computation_lowered:
.L_overlay_start_0:
0x88: {  	s2 =	sld [smem:$0x3FD9]  }
0x89: {  	s3 =	sld [smem:$0x3FFE];
	_ =	sdelay $0x1  }
0x8a: {  	s1 =	srdreg.scid  }
0x8b: {  	s0 =	sand.u32 $0x1, s1  }
0x8c: {  	s14 =	sshll.u32 s0, $0xA;
	s2 =	sadd.s32 s3, s2  }
0x8d: {  	s2 =	sadd.s32 s2, s14  }
0x8e: {  	[smem:$0x3FA5] =	sst s2  }
0x8f: {  	_ = 	snop  }
0x90: {  	s2 =	sld [smem:$0x3FD0];
	_ =	sdelay $0x2  }
0x91: {  	s15 =	simm.s32 $0xA;
	s4 =	simm.s32 $0x10  }
0x92: {  	[smem:s4], [sflag:s15] =	dma.local [hbm:s2], $0x1  }
0x93: {  	_ =	swait.eq [sflag:s15], $0x1  }
0x94: {  	[sflag:s15] =	ssyncset.done $0x0  }
0x95: {  	[sflag:s15] =	ssyncadd.s32 $0xFFFFFFFF  }
0x96: {  	s16 =	sld [smem:$0x11];
	(tm) =	ssettm $0x1  }
0x97: {  	s17 =	sld [smem:$0x3FFB];
	_ =	sdelay $0x3  }
0x98: {  	_ =	strace s17  }
0x99: {  	s3 =	sld [smem:$0x3FFC];
	_ =	sdelay $0x3  }
0x9a: {  	_ =	strace s3  }
0x9b: {  	s3 =	sld [smem:$0x3FFD];
	_ =	sdelay $0x3  }
0x9c: {  	_ =	strace s3  }
0x9d: {  	_ =	strace $0x8FFFFFFF  }
0x9e: {  	s18 =	sld [smem:$0x3FDB];
	_ =	sdelay $0x1  }
0x9f: {  	s19 =	simm.s32 $_scs_section_size  }
0xa0: {  	s5 =	simm.s32 $_size__tile_overlayer_lowered;
	s6 =	simm.s32 $_tile_overlayer_lowered  }
0xa1: {  	s22 =	simm.s32 $0x1BFF;
	s21 =	sshll.u32 s6, $0x1;
	s3 =	sadd.s32 s19, s18  }
0xa2: {  	s7 =	simm.s32 $0x0;
	s20 =	sshll.u32 s5, $0x1;
	s5 =	sadd.s32 s21, s3  }
0xa3: {  	[timem:s7], [sflag:s22] =	dma.local [hbm:s5], s20  }
0xa4: {  	_ =	swait.ge [sflag:s22], s20  }
0xa5: {  	s4 =	ssub.s32 $0x0, s20;
	[sflag:s22] =	ssyncset.done $0x0  }
0xa6: {  	[sflag:s22] =	ssyncadd.s32 s4;
	_ =	sdelay $0x1  }
0xa7: {  	s23 =	simm.s32 $0x1B8B  }
0xa8: {  	_ =	swait.ge [sflag:s23], $0x1  }
0xa9: {  	[sflag:s23] =	ssyncset.done $0x0  }
0xaa: {  	s25 =	simm.s32 $0x1B8E;
	s24 =	sld [smem:$0x3FFE];
	[sflag:s23] =	ssyncadd.s32 $0xFFFFFFFF  }
0xab: {  	s26 =	simm.s32 $execute0_lowered;
	[smem:$0x3FD2] =	sst s25  }
0xac: {  	s5 =	sshll.u32 s26, $0x1;
	_ =	strace $0x80000046;
	[dreg:$0x1] =	wrdreg $0xFFFFFFFF  }
0xad: {  	s28 =	simm.s32 $_size_execute0_lowered;
	s3 =	sadd.s32 s3, s5;
	[dreg:$0x0] =	wrdreg $0x0  }
0xae: {  	s5 =	sshll.u32 s28, $0x1;
	[dreg:$0x2] =	wrdreg s3  }
0xaf: {  	[dreg:$0x3] =	wrdreg s5  }
0xb0: {  	[dreg:$0x4] =	wrdreg $0xC0  }
0xb1: {  	_ =	task [dreg:s7], $0x5FFFF  }
0xb2: {  	[dreg:$0x1] =	wrdreg $0xFFFFFFFF  }
0xb3: {  	[dreg:$0x0] =	wrdreg $0x60  }
0xb4: {  	[dreg:$0x2] =	wrdreg s24  }
0xb5: {  	[dreg:$0x3] =	wrdreg s16  }
0xb6: {  	[dreg:$0x4] =	wrdreg $0x9  }
0xb7: {  	_ =	task.clear_ibuf [dreg:s7], $0x5FFFF;
	_ =	strace $0x90000046  }
0xb8: {  	s29 =	simm.s32 $0x9;
	_ =	strace $0x80000048  }
0xb9: {  	_ =	swait.ge [sflag:s29], $0x1  }
0xba: {  	[sflag:s29] =	ssyncadd.s32 $0xFFFFFFFF  }
0xbb: {  	_ =	strace $0x90000048  }
0xbc: {  	_ =	sfence  }
0xbd: {  	s30 =	sld [smem:$0x0];
	_ =	sdelay $0x2  }
0xbe: {  	s31 =	sshll.u32 s1, $0xD;
	s1 =	sshrl.u32 s1, $0x2  }
0xbf: {  	s3 =	sand.u32 $0x4000, s31;
	s1 =	sadd.s32 s1, s30  }
0xc0: {  	s0 =	sor.u32 s3, s0;
	s1 =	sshll.u32 s1, $0x11  }
0xc1: {  	s0 =	sor.u32 s1, s0  }
0xc2: {  	s0 =	sadd.s32 $0x8F2B, s0  }
0xc3: {  	[sflag:s0] =	ssyncadd.remote.s32 $0x1  }
0xc4: {  	_ =	sfence.sel $0xFFFF  }
0xc5: {  	[dreg:$0x0] =	wrdreg $0xFFFFFFFF;
	(pc) =	sbr.abs _section_cstart, $3  }
0xc6: {  	[dreg:$0x1] =	wrdreg $0xFFFFFFFF  }
0xc7: {  	_ =	task.clear_ibuf [dreg:s7], $0x2FFFF;
	_ =	strace $0x9FFFFFFF  }
0xc8: {  	(tm) =	ssettm $0x7FFFFFFF  }
0xc9: {  	_ =	shalt  }
tec
execute0_lowered:
.L_overlay_start_1:
0x0: {  	(tag) =	ssettag $0x1  }
0x1: {  	s4 =	rddreg [dreg:$0x0]  }
0x2: {  	s6 =	rddreg [dreg:$0x1]  }
0x3: {  	s0 =	rddreg [dreg:$0x2]  }
0x4: {  	s2 =	simm.s32 $0x0;
	s3 =	srdreg.scid;
	s1 =	stileid.u32  }
0x5: {  	s11 =	simm.s32 $0x1;
	s12 =	simm.s32 $0x0;
	s3 =	sand.u32 $0x1, s3  }
0x6: {  	s5 =	sshll.u32 s1, $0x1;
	s7 =	smul.u32 $0x240000, s1;
	[smem:$0x7FF] =	sst s2  }
0x7: {  	s5 =	sor.u32 s3, s5;
	s8 =	smul.u32 $0x120000, s3;
	s9 =	ssub.s32 $0x2, s3  }
0x8: {  	_ =	strace $0x80000047;
	s3 =	sadd.s32 $0x12A00, s4;
	s10 =	sshrl.u32 s9, $0x1  }
0x9: {  	s5 =	smul.u32 $0x480, s5;
	s7 =	sadd.s32 s8, s7;
	s31 =	ssub.s32 s9, s10  }
0xa: {  	s8 =	simm.s32 $0x80;
	s9 =	simm.s32 $0x2400;
	s10 =	simm.s32 $0x2  }
0xb: {  	s4 =	sadd.s32 s5, s4;
	s7 =	sshrl.u32 s7, $0x3;
	s5 =	smax.u32 s31, $0x1  }
0xc: {  	s4 =	sadd.s32 $0x7A00, s4;
	s6 =	sadd.s32 s7, s6;
	s7 =	simm.s32 $0x3  }
.LBB2_1:
0xd: {  	[tilespmem:s2], [sflag:$0x3] =	stream.linear.gather [hbm4b:s4+s2], $0x2400, $0x38;
	[tilespmem:$0xA400] =	vst v63  }
0xe: {  	_ =	swait.ge [sflag:s7], $0x2400  }
0xf: {  	s13 =	simm.s32 $0x10000;
	[sflag:s7] =	ssyncset.done $0x0  }
0x10: {  	s14 =	simm.s32 $0x0;
	s15 =	smin.u32 s11, $0x47;
	[sflag:s7] =	ssyncadd.s32 $0xFFFFDC00  }
0x11: {  	[tilespmem:s9], [sflag:$0x1] =	stream.indirect.gather [hbm4b:s3+s8], $0x80, s2, s8, $0xb8;
	[tilespmem:$0xA400] =	vst v63  }
0x12: {  	s13 =	sand.u32 $0x10000, s13;
	s14 =	sand.u32 $0x10000, s14;
	_ =	swait.ge [sflag:s11], $0x4000  }
0x13: {  	s15 =	sshll.u32 s15, $0x7;
	s13 =	sshrl.u32 s13, $0x2;
	[sflag:s11] =	ssyncset.done $0x0  }
0x14: {  	s14 =	sshrl.u32 s14, $0x2;
	s13 =	sor.u32 $0x2400, s13;
	[sflag:s11] =	ssyncadd.s32 $0xFFFFC000  }
0x15: {  	[tilespmem:s13], [sflag:$0x1] =	stream.indirect.gather [hbm4b:s3+s8], $0x80, s15, s8, $0xb8;
	[tilespmem:$0xA400] =	vst v63  }
0x16: {  	s31 =	sor.u32 $0x2400, s14  }
0x17: {  	[hbm4b:s6+s2] =	stream.linear.scatter [tilespmem:s31], [sflag:$0x2], $0x4000, $0x38;
	[tilespmem:$0xA400] =	vst v63  }
0x18: {  	_ =	swait.ge [sflag:s10], $0x4000  }
0x19: {  	s16 =	simm.s32 $0x2;
	s14 =	simm.s32 $0x20000;
	[sflag:s10] =	ssyncset.done $0x0  }
0x1a: {  	s16 =	smin.u32 s16, $0x47;
	s17 =	sand.u32 $0x10000, s14;
	[sflag:s10] =	ssyncadd.s32 $0xFFFFC000  }
0x1b: {  	s15 =	simm.s32 $0x3;
	s13 =	sadd.s32 $0x800, s6;
	_ =	swait.ge [sflag:s11], $0x4000  }
.LBB2_2:
0x1c: {  	s17 =	sshrl.u32 s17, $0x2  }
0x1d: {  	s18 =	sadd.s32 $0xFFFF0000, s14;
	[sflag:s11] =	ssyncset.done $0x0;
	s19 =	smov.u32 s15  }
0x1e: {  	s16 =	sshll.u32 s16, $0x7;
	s17 =	sor.u32 $0x2400, s17;
	s18 =	sand.u32 $0x10000, s18  }
0x1f: {  	s20 =	sadd.s32 $0x1, s15;
	s18 =	sshrl.u32 s18, $0x2;
	[sflag:s11] =	ssyncadd.s32 $0xFFFFC000  }
0x20: {  	[tilespmem:s17], [sflag:$0x1] =	stream.indirect.gather [hbm4b:s3+s8], $0x80, s16, s8, $0xb8;
	[tilespmem:$0xA400] =	vst v63  }
0x21: {  	p0 =	sne.s32 s15, $0x48;
	s15 =	sor.u32 $0x2400, s18  }
0x22: {  	[hbm4b:s13+s2] =	stream.linear.scatter [tilespmem:s15], [sflag:$0x2], $0x4000, $0x38;
	[tilespmem:$0xA400] =	vst v63  }
.Ltmp0:
0x23: {  	_ = 	snop;
	(pc) =	sbr.rel @p0 .LBB2_2-.Ltmp0, $4  }
0x24: {  	_ =	swait.ge [sflag:s10], $0x4000  }
0x25: {  	s14 =	sadd.s32 $0x10000, s14;
	[sflag:s10] =	ssyncset.done $0x0  }
0x26: {  	s16 =	smin.u32 s19, $0x47;
	s13 =	sadd.s32 $0x800, s13;
	[sflag:s10] =	ssyncadd.s32 $0xFFFFC000  }
0x27: {  	s17 =	sand.u32 $0x10000, s14;
	s15 =	smov.u32 s20;
	_ =	swait.ge [sflag:s11], $0x4000  }
0x28: {  	s15 =	sshrl.u32 s17, $0x2;
	s14 =	sadd.s32 $0xFFFF0000, s14  }
0x29: {  	[sflag:s11] =	ssyncset.done $0x0;
	s16 =	sshll.u32 s16, $0x7;
	s14 =	sand.u32 $0x10000, s14  }
0x2a: {  	s15 =	sor.u32 $0x2400, s15;
	[sflag:s11] =	ssyncadd.s32 $0xFFFFC000;
	s14 =	sshrl.u32 s14, $0x2  }
0x2b: {  	[tilespmem:s15], [sflag:$0x1] =	stream.indirect.gather [hbm4b:s3+s8], $0x80, s16, s8, $0xb8;
	[tilespmem:$0xA400] =	vst v63  }
0x2c: {  	s12 =	sadd.s32 $0x1, s12;
	s14 =	sor.u32 $0x2400, s14  }
0x2d: {  	[hbm4b:s13+s2] =	stream.linear.scatter [tilespmem:s14], [sflag:$0x2], $0x4000, $0x38;
	[tilespmem:$0xA400] =	vst v63  }
0x2e: {  	p0 =	sne.s32 s12, s5;
	_ =	swait.ge [sflag:s10], $0x4000  }
.Ltmp1:
0x2f: {  	[sflag:s10] =	ssyncset.done $0x0;
	(pc) =	sbr.rel @p0 .LBB2_1-.Ltmp1, $4  }
0x30: {  	[sflag:s10] =	ssyncadd.s32 $0xFFFFC000  }
0x31: {  	_ =	swait.ge [sflag:s11], $0x4000  }
0x32: {  	[sflag:s11] =	ssyncset.done $0x0  }
0x33: {  	[sflag:s11] =	ssyncadd.s32 $0xFFFFC000  }
0x34: {  	_ =	sfence.sel $0x180000  }
0x35: {  	[bflag:$0x0] =	sbarrier.arrive $0xFFFF  }
0x36: {  	p0 =	sne.s32 s1, $0x0;
	_ =	strace $0x90000047  }
0x37: {  	s0 =	sadd.s32 @!p0 $0x100000, s0;
	[bflag:$0x2] =	sbarrier.arrive $0xFFFF  }
0x38: {  	[sflag:s0] =	ssyncadd.tile.s32 @!p0 $0x1;
	_ =	shalt  }
.Lfunc_end2:
_tile_overlayer_lowered:
.L_overlay_start_2:
0x39: {  	(tag) =	ssettag $0x2  }
0x3a: {  	s0 =	rddreg [dreg:$0x0];
	s2 =	stileid.u32  }
0x3b: {  	s1 =	rddreg [dreg:$0x1];
	p0 =	sne.s32 s2, $0x0  }
0x3c: {  	s3 =	rddreg [dreg:$0x2];
	[bflag:$0x3] =	sbarrier.arrive $0xFFFF;
	s2 =	simm.s32 @!p0 $0x1C03  }
0x3d: {  	[timem:s3], [sflag:s2] =	dma.local @!p0 [hbm:s0], s1  }
0x3e: {  	s0 =	simm.s32 @!p0 $0x3  }
0x3f: {  	_ =	swait.ge @!p0 [sflag:s0], s1  }
0x40: {  	s1 =	ssub.s32 @!p0 $0x0, s1;
	[sflag:s0] =	ssyncset.done @!p0 $0x0  }
0x41: {  	[sflag:s0] =	ssyncadd.s32 @!p0 s1  }
0x42: {  	[bflag:$0x3] =	sbarrier.arrive $0xFFFF  }
0x43: {  	_ =	shalt  }

</sc_bundles>
